<compile_context>
chip_gen: v7x
topology: tpu7x:2x2x1
jax: 0.10.2.dev20260603
libtpu: 0.0.44.dev20260713+nightly
codegen_flags: <defaults>
</compile_context>

<pallas_src>
import functools
import math

import jax
import jax.numpy as jnp
from jax import lax
from jax.experimental import pallas as pl
from jax.experimental.pallas import tpu as pltpu
from jax.experimental.pallas import tpu_sc as plsc

_BF = jnp.bfloat16
_F32 = jnp.float32


def _split(a):
    hi = a.astype(_BF)
    lo = (a - hi.astype(_F32)).astype(_BF)
    return hi, lo


def _dot3(ah, al, bh, bl, dims):
    d = lambda x, y: lax.dot_general(x, y, dims,
                                     preferred_element_type=_F32)
    return d(ah, bh) + d(ah, bl) + d(al, bh)


_DN_NT = (((1,), (1,)), ((), ()))
_DN_NN = (((1,), (0,)), ((), ()))


def _prep_body(wq, wk, wv, wo, bv, bo, mh_ref, ml_ref, wvo_ref, bvo_ref):
    qh, ql = _split(wq[...])
    kh, kl = _split(wk[...])
    m = _dot3(qh, ql, kh, kl, _DN_NT)
    mh_ref[...], ml_ref[...] = _split(m)
    wvo_ref[...] = jnp.dot(wv[...], wo[...],
                           preferred_element_type=_F32).astype(_BF)
    bvo_ref[...] = jnp.dot(bv[...], wo[...],
                           preferred_element_type=_F32) + bo[...]


def _prep(Wq, Wk, Wv, Wo, bv, bo):
    D = Wq.shape[0]
    fixed = lambda: (0, 0)
    return pl.pallas_call(
        _prep_body,
        in_specs=[pl.BlockSpec((D, D), fixed)] * 4
        + [pl.BlockSpec((1, D), fixed)] * 2,
        out_specs=[
            pl.BlockSpec((D, D), fixed),
            pl.BlockSpec((D, D), fixed),
            pl.BlockSpec((D, D), fixed),
            pl.BlockSpec((1, D), fixed),
        ],
        out_shape=[
            jax.ShapeDtypeStruct((D, D), _BF),
            jax.ShapeDtypeStruct((D, D), _BF),
            jax.ShapeDtypeStruct((D, D), _BF),
            jax.ShapeDtypeStruct((1, D), _F32),
        ],
    )(Wq, Wk, Wv, Wo, bv.reshape(1, D), bo.reshape(1, D))


def _proj_body(xq, xk, xv, mh, ml, wvo, bvo,
               qmh_out, qml_out, kh_out, kl_out, vp_out):
    qh, ql = _split(xq[...])
    qm = _dot3(qh, ql, mh[...], ml[...], _DN_NN)
    qmh_out[...], qml_out[...] = _split(qm)
    kh_out[...], kl_out[...] = _split(xk[...])
    vp = jnp.dot(xv[...].astype(_BF), wvo[...],
                 preferred_element_type=_F32) + bvo[...]
    vp_out[...] = vp.astype(_BF)


def _projections(xq, xk, xv, Mh, Ml, Wvo, bvo):
    Mrows, D = xq.shape
    TM = 512
    row = lambda i: (i, 0)
    fixed = lambda i: (0, 0)
    return pl.pallas_call(
        _proj_body,
        grid=(Mrows // TM,),
        in_specs=[
            pl.BlockSpec((TM, D), row),
            pl.BlockSpec((TM, D), row),
            pl.BlockSpec((TM, D), row),
            pl.BlockSpec((D, D), fixed),
            pl.BlockSpec((D, D), fixed),
            pl.BlockSpec((D, D), fixed),
            pl.BlockSpec((1, D), fixed),
        ],
        out_specs=[pl.BlockSpec((TM, D), row)] * 5,
        out_shape=[jax.ShapeDtypeStruct((Mrows, D), _BF)] * 5,
    )(xq, xk, xv, Mh, Ml, Wvo, bvo)


def _corr_body(qh_ref, ql_ref, kh_ref, kl_ref, mv_ref):
    L = qh_ref.shape[1]
    TJ = kh_ref.shape[1]
    j = pl.program_id(1)
    g = _dot3(qh_ref[0], ql_ref[0], kh_ref[0], kl_ref[0], _DN_NT)
    lane = lax.broadcasted_iota(jnp.int32, (L, TJ), 1)
    x = g
    nbits = int(math.log2(TJ))
    for kb in range(3, nbits):
        sh = 1 << kb
        x = jnp.where((lane & sh) != 0, jnp.roll(x, -sh, axis=0), x)
    ci = lax.broadcasted_iota(jnp.int32, (TJ, 8), 0)
    ri = lax.broadcasted_iota(jnp.int32, (TJ, 8), 1)
    P = (ci % 8 == ri).astype(_F32)
    s = jnp.dot(x, P, preferred_element_type=_F32)
    lane8 = lax.broadcasted_iota(jnp.int32, (L, 8), 1)
    for kb in range(3):
        sh = 1 << kb
        s = jnp.where((lane8 & sh) != 0, jnp.roll(s, -sh, axis=0), s)
    contrib = jnp.sum(s, axis=1, keepdims=True)
    shifted = pltpu.roll(contrib, L - j * TJ, axis=0)
    scaled = shifted * (1.0 / qh_ref.shape[2])

    @pl.when(j == 0)
    def _():
        mv_ref[0] = scaled

    @pl.when(j > 0)
    def _():
        mv_ref[0] += scaled


def _mean_corr(qh, ql, kh, kl):
    B, L, D = qh.shape
    TJ = 256
    grid = (B, L // TJ)
    mv = pl.pallas_call(
        _corr_body,
        grid=grid,
        in_specs=[
            pl.BlockSpec((1, L, D), lambda b, j: (b, 0, 0)),
            pl.BlockSpec((1, L, D), lambda b, j: (b, 0, 0)),
            pl.BlockSpec((1, TJ, D), lambda b, j: (b, j, 0)),
            pl.BlockSpec((1, TJ, D), lambda b, j: (b, j, 0)),
        ],
        out_specs=pl.BlockSpec((1, L, 1), lambda b, j: (b, 0, 0)),
        out_shape=jax.ShapeDtypeStruct((B, L, 1), _F32),
        compiler_params=pltpu.CompilerParams(
            dimension_semantics=("arbitrary", "arbitrary")),
    )(qh, ql, kh, kl)
    return mv.reshape(B, L)


_GDN = lax.GatherDimensionNumbers(
    offset_dims=(), collapsed_slice_dims=(0,), start_index_map=(0,))


def _lane_shuffle(x, idx):
    return lax.gather(x, idx[:, None], _GDN, slice_sizes=(1,),
                      mode=lax.GatherScatterMode.PROMISE_IN_BOUNDS)


def _all_lanes(x, op, lanes):
    for d in (1, 2, 4, 8):
        x = op(x, _lane_shuffle(x, lanes ^ d))
    return x


def _topk_sc_body(mv_hbm, idx_hbm, sw_hbm, mv_v, bm_v, idx_v, sw_v, *, topk):
    Bb, L = mv_hbm.shape
    c = lax.axis_index("c")
    s = lax.axis_index("s")

    @pl.when(jnp.logical_and(c == 0, s == 0))
    def _():
        pltpu.sync_copy(mv_hbm, mv_v)
        lanes = lax.iota(jnp.int32, 16)

        def bmloop(i, carry):
            acc = mv_v[0, pl.ds(i * 16, 16)]
            for b in range(1, Bb):
                acc = acc + mv_v[b, pl.ds(i * 16, 16)]
            bm_v[pl.ds(i * 16, 16)] = acc * (1.0 / Bb)
            return carry

        lax.fori_loop(0, L // 16, bmloop, 0)

        idx_acc = jnp.zeros((16,), jnp.int32)
        w_acc = [jnp.zeros((16,), _F32) for _ in range(Bb)]
        for p in range(topk):
            def scanmax(j, carry):
                m_val, m_idx = carry
                v = bm_v[pl.ds(j * 16, 16)]
                idxs = j * 16 + lanes
                upd = v > m_val
                return (jnp.where(upd, v, m_val), jnp.where(upd, idxs, m_idx))

            m_val, m_idx = lax.fori_loop(
                0, L // 16, scanmax,
                (jnp.full((16,), -jnp.inf, _F32),
                 jnp.zeros((16,), jnp.int32)))
            mxv = _all_lanes(m_val, jnp.maximum, lanes)
            cand = jnp.where(m_val == mxv, m_idx, jnp.int32(2**30))
            fidx = _all_lanes(cand, jnp.minimum, lanes)
            idx_acc = jnp.where(lanes == p, fidx, idx_acc)
            fidx_s = fidx[0]
            base = (fidx_s // 16) * 16
            hit = base + lanes == fidx_s
            ch = bm_v[pl.ds(base, 16)]
            bm_v[pl.ds(base, 16)] = jnp.where(
                hit, jnp.full((16,), -jnp.inf, _F32), ch)
            for b in range(Bb):
                row = mv_v[b, pl.ds(base, 16)]
                wv = _all_lanes(jnp.where(hit, row, 0.0), jnp.add, lanes)
                w_acc[b] = jnp.where(lanes == p, wv, w_acc[b])

        idx_v[...] = idx_acc
        msk = lanes < topk
        for b in range(Bb):
            wm = jnp.where(msk, w_acc[b], -jnp.inf)
            mxw = _all_lanes(wm, jnp.maximum, lanes)
            e = jnp.where(msk, jnp.exp(wm - mxw), 0.0)
            ssum = _all_lanes(e, jnp.add, lanes)
            sw_v[b, pl.ds(0, 16)] = e / ssum
        pltpu.sync_copy(idx_v, idx_hbm)
        pltpu.sync_copy(sw_v, sw_hbm)


def _topk_weights_sc(mv, topk):
    B, L = mv.shape
    mesh = plsc.VectorSubcoreMesh(core_axis_name="c", subcore_axis_name="s")
    f = pl.kernel(
        functools.partial(_topk_sc_body, topk=topk),
        out_type=[
            jax.ShapeDtypeStruct((16,), jnp.int32),
            jax.ShapeDtypeStruct((B, 16), _F32),
        ],
        mesh=mesh,
        scratch_types=[
            pltpu.VMEM((B, L), _F32),
            pltpu.VMEM((L,), _F32),
            pltpu.VMEM((16,), jnp.int32),
            pltpu.VMEM((B, 16), _F32),
        ],
    )
    idx, sw = f(mv)
    return idx.reshape(1, 16), sw


def _agg_body(idx_ref, sw_ref, v_ref, out_ref, *, topk):
    b = pl.program_id(0)
    v = v_ref[0]
    L = v.shape[0]
    out_ref[0] = sw_ref[b, 0] * pltpu.roll(v, L - idx_ref[0, 0],
                                           axis=0).astype(_F32)
    for i in range(1, topk):
        out_ref[0] += sw_ref[b, i] * pltpu.roll(v, L - idx_ref[0, i],
                                                axis=0).astype(_F32)


def _aggregate(v3, idx, sw, topk):
    B, L, D = v3.shape
    out = pl.pallas_call(
        functools.partial(_agg_body, topk=topk),
        grid=(B,),
        in_specs=[
            pl.BlockSpec(memory_space=pltpu.SMEM),
            pl.BlockSpec(memory_space=pltpu.SMEM),
            pl.BlockSpec((1, L, D), lambda b: (b, 0, 0)),
        ],
        out_specs=pl.BlockSpec((1, L, D), lambda b: (b, 0, 0)),
        out_shape=jax.ShapeDtypeStruct((B, L, D), _F32),
    )(idx, sw, v3)
    return out


def kernel(queries, keys, values, Wq, bq, Wk, bk, Wv, bv, Wo, bo):
    B, L, D = queries.shape
    topk = int(math.log(L))
    Mh, Ml, Wvo, bvo = _prep(Wq, Wk, Wv, Wo, bv, bo)
    qmh, qml, kh, kl, vp = _projections(
        queries.reshape(B * L, D), keys.reshape(B * L, D),
        values.reshape(B * L, D), Mh, Ml, Wvo, bvo)
    r3 = lambda a: a.reshape(B, L, D)
    mv = _mean_corr(r3(qmh), r3(qml), r3(kh), r3(kl))
    idx, sw = _topk_weights_sc(mv, topk)
    return _aggregate(r3(vp), idx, sw, topk)

# --- scband reference (transcript-rebuilt; emitter-appended) ---
"""Pipeline reference for scband-msthn2-21199958573612 (READ-ONLY COPY).

The authoritative reference and input builder live on the scoring server;
editing this copy changes nothing except your own understanding.
"""

import jax, jax.numpy as jnp
import numpy as np
import math

B, L, D_MODEL, H = 4, 2048, 1024, 16
E = D_MODEL // H
FACTOR = 1


def setup_inputs(seed: int = 0) -> dict:
    key = jax.random.key(seed)
    ks = jax.random.split(key, 12)
    s = 1.0 / math.sqrt(D_MODEL)
    inp = {}
    inp["queries"] = jax.random.normal(ks[0], (B, L, D_MODEL), dtype=jnp.float32)
    inp["keys"] = jax.random.normal(ks[1], (B, L, D_MODEL), dtype=jnp.float32)
    inp["values"] = jax.random.normal(ks[2], (B, L, D_MODEL), dtype=jnp.float32)
    inp["Wq"] = jax.random.uniform(ks[3], (D_MODEL, D_MODEL), minval=-s, maxval=s, dtype=jnp.float32)
    inp["bq"] = jax.random.uniform(ks[4], (D_MODEL,), minval=-s, maxval=s, dtype=jnp.float32)
    inp["Wk"] = jax.random.uniform(ks[5], (D_MODEL, D_MODEL), minval=-s, maxval=s, dtype=jnp.float32)
    inp["bk"] = jax.random.uniform(ks[6], (D_MODEL,), minval=-s, maxval=s, dtype=jnp.float32)
    inp["Wv"] = jax.random.uniform(ks[7], (D_MODEL, D_MODEL), minval=-s, maxval=s, dtype=jnp.float32)
    inp["bv"] = jax.random.uniform(ks[8], (D_MODEL,), minval=-s, maxval=s, dtype=jnp.float32)
    inp["Wo"] = jax.random.uniform(ks[9], (D_MODEL, D_MODEL), minval=-s, maxval=s, dtype=jnp.float32)
    inp["bo"] = jax.random.uniform(ks[10], (D_MODEL,), minval=-s, maxval=s, dtype=jnp.float32)
    return inp


def reference(queries, keys, values, Wq, bq, Wk, bk, Wv, bv, Wo, bo):
    # AutoCorrelationLayer.forward (training branch of AutoCorrelation)
    Bq, Lq, _ = queries.shape
    q = (queries @ Wq + bq).reshape(Bq, Lq, H, E)
    k = (keys @ Wk + bk).reshape(Bq, Lq, H, E)
    v = (values @ Wv + bv).reshape(Bq, Lq, H, E)
    # L == S so keys/values truncated to L (no-op here)
    qp = jnp.transpose(q, (0, 2, 3, 1))  # [B,H,E,L]
    kp = jnp.transpose(k, (0, 2, 3, 1))
    vp = jnp.transpose(v, (0, 2, 3, 1))
    q_fft = jnp.fft.rfft(qp, axis=-1)
    k_fft = jnp.fft.rfft(kp, axis=-1)
    res = q_fft * jnp.conj(k_fft)
    corr = jnp.fft.irfft(res, n=Lq, axis=-1)  # [B,H,E,L]
    # time_delay_agg_training
    top_k = int(FACTOR * math.log(Lq))
    mean_value = jnp.mean(jnp.mean(corr, axis=1), axis=1)  # [B, L]
    index = jax.lax.top_k(jnp.mean(mean_value, axis=0), top_k)[1]  # [top_k]
    weights = jnp.stack([mean_value[:, index[i]] for i in range(top_k)], axis=-1)  # [B, top_k]
    tmp_corr = jax.nn.softmax(weights, axis=-1)
    delays_agg = jnp.zeros_like(vp)
    base = jnp.arange(Lq)
    for i in range(top_k):
        # torch.roll(x, -shift, -1): out[..., j] = x[..., (j + shift) % L]
        idx = (base + index[i]) % Lq
        pattern = jnp.take(vp, idx, axis=-1)
        delays_agg = delays_agg + pattern * tmp_corr[:, i][:, None, None, None]
    V = jnp.transpose(delays_agg, (0, 3, 1, 2))  # [B,L,H,E]
    out = V.reshape(Bq, Lq, H * E) @ Wo + bo
    return out

if __name__ == "__main__":
    import jax
    _d = setup_inputs()
    print(jax.jit(kernel)(*tuple(_d.values())))

</pallas_src>

<mosaic_0001>
#map = affine_map<(d0, d1) -> (0, 0)>
#map1 = affine_map<(d0, d1) -> (0)>
module attributes {stable_mosaic.version = 14 : i64} {
  func.func @_topk_sc_body(%arg0: i32, %arg1: i32, %arg2: memref<4x2048xf32, #tpu.memory_space<hbm>>, %arg3: memref<16xi32, #tpu.memory_space<hbm>>, %arg4: memref<4x16xf32, #tpu.memory_space<hbm>>, %arg5: memref<4x2048xf32, #tpu.memory_space<vmem>>, %arg6: memref<2048xf32, #tpu.memory_space<vmem>>, %arg7: memref<16xi32, #tpu.memory_space<vmem>>, %arg8: memref<4x16xf32, #tpu.memory_space<vmem>>) attributes {dimension_semantics = [#tpu.dimension_semantics<core_parallel>, #tpu.dimension_semantics<subcore_parallel>], iteration_bounds = array<i64: 2, 16>, scalar_prefetch = 0 : i64, scratch_operands = 4 : i64, tpu.core_type = #tpu.core_type<sc_vector_subcore>, window_params = [{transform_indices = #map}, {transform_indices = #map1}, {transform_indices = #map}]} {
    %eq3A = arith.constant 0 : i32
    %eq3A_0 = arith.cmpi eq, %arg0, %eq3A : i32
    %eq3A_1 = arith.constant 0 : i32
    %eq3A_2 = arith.cmpi eq, %arg1, %eq3A_1 : i32
    %and3A = arith.andi %eq3A_0, %eq3A_2 : i1
    %convert_element_type3A = arith.extui %and3A : i1 to i32
    %cond3A = arith.constant 0 : i32
    %cond3A_3 = arith.cmpi ne, %convert_element_type3A, %cond3A : i32
    scf.if %cond3A_3 {
      "tpu.region"() ({
        %run_scoped3A = tpu.sem_alloc : memref<!tpu.dma_semaphore, #tpu.memory_space<semaphore_mem>>
        tpu.enqueue_dma source(%arg2 : memref<4x2048xf32, #tpu.memory_space<hbm>>) target(%arg5 : memref<4x2048xf32, #tpu.memory_space<vmem>>) target_semaphore(%run_scoped3A : memref<!tpu.dma_semaphore, #tpu.memory_space<semaphore_mem>>)
        tpu.wait_dma2 semaphore(%run_scoped3A : memref<!tpu.dma_semaphore, #tpu.memory_space<semaphore_mem>>) src(%arg2 : memref<4x2048xf32, #tpu.memory_space<hbm>>) dst(%arg5 : memref<4x2048xf32, #tpu.memory_space<vmem>>)
        tpu.yield
      }) : () -> ()
      %iota3A = tpu.iota {dimensions = array<i32: 0>} : vector<16xi32>
      %scan3A = arith.constant 0 : i32
      %scan3A_4 = arith.constant 0 : i32
      %scan3A_5 = arith.constant 128 : i32
      %scan3A_6 = arith.addi %scan3A_4, %scan3A_5 : i32
      %scan3A_7 = arith.constant 1 : i32
      scf.for %scan3A_2222 = %scan3A_4 to %scan3A_6 step %scan3A_7  : i32 {
        %mul3A_2223 = arith.constant 16 : i32
        %mul3A_2224 = arith.muli %scan3A_2222, %mul3A_2223 : i32
        %get3A_2225 = arith.constant 0 : i32
        %get3A_2226 = arith.index_cast %get3A_2225 : i32 to index
        %get3A_2227 = arith.index_cast %mul3A_2224 : i32 to index
        %get3A_2228 = tpu.vector_load %arg5[%get3A_2226, %get3A_2227] {strides = array<i32>} : memref<4x2048xf32, #tpu.memory_space<vmem>>, vector<1x16xf32>,
        %get3A_2229 = vector.shape_cast %get3A_2228 : vector<1x16xf32> to vector<16xf32>
        %mul3A_2230 = arith.constant 16 : i32
        %mul3A_2231 = arith.muli %scan3A_2222, %mul3A_2230 : i32
        %get3A_2232 = arith.constant 1 : i32
        %get3A_2233 = arith.index_cast %get3A_2232 : i32 to index
        %get3A_2234 = arith.index_cast %mul3A_2231 : i32 to index
        %get3A_2235 = tpu.vector_load %arg5[%get3A_2233, %get3A_2234] {strides = array<i32>} : memref<4x2048xf32, #tpu.memory_space<vmem>>, vector<1x16xf32>,
        %get3A_2236 = vector.shape_cast %get3A_2235 : vector<1x16xf32> to vector<16xf32>
        %add3A_2237 = arith.addf %get3A_2229, %get3A_2236 : vector<16xf32>
        %mul3A_2238 = arith.constant 16 : i32
        %mul3A_2239 = arith.muli %scan3A_2222, %mul3A_2238 : i32
        %get3A_2240 = arith.constant 2 : i32
        %get3A_2241 = arith.index_cast %get3A_2240 : i32 to index
        %get3A_2242 = arith.index_cast %mul3A_2239 : i32 to index
        %get3A_2243 = tpu.vector_load %arg5[%get3A_2241, %get3A_2242] {strides = array<i32>} : memref<4x2048xf32, #tpu.memory_space<vmem>>, vector<1x16xf32>,
        %get3A_2244 = vector.shape_cast %get3A_2243 : vector<1x16xf32> to vector<16xf32>
        %add3A_2245 = arith.addf %add3A_2237, %get3A_2244 : vector<16xf32>
        %mul3A_2246 = arith.constant 16 : i32
        %mul3A_2247 = arith.muli %scan3A_2222, %mul3A_2246 : i32
        %get3A_2248 = arith.constant 3 : i32
        %get3A_2249 = arith.index_cast %get3A_2248 : i32 to index
        %get3A_2250 = arith.index_cast %mul3A_2247 : i32 to index
        %get3A_2251 = tpu.vector_load %arg5[%get3A_2249, %get3A_2250] {strides = array<i32>} : memref<4x2048xf32, #tpu.memory_space<vmem>>, vector<1x16xf32>,
        %get3A_2252 = vector.shape_cast %get3A_2251 : vector<1x16xf32> to vector<16xf32>
        %add3A_2253 = arith.addf %add3A_2245, %get3A_2252 : vector<16xf32>
        %mul3A_2254 = arith.constant 2.500000e-01 : f32
        %mul3A_2255 = vector.broadcast %mul3A_2254 : f32 to vector<16xf32>
        %mul3A_2256 = arith.mulf %add3A_2253, %mul3A_2255 : vector<16xf32>
        %mul3A_2257 = arith.constant 16 : i32
        %mul3A_2258 = arith.muli %scan3A_2222, %mul3A_2257 : i32
        %swap3A_2259 = arith.index_cast %mul3A_2258 : i32 to index
        %swap3A_2260 = tpu.vector_load %arg6[%swap3A_2259] {strides = array<i32>} : memref<2048xf32, #tpu.memory_space<vmem>>, vector<16xf32>,
        %swap3A_2261 = vector.shape_cast %swap3A_2260 : vector<16xf32> to vector<16xf32>
        %swap3A_2262 = vector.shape_cast %mul3A_2256 : vector<16xf32> to vector<16xf32>
        tpu.vector_store %arg6[%swap3A_2259], %swap3A_2262 {strides = array<i32>} : memref<2048xf32, #tpu.memory_space<vmem>>, vector<16xf32>,
      }
      %scan3A_8 = arith.constant 128 : i32
      %broadcast_in_dim3A = arith.constant 0 : i32
      %broadcast_in_dim3A_9 = vector.broadcast %broadcast_in_dim3A : i32 to vector<16xi32>
      %broadcast_in_dim3A_10 = arith.constant 0.000000e+00 : f32
      %broadcast_in_dim3A_11 = vector.broadcast %broadcast_in_dim3A_10 : f32 to vector<16xf32>
      %broadcast_in_dim3A_12 = arith.constant 0.000000e+00 : f32
      %broadcast_in_dim3A_13 = vector.broadcast %broadcast_in_dim3A_12 : f32 to vector<16xf32>
      %broadcast_in_dim3A_14 = arith.constant 0.000000e+00 : f32
      %broadcast_in_dim3A_15 = vector.broadcast %broadcast_in_dim3A_14 : f32 to vector<16xf32>
      %broadcast_in_dim3A_16 = arith.constant 0.000000e+00 : f32
      %broadcast_in_dim3A_17 = vector.broadcast %broadcast_in_dim3A_16 : f32 to vector<16xf32>
      %broadcast_in_dim3A_18 = arith.constant 0xFF800000 : f32
      %broadcast_in_dim3A_19 = vector.broadcast %broadcast_in_dim3A_18 : f32 to vector<16xf32>
      %broadcast_in_dim3A_20 = arith.constant 0 : i32
      %broadcast_in_dim3A_21 = vector.broadcast %broadcast_in_dim3A_20 : i32 to vector<16xi32>
      %scan3A_22 = arith.constant 0 : i32
      %scan3A_23 = arith.constant 128 : i32
      %scan3A_24 = arith.addi %scan3A_22, %scan3A_23 : i32
      %scan3A_25 = arith.constant 1 : i32
      %scan3A_26:2 = scf.for %scan3A_2222 = %scan3A_22 to %scan3A_24 step %scan3A_25 iter_args(%scan3A_2223 = %broadcast_in_dim3A_19, %scan3A_2224 = %broadcast_in_dim3A_21) -> (vector<16xf32>, vector<16xi32>)  : i32 {
        %mul3A_2225 = arith.constant 16 : i32
        %mul3A_2226 = arith.muli %scan3A_2222, %mul3A_2225 : i32
        %get3A_2227 = arith.index_cast %mul3A_2226 : i32 to index
        %get3A_2228 = tpu.vector_load %arg6[%get3A_2227] {strides = array<i32>} : memref<2048xf32, #tpu.memory_space<vmem>>, vector<16xf32>,
        %get3A_2229 = vector.shape_cast %get3A_2228 : vector<16xf32> to vector<16xf32>
        %mul3A_2230 = arith.constant 16 : i32
        %mul3A_2231 = arith.muli %scan3A_2222, %mul3A_2230 : i32
        %add3A_2232 = vector.broadcast %mul3A_2231 : i32 to vector<16xi32>
        %add3A_2233 = arith.addi %add3A_2232, %iota3A : vector<16xi32>
        %gt3A = arith.cmpf ogt, %get3A_2229, %scan3A_2223 : vector<16xf32>
        %select_n3A_2234 = arith.select %gt3A, %get3A_2229, %scan3A_2223 : vector<16xi1>, vector<16xf32>
        %select_n3A_2235 = arith.select %gt3A, %add3A_2233, %scan3A_2224 : vector<16xi1>, vector<16xi32>
        scf.yield %select_n3A_2234, %select_n3A_2235 : vector<16xf32>, vector<16xi32>
      }
      %scan3A_27 = arith.constant 128 : i32
      %xor3A = arith.constant 1 : i32
      %xor3A_28 = vector.broadcast %xor3A : i32 to vector<16xi32>
      %xor3A_29 = arith.xori %iota3A, %xor3A_28 : vector<16xi32>
      %broadcast_in_dim3A_30 = vector.shape_cast %xor3A_29 : vector<16xi32> to vector<16x1xi32>
      %gather3A = vector.shape_cast %broadcast_in_dim3A_30 : vector<16x1xi32> to vector<16xi32>
      %gather3A_31 = tpu.dynamic_gather %scan3A_26#0[%gather3A] in [0] : vector<16xf32>, vector<16xi32> -> vector<16xf32>
      %max3A = arith.maximumf %scan3A_26#0, %gather3A_31 : vector<16xf32>
      %xor3A_32 = arith.constant 2 : i32
      %xor3A_33 = vector.broadcast %xor3A_32 : i32 to vector<16xi32>
      %xor3A_34 = arith.xori %iota3A, %xor3A_33 : vector<16xi32>
      %broadcast_in_dim3A_35 = vector.shape_cast %xor3A_34 : vector<16xi32> to vector<16x1xi32>
      %gather3A_36 = vector.shape_cast %broadcast_in_dim3A_35 : vector<16x1xi32> to vector<16xi32>
      %gather3A_37 = tpu.dynamic_gather %max3A[%gather3A_36] in [0] : vector<16xf32>, vector<16xi32> -> vector<16xf32>
      %max3A_38 = arith.maximumf %max3A, %gather3A_37 : vector<16xf32>
      %xor3A_39 = arith.constant 4 : i32
      %xor3A_40 = vector.broadcast %xor3A_39 : i32 to vector<16xi32>
      %xor3A_41 = arith.xori %iota3A, %xor3A_40 : vector<16xi32>
      %broadcast_in_dim3A_42 = vector.shape_cast %xor3A_41 : vector<16xi32> to vector<16x1xi32>
      %gather3A_43 = vector.shape_cast %broadcast_in_dim3A_42 : vector<16x1xi32> to vector<16xi32>
      %gather3A_44 = tpu.dynamic_gather %max3A_38[%gather3A_43] in [0] : vector<16xf32>, vector<16xi32> -> vector<16xf32>
      %max3A_45 = arith.maximumf %max3A_38, %gather3A_44 : vector<16xf32>
      %xor3A_46 = arith.constant 8 : i32
      %xor3A_47 = vector.broadcast %xor3A_46 : i32 to vector<16xi32>
      %xor3A_48 = arith.xori %iota3A, %xor3A_47 : vector<16xi32>
      %broadcast_in_dim3A_49 = vector.shape_cast %xor3A_48 : vector<16xi32> to vector<16x1xi32>
      %gather3A_50 = vector.shape_cast %broadcast_in_dim3A_49 : vector<16x1xi32> to vector<16xi32>
      %gather3A_51 = tpu.dynamic_gather %max3A_45[%gather3A_50] in [0] : vector<16xf32>, vector<16xi32> -> vector<16xf32>
      %max3A_52 = arith.maximumf %max3A_45, %gather3A_51 : vector<16xf32>
      %eq3A_53 = arith.cmpf oeq, %scan3A_26#0, %max3A_52 : vector<16xf32>
      %jit3A = arith.constant 1073741824 : i32
      %broadcast_in_dim3A_54 = vector.broadcast %jit3A : i32 to vector<16xi32>
      %select_n3A = arith.select %eq3A_53, %scan3A_26#1, %broadcast_in_dim3A_54 : vector<16xi1>, vector<16xi32>
      %xor3A_55 = arith.constant 1 : i32
      %xor3A_56 = vector.broadcast %xor3A_55 : i32 to vector<16xi32>
      %xor3A_57 = arith.xori %iota3A, %xor3A_56 : vector<16xi32>
      %broadcast_in_dim3A_58 = vector.shape_cast %xor3A_57 : vector<16xi32> to vector<16x1xi32>
      %gather3A_59 = vector.shape_cast %broadcast_in_dim3A_58 : vector<16x1xi32> to vector<16xi32>
      %gather3A_60 = tpu.dynamic_gather %select_n3A[%gather3A_59] in [0] : vector<16xi32>, vector<16xi32> -> vector<16xi32>
      %min3A = arith.minsi %select_n3A, %gather3A_60 : vector<16xi32>
      %xor3A_61 = arith.constant 2 : i32
      %xor3A_62 = vector.broadcast %xor3A_61 : i32 to vector<16xi32>
      %xor3A_63 = arith.xori %iota3A, %xor3A_62 : vector<16xi32>
      %broadcast_in_dim3A_64 = vector.shape_cast %xor3A_63 : vector<16xi32> to vector<16x1xi32>
      %gather3A_65 = vector.shape_cast %broadcast_in_dim3A_64 : vector<16x1xi32> to vector<16xi32>
      %gather3A_66 = tpu.dynamic_gather %min3A[%gather3A_65] in [0] : vector<16xi32>, vector<16xi32> -> vector<16xi32>
      %min3A_67 = arith.minsi %min3A, %gather3A_66 : vector<16xi32>
      %xor3A_68 = arith.constant 4 : i32
      %xor3A_69 = vector.broadcast %xor3A_68 : i32 to vector<16xi32>
      %xor3A_70 = arith.xori %iota3A, %xor3A_69 : vector<16xi32>
      %broadcast_in_dim3A_71 = vector.shape_cast %xor3A_70 : vector<16xi32> to vector<16x1xi32>
      %gather3A_72 = vector.shape_cast %broadcast_in_dim3A_71 : vector<16x1xi32> to vector<16xi32>
      %gather3A_73 = tpu.dynamic_gather %min3A_67[%gather3A_72] in [0] : vector<16xi32>, vector<16xi32> -> vector<16xi32>
      %min3A_74 = arith.minsi %min3A_67, %gather3A_73 : vector<16xi32>
      %xor3A_75 = arith.constant 8 : i32
      %xor3A_76 = vector.broadcast %xor3A_75 : i32 to vector<16xi32>
      %xor3A_77 = arith.xori %iota3A, %xor3A_76 : vector<16xi32>
      %broadcast_in_dim3A_78 = vector.shape_cast %xor3A_77 : vector<16xi32> to vector<16x1xi32>
      %gather3A_79 = vector.shape_cast %broadcast_in_dim3A_78 : vector<16x1xi32> to vector<16xi32>
      %gather3A_80 = tpu.dynamic_gather %min3A_74[%gather3A_79] in [0] : vector<16xi32>, vector<16xi32> -> vector<16xi32>
      %min3A_81 = arith.minsi %min3A_74, %gather3A_80 : vector<16xi32>
      %eq3A_82 = arith.constant 0 : i32
      %eq3A_83 = vector.broadcast %eq3A_82 : i32 to vector<16xi32>
      %eq3A_84 = arith.cmpi eq, %iota3A, %eq3A_83 : vector<16xi32>
      %select_n3A_85 = arith.select %eq3A_84, %min3A_81, %broadcast_in_dim3A_9 : vector<16xi1>, vector<16xi32>
      %slice3A = vector.extract_strided_slice %min3A_81 {offsets = [0], sizes = [1], strides = [1]} : vector<16xi32> to vector<1xi32>
      %squeeze3A = vector.extract %slice3A[0] : i32 from vector<1xi32>
      %jit3A_86 = arith.constant 16 : i32
      %div3A = arith.divsi %squeeze3A, %jit3A_86 : i32
      %sign3A = arith.constant 0 : i32
      %sign3A_87 = arith.cmpi sgt, %squeeze3A, %sign3A : i32
      %sign3A_88 = arith.extui %sign3A_87 : i1 to i32
      %sign3A_89 = arith.constant 0 : i32
      %sign3A_90 = arith.cmpi slt, %squeeze3A, %sign3A_89 : i32
      %sign3A_91 = arith.extui %sign3A_90 : i1 to i32
      %sign3A_92 = arith.subi %sign3A_88, %sign3A_91 : i32
      %sign3A_93 = arith.constant 0 : i32
      %sign3A_94 = arith.cmpi sgt, %jit3A_86, %sign3A_93 : i32
      %sign3A_95 = arith.extui %sign3A_94 : i1 to i32
      %sign3A_96 = arith.constant 0 : i32
      %sign3A_97 = arith.cmpi slt, %jit3A_86, %sign3A_96 : i32
      %sign3A_98 = arith.extui %sign3A_97 : i1 to i32
      %sign3A_99 = arith.subi %sign3A_95, %sign3A_98 : i32
      %ne3A = arith.cmpi ne, %sign3A_92, %sign3A_99 : i32
      %rem3A = arith.remsi %squeeze3A, %jit3A_86 : i32
      %ne3A_100 = arith.constant 0 : i32
      %ne3A_101 = arith.cmpi ne, %rem3A, %ne3A_100 : i32
      %and3A_102 = arith.andi %ne3A, %ne3A_101 : i1
      %sub3A = arith.constant 1 : i32
      %sub3A_103 = arith.subi %div3A, %sub3A : i32
      %select_n3A_104 = arith.select %and3A_102, %sub3A_103, %div3A : i32
      %mul3A = arith.constant 16 : i32
      %mul3A_105 = arith.muli %select_n3A_104, %mul3A : i32
      %add3A = vector.broadcast %mul3A_105 : i32 to vector<16xi32>
      %add3A_106 = arith.addi %add3A, %iota3A : vector<16xi32>
      %eq3A_107 = vector.broadcast %squeeze3A : i32 to vector<16xi32>
      %eq3A_108 = arith.cmpi eq, %add3A_106, %eq3A_107 : vector<16xi32>
      %get3A = arith.index_cast %mul3A_105 : i32 to index
      %get3A_109 = tpu.vector_load %arg6[%get3A] {strides = array<i32>} : memref<2048xf32, #tpu.memory_space<vmem>>, vector<16xf32>,
      %get3A_110 = vector.shape_cast %get3A_109 : vector<16xf32> to vector<16xf32>
      %broadcast_in_dim3A_111 = arith.constant 0xFF800000 : f32
      %broadcast_in_dim3A_112 = vector.broadcast %broadcast_in_dim3A_111 : f32 to vector<16xf32>
      %select_n3A_113 = arith.select %eq3A_108, %broadcast_in_dim3A_112, %get3A_110 : vector<16xi1>, vector<16xf32>
      %swap3A = arith.index_cast %mul3A_105 : i32 to index
      %swap3A_114 = tpu.vector_load %arg6[%swap3A] {strides = array<i32>} : memref<2048xf32, #tpu.memory_space<vmem>>, vector<16xf32>,
      %swap3A_115 = vector.shape_cast %swap3A_114 : vector<16xf32> to vector<16xf32>
      %swap3A_116 = vector.shape_cast %select_n3A_113 : vector<16xf32> to vector<16xf32>
      tpu.vector_store %arg6[%swap3A], %swap3A_116 {strides = array<i32>} : memref<2048xf32, #tpu.memory_space<vmem>>, vector<16xf32>,
      %get3A_117 = arith.constant 0 : i32
      %get3A_118 = arith.index_cast %get3A_117 : i32 to index
      %get3A_119 = arith.index_cast %mul3A_105 : i32 to index
      %get3A_120 = tpu.vector_load %arg5[%get3A_118, %get3A_119] {strides = array<i32>} : memref<4x2048xf32, #tpu.memory_space<vmem>>, vector<1x16xf32>,
      %get3A_121 = vector.shape_cast %get3A_120 : vector<1x16xf32> to vector<16xf32>
      %jit3A_122 = arith.constant 0.000000e+00 : f32
      %broadcast_in_dim3A_123 = vector.broadcast %jit3A_122 : f32 to vector<16xf32>
      %select_n3A_124 = arith.select %eq3A_108, %get3A_121, %broadcast_in_dim3A_123 : vector<16xi1>, vector<16xf32>
      %xor3A_125 = arith.constant 1 : i32
      %xor3A_126 = vector.broadcast %xor3A_125 : i32 to vector<16xi32>
      %xor3A_127 = arith.xori %iota3A, %xor3A_126 : vector<16xi32>
      %broadcast_in_dim3A_128 = vector.shape_cast %xor3A_127 : vector<16xi32> to vector<16x1xi32>
      %gather3A_129 = vector.shape_cast %broadcast_in_dim3A_128 : vector<16x1xi32> to vector<16xi32>
      %gather3A_130 = tpu.dynamic_gather %select_n3A_124[%gather3A_129] in [0] : vector<16xf32>, vector<16xi32> -> vector<16xf32>
      %add3A_131 = arith.addf %select_n3A_124, %gather3A_130 : vector<16xf32>
      %xor3A_132 = arith.constant 2 : i32
      %xor3A_133 = vector.broadcast %xor3A_132 : i32 to vector<16xi32>
      %xor3A_134 = arith.xori %iota3A, %xor3A_133 : vector<16xi32>
      %broadcast_in_dim3A_135 = vector.shape_cast %xor3A_134 : vector<16xi32> to vector<16x1xi32>
      %gather3A_136 = vector.shape_cast %broadcast_in_dim3A_135 : vector<16x1xi32> to vector<16xi32>
      %gather3A_137 = tpu.dynamic_gather %add3A_131[%gather3A_136] in [0] : vector<16xf32>, vector<16xi32> -> vector<16xf32>
      %add3A_138 = arith.addf %add3A_131, %gather3A_137 : vector<16xf32>
      %xor3A_139 = arith.constant 4 : i32
      %xor3A_140 = vector.broadcast %xor3A_139 : i32 to vector<16xi32>
      %xor3A_141 = arith.xori %iota3A, %xor3A_140 : vector<16xi32>
      %broadcast_in_dim3A_142 = vector.shape_cast %xor3A_141 : vector<16xi32> to vector<16x1xi32>
      %gather3A_143 = vector.shape_cast %broadcast_in_dim3A_142 : vector<16x1xi32> to vector<16xi32>
      %gather3A_144 = tpu.dynamic_gather %add3A_138[%gather3A_143] in [0] : vector<16xf32>, vector<16xi32> -> vector<16xf32>
      %add3A_145 = arith.addf %add3A_138, %gather3A_144 : vector<16xf32>
      %xor3A_146 = arith.constant 8 : i32
      %xor3A_147 = vector.broadcast %xor3A_146 : i32 to vector<16xi32>
      %xor3A_148 = arith.xori %iota3A, %xor3A_147 : vector<16xi32>
      %broadcast_in_dim3A_149 = vector.shape_cast %xor3A_148 : vector<16xi32> to vector<16x1xi32>
      %gather3A_150 = vector.shape_cast %broadcast_in_dim3A_149 : vector<16x1xi32> to vector<16xi32>
      %gather3A_151 = tpu.dynamic_gather %add3A_145[%gather3A_150] in [0] : vector<16xf32>, vector<16xi32> -> vector<16xf32>
      %add3A_152 = arith.addf %add3A_145, %gather3A_151 : vector<16xf32>
      %eq3A_153 = arith.constant 0 : i32
      %eq3A_154 = vector.broadcast %eq3A_153 : i32 to vector<16xi32>
      %eq3A_155 = arith.cmpi eq, %iota3A, %eq3A_154 : vector<16xi32>
      %select_n3A_156 = arith.select %eq3A_155, %add3A_152, %broadcast_in_dim3A_11 : vector<16xi1>, vector<16xf32>
      %get3A_157 = arith.constant 1 : i32
      %get3A_158 = arith.index_cast %get3A_157 : i32 to index
      %get3A_159 = arith.index_cast %mul3A_105 : i32 to index
      %get3A_160 = tpu.vector_load %arg5[%get3A_158, %get3A_159] {strides = array<i32>} : memref<4x2048xf32, #tpu.memory_space<vmem>>, vector<1x16xf32>,
      %get3A_161 = vector.shape_cast %get3A_160 : vector<1x16xf32> to vector<16xf32>
      %jit3A_162 = arith.constant 0.000000e+00 : f32
      %broadcast_in_dim3A_163 = vector.broadcast %jit3A_162 : f32 to vector<16xf32>
      %select_n3A_164 = arith.select %eq3A_108, %get3A_161, %broadcast_in_dim3A_163 : vector<16xi1>, vector<16xf32>
      %xor3A_165 = arith.constant 1 : i32
      %xor3A_166 = vector.broadcast %xor3A_165 : i32 to vector<16xi32>
      %xor3A_167 = arith.xori %iota3A, %xor3A_166 : vector<16xi32>
      %broadcast_in_dim3A_168 = vector.shape_cast %xor3A_167 : vector<16xi32> to vector<16x1xi32>
      %gather3A_169 = vector.shape_cast %broadcast_in_dim3A_168 : vector<16x1xi32> to vector<16xi32>
      %gather3A_170 = tpu.dynamic_gather %select_n3A_164[%gather3A_169] in [0] : vector<16xf32>, vector<16xi32> -> vector<16xf32>
      %add3A_171 = arith.addf %select_n3A_164, %gather3A_170 : vector<16xf32>
      %xor3A_172 = arith.constant 2 : i32
      %xor3A_173 = vector.broadcast %xor3A_172 : i32 to vector<16xi32>
      %xor3A_174 = arith.xori %iota3A, %xor3A_173 : vector<16xi32>
      %broadcast_in_dim3A_175 = vector.shape_cast %xor3A_174 : vector<16xi32> to vector<16x1xi32>
      %gather3A_176 = vector.shape_cast %broadcast_in_dim3A_175 : vector<16x1xi32> to vector<16xi32>
      %gather3A_177 = tpu.dynamic_gather %add3A_171[%gather3A_176] in [0] : vector<16xf32>, vector<16xi32> -> vector<16xf32>
      %add3A_178 = arith.addf %add3A_171, %gather3A_177 : vector<16xf32>
      %xor3A_179 = arith.constant 4 : i32
      %xor3A_180 = vector.broadcast %xor3A_179 : i32 to vector<16xi32>
      %xor3A_181 = arith.xori %iota3A, %xor3A_180 : vector<16xi32>
      %broadcast_in_dim3A_182 = vector.shape_cast %xor3A_181 : vector<16xi32> to vector<16x1xi32>
      %gather3A_183 = vector.shape_cast %broadcast_in_dim3A_182 : vector<16x1xi32> to vector<16xi32>
      %gather3A_184 = tpu.dynamic_gather %add3A_178[%gather3A_183] in [0] : vector<16xf32>, vector<16xi32> -> vector<16xf32>
      %add3A_185 = arith.addf %add3A_178, %gather3A_184 : vector<16xf32>
      %xor3A_186 = arith.constant 8 : i32
      %xor3A_187 = vector.broadcast %xor3A_186 : i32 to vector<16xi32>
      %xor3A_188 = arith.xori %iota3A, %xor3A_187 : vector<16xi32>
      %broadcast_in_dim3A_189 = vector.shape_cast %xor3A_188 : vector<16xi32> to vector<16x1xi32>
      %gather3A_190 = vector.shape_cast %broadcast_in_dim3A_189 : vector<16x1xi32> to vector<16xi32>
      %gather3A_191 = tpu.dynamic_gather %add3A_185[%gather3A_190] in [0] : vector<16xf32>, vector<16xi32> -> vector<16xf32>
      %add3A_192 = arith.addf %add3A_185, %gather3A_191 : vector<16xf32>
      %eq3A_193 = arith.constant 0 : i32
      %eq3A_194 = vector.broadcast %eq3A_193 : i32 to vector<16xi32>
      %eq3A_195 = arith.cmpi eq, %iota3A, %eq3A_194 : vector<16xi32>
      %select_n3A_196 = arith.select %eq3A_195, %add3A_192, %broadcast_in_dim3A_13 : vector<16xi1>, vector<16xf32>
      %get3A_197 = arith.constant 2 : i32
      %get3A_198 = arith.index_cast %get3A_197 : i32 to index
      %get3A_199 = arith.index_cast %mul3A_105 : i32 to index
      %get3A_200 = tpu.vector_load %arg5[%get3A_198, %get3A_199] {strides = array<i32>} : memref<4x2048xf32, #tpu.memory_space<vmem>>, vector<1x16xf32>,
      %get3A_201 = vector.shape_cast %get3A_200 : vector<1x16xf32> to vector<16xf32>
      %jit3A_202 = arith.constant 0.000000e+00 : f32
      %broadcast_in_dim3A_203 = vector.broadcast %jit3A_202 : f32 to vector<16xf32>
      %select_n3A_204 = arith.select %eq3A_108, %get3A_201, %broadcast_in_dim3A_203 : vector<16xi1>, vector<16xf32>
      %xor3A_205 = arith.constant 1 : i32
      %xor3A_206 = vector.broadcast %xor3A_205 : i32 to vector<16xi32>
      %xor3A_207 = arith.xori %iota3A, %xor3A_206 : vector<16xi32>
      %broadcast_in_dim3A_208 = vector.shape_cast %xor3A_207 : vector<16xi32> to vector<16x1xi32>
      %gather3A_209 = vector.shape_cast %broadcast_in_dim3A_208 : vector<16x1xi32> to vector<16xi32>
      %gather3A_210 = tpu.dynamic_gather %select_n3A_204[%gather3A_209] in [0] : vector<16xf32>, vector<16xi32> -> vector<16xf32>
      %add3A_211 = arith.addf %select_n3A_204, %gather3A_210 : vector<16xf32>
      %xor3A_212 = arith.constant 2 : i32
      %xor3A_213 = vector.broadcast %xor3A_212 : i32 to vector<16xi32>
      %xor3A_214 = arith.xori %iota3A, %xor3A_213 : vector<16xi32>
      %broadcast_in_dim3A_215 = vector.shape_cast %xor3A_214 : vector<16xi32> to vector<16x1xi32>
      %gather3A_216 = vector.shape_cast %broadcast_in_dim3A_215 : vector<16x1xi32> to vector<16xi32>
      %gather3A_217 = tpu.dynamic_gather %add3A_211[%gather3A_216] in [0] : vector<16xf32>, vector<16xi32> -> vector<16xf32>
      %add3A_218 = arith.addf %add3A_211, %gather3A_217 : vector<16xf32>
      %xor3A_219 = arith.constant 4 : i32
      %xor3A_220 = vector.broadcast %xor3A_219 : i32 to vector<16xi32>
      %xor3A_221 = arith.xori %iota3A, %xor3A_220 : vector<16xi32>
      %broadcast_in_dim3A_222 = vector.shape_cast %xor3A_221 : vector<16xi32> to vector<16x1xi32>
      %gather3A_223 = vector.shape_cast %broadcast_in_dim3A_222 : vector<16x1xi32> to vector<16xi32>
      %gather3A_224 = tpu.dynamic_gather %add3A_218[%gather3A_223] in [0] : vector<16xf32>, vector<16xi32> -> vector<16xf32>
      %add3A_225 = arith.addf %add3A_218, %gather3A_224 : vector<16xf32>
      %xor3A_226 = arith.constant 8 : i32
      %xor3A_227 = vector.broadcast %xor3A_226 : i32 to vector<16xi32>
      %xor3A_228 = arith.xori %iota3A, %xor3A_227 : vector<16xi32>
      %broadcast_in_dim3A_229 = vector.shape_cast %xor3A_228 : vector<16xi32> to vector<16x1xi32>
      %gather3A_230 = vector.shape_cast %broadcast_in_dim3A_229 : vector<16x1xi32> to vector<16xi32>
      %gather3A_231 = tpu.dynamic_gather %add3A_225[%gather3A_230] in [0] : vector<16xf32>, vector<16xi32> -> vector<16xf32>
      %add3A_232 = arith.addf %add3A_225, %gather3A_231 : vector<16xf32>
      %eq3A_233 = arith.constant 0 : i32
      %eq3A_234 = vector.broadcast %eq3A_233 : i32 to vector<16xi32>
      %eq3A_235 = arith.cmpi eq, %iota3A, %eq3A_234 : vector<16xi32>
      %select_n3A_236 = arith.select %eq3A_235, %add3A_232, %broadcast_in_dim3A_15 : vector<16xi1>, vector<16xf32>
      %get3A_237 = arith.constant 3 : i32
      %get3A_238 = arith.index_cast %get3A_237 : i32 to index
      %get3A_239 = arith.index_cast %mul3A_105 : i32 to index
      %get3A_240 = tpu.vector_load %arg5[%get3A_238, %get3A_239] {strides = array<i32>} : memref<4x2048xf32, #tpu.memory_space<vmem>>, vector<1x16xf32>,
      %get3A_241 = vector.shape_cast %get3A_240 : vector<1x16xf32> to vector<16xf32>
      %jit3A_242 = arith.constant 0.000000e+00 : f32
      %broadcast_in_dim3A_243 = vector.broadcast %jit3A_242 : f32 to vector<16xf32>
      %select_n3A_244 = arith.select %eq3A_108, %get3A_241, %broadcast_in_dim3A_243 : vector<16xi1>, vector<16xf32>
      %xor3A_245 = arith.constant 1 : i32
      %xor3A_246 = vector.broadcast %xor3A_245 : i32 to vector<16xi32>
      %xor3A_247 = arith.xori %iota3A, %xor3A_246 : vector<16xi32>
      %broadcast_in_dim3A_248 = vector.shape_cast %xor3A_247 : vector<16xi32> to vector<16x1xi32>
      %gather3A_249 = vector.shape_cast %broadcast_in_dim3A_248 : vector<16x1xi32> to vector<16xi32>
      %gather3A_250 = tpu.dynamic_gather %select_n3A_244[%gather3A_249] in [0] : vector<16xf32>, vector<16xi32> -> vector<16xf32>
      %add3A_251 = arith.addf %select_n3A_244, %gather3A_250 : vector<16xf32>
      %xor3A_252 = arith.constant 2 : i32
      %xor3A_253 = vector.broadcast %xor3A_252 : i32 to vector<16xi32>
      %xor3A_254 = arith.xori %iota3A, %xor3A_253 : vector<16xi32>
      %broadcast_in_dim3A_255 = vector.shape_cast %xor3A_254 : vector<16xi32> to vector<16x1xi32>
      %gather3A_256 = vector.shape_cast %broadcast_in_dim3A_255 : vector<16x1xi32> to vector<16xi32>
      %gather3A_257 = tpu.dynamic_gather %add3A_251[%gather3A_256] in [0] : vector<16xf32>, vector<16xi32> -> vector<16xf32>
      %add3A_258 = arith.addf %add3A_251, %gather3A_257 : vector<16xf32>
      %xor3A_259 = arith.constant 4 : i32
      %xor3A_260 = vector.broadcast %xor3A_259 : i32 to vector<16xi32>
      %xor3A_261 = arith.xori %iota3A, %xor3A_260 : vector<16xi32>
      %broadcast_in_dim3A_262 = vector.shape_cast %xor3A_261 : vector<16xi32> to vector<16x1xi32>
      %gather3A_263 = vector.shape_cast %broadcast_in_dim3A_262 : vector<16x1xi32> to vector<16xi32>
      %gather3A_264 = tpu.dynamic_gather %add3A_258[%gather3A_263] in [0] : vector<16xf32>, vector<16xi32> -> vector<16xf32>
      %add3A_265 = arith.addf %add3A_258, %gather3A_264 : vector<16xf32>
      %xor3A_266 = arith.constant 8 : i32
      %xor3A_267 = vector.broadcast %xor3A_266 : i32 to vector<16xi32>
      %xor3A_268 = arith.xori %iota3A, %xor3A_267 : vector<16xi32>
      %broadcast_in_dim3A_269 = vector.shape_cast %xor3A_268 : vector<16xi32> to vector<16x1xi32>
      %gather3A_270 = vector.shape_cast %broadcast_in_dim3A_269 : vector<16x1xi32> to vector<16xi32>
      %gather3A_271 = tpu.dynamic_gather %add3A_265[%gather3A_270] in [0] : vector<16xf32>, vector<16xi32> -> vector<16xf32>
      %add3A_272 = arith.addf %add3A_265, %gather3A_271 : vector<16xf32>
      %eq3A_273 = arith.constant 0 : i32
      %eq3A_274 = vector.broadcast %eq3A_273 : i32 to vector<16xi32>
      %eq3A_275 = arith.cmpi eq, %iota3A, %eq3A_274 : vector<16xi32>
      %select_n3A_276 = arith.select %eq3A_275, %add3A_272, %broadcast_in_dim3A_17 : vector<16xi1>, vector<16xf32>
      %broadcast_in_dim3A_277 = arith.constant 0xFF800000 : f32
      %broadcast_in_dim3A_278 = vector.broadcast %broadcast_in_dim3A_277 : f32 to vector<16xf32>
      %broadcast_in_dim3A_279 = arith.constant 0 : i32
      %broadcast_in_dim3A_280 = vector.broadcast %broadcast_in_dim3A_279 : i32 to vector<16xi32>
      %scan3A_281 = arith.constant 0 : i32
      %scan3A_282 = arith.constant 128 : i32
      %scan3A_283 = arith.addi %scan3A_281, %scan3A_282 : i32
      %scan3A_284 = arith.constant 1 : i32
      %scan3A_285:2 = scf.for %scan3A_2222 = %scan3A_281 to %scan3A_283 step %scan3A_284 iter_args(%scan3A_2223 = %broadcast_in_dim3A_278, %scan3A_2224 = %broadcast_in_dim3A_280) -> (vector<16xf32>, vector<16xi32>)  : i32 {
        %mul3A_2225 = arith.constant 16 : i32
        %mul3A_2226 = arith.muli %scan3A_2222, %mul3A_2225 : i32
        %get3A_2227 = arith.index_cast %mul3A_2226 : i32 to index
        %get3A_2228 = tpu.vector_load %arg6[%get3A_2227] {strides = array<i32>} : memref<2048xf32, #tpu.memory_space<vmem>>, vector<16xf32>,
        %get3A_2229 = vector.shape_cast %get3A_2228 : vector<16xf32> to vector<16xf32>
        %mul3A_2230 = arith.constant 16 : i32
        %mul3A_2231 = arith.muli %scan3A_2222, %mul3A_2230 : i32
        %add3A_2232 = vector.broadcast %mul3A_2231 : i32 to vector<16xi32>
        %add3A_2233 = arith.addi %add3A_2232, %iota3A : vector<16xi32>
        %gt3A = arith.cmpf ogt, %get3A_2229, %scan3A_2223 : vector<16xf32>
        %select_n3A_2234 = arith.select %gt3A, %get3A_2229, %scan3A_2223 : vector<16xi1>, vector<16xf32>
        %select_n3A_2235 = arith.select %gt3A, %add3A_2233, %scan3A_2224 : vector<16xi1>, vector<16xi32>
        scf.yield %select_n3A_2234, %select_n3A_2235 : vector<16xf32>, vector<16xi32>
      }
      %scan3A_286 = arith.constant 128 : i32
      %xor3A_287 = arith.constant 1 : i32
      %xor3A_288 = vector.broadcast %xor3A_287 : i32 to vector<16xi32>
      %xor3A_289 = arith.xori %iota3A, %xor3A_288 : vector<16xi32>
      %broadcast_in_dim3A_290 = vector.shape_cast %xor3A_289 : vector<16xi32> to vector<16x1xi32>
      %gather3A_291 = vector.shape_cast %broadcast_in_dim3A_290 : vector<16x1xi32> to vector<16xi32>
      %gather3A_292 = tpu.dynamic_gather %scan3A_285#0[%gather3A_291] in [0] : vector<16xf32>, vector<16xi32> -> vector<16xf32>
      %max3A_293 = arith.maximumf %scan3A_285#0, %gather3A_292 : vector<16xf32>
      %xor3A_294 = arith.constant 2 : i32
      %xor3A_295 = vector.broadcast %xor3A_294 : i32 to vector<16xi32>
      %xor3A_296 = arith.xori %iota3A, %xor3A_295 : vector<16xi32>
      %broadcast_in_dim3A_297 = vector.shape_cast %xor3A_296 : vector<16xi32> to vector<16x1xi32>
      %gather3A_298 = vector.shape_cast %broadcast_in_dim3A_297 : vector<16x1xi32> to vector<16xi32>
      %gather3A_299 = tpu.dynamic_gather %max3A_293[%gather3A_298] in [0] : vector<16xf32>, vector<16xi32> -> vector<16xf32>
      %max3A_300 = arith.maximumf %max3A_293, %gather3A_299 : vector<16xf32>
      %xor3A_301 = arith.constant 4 : i32
      %xor3A_302 = vector.broadcast %xor3A_301 : i32 to vector<16xi32>
      %xor3A_303 = arith.xori %iota3A, %xor3A_302 : vector<16xi32>
      %broadcast_in_dim3A_304 = vector.shape_cast %xor3A_303 : vector<16xi32> to vector<16x1xi32>
      %gather3A_305 = vector.shape_cast %broadcast_in_dim3A_304 : vector<16x1xi32> to vector<16xi32>
      %gather3A_306 = tpu.dynamic_gather %max3A_300[%gather3A_305] in [0] : vector<16xf32>, vector<16xi32> -> vector<16xf32>
      %max3A_307 = arith.maximumf %max3A_300, %gather3A_306 : vector<16xf32>
      %xor3A_308 = arith.constant 8 : i32
      %xor3A_309 = vector.broadcast %xor3A_308 : i32 to vector<16xi32>
      %xor3A_310 = arith.xori %iota3A, %xor3A_309 : vector<16xi32>
      %broadcast_in_dim3A_311 = vector.shape_cast %xor3A_310 : vector<16xi32> to vector<16x1xi32>
      %gather3A_312 = vector.shape_cast %broadcast_in_dim3A_311 : vector<16x1xi32> to vector<16xi32>
      %gather3A_313 = tpu.dynamic_gather %max3A_307[%gather3A_312] in [0] : vector<16xf32>, vector<16xi32> -> vector<16xf32>
      %max3A_314 = arith.maximumf %max3A_307, %gather3A_313 : vector<16xf32>
      %eq3A_315 = arith.cmpf oeq, %scan3A_285#0, %max3A_314 : vector<16xf32>
      %jit3A_316 = arith.constant 1073741824 : i32
      %broadcast_in_dim3A_317 = vector.broadcast %jit3A_316 : i32 to vector<16xi32>
      %select_n3A_318 = arith.select %eq3A_315, %scan3A_285#1, %broadcast_in_dim3A_317 : vector<16xi1>, vector<16xi32>
      %xor3A_319 = arith.constant 1 : i32
      %xor3A_320 = vector.broadcast %xor3A_319 : i32 to vector<16xi32>
      %xor3A_321 = arith.xori %iota3A, %xor3A_320 : vector<16xi32>
      %broadcast_in_dim3A_322 = vector.shape_cast %xor3A_321 : vector<16xi32> to vector<16x1xi32>
      %gather3A_323 = vector.shape_cast %broadcast_in_dim3A_322 : vector<16x1xi32> to vector<16xi32>
      %gather3A_324 = tpu.dynamic_gather %select_n3A_318[%gather3A_323] in [0] : vector<16xi32>, vector<16xi32> -> vector<16xi32>
      %min3A_325 = arith.minsi %select_n3A_318, %gather3A_324 : vector<16xi32>
      %xor3A_326 = arith.constant 2 : i32
      %xor3A_327 = vector.broadcast %xor3A_326 : i32 to vector<16xi32>
      %xor3A_328 = arith.xori %iota3A, %xor3A_327 : vector<16xi32>
      %broadcast_in_dim3A_329 = vector.shape_cast %xor3A_328 : vector<16xi32> to vector<16x1xi32>
      %gather3A_330 = vector.shape_cast %broadcast_in_dim3A_329 : vector<16x1xi32> to vector<16xi32>
      %gather3A_331 = tpu.dynamic_gather %min3A_325[%gather3A_330] in [0] : vector<16xi32>, vector<16xi32> -> vector<16xi32>
      %min3A_332 = arith.minsi %min3A_325, %gather3A_331 : vector<16xi32>
      %xor3A_333 = arith.constant 4 : i32
      %xor3A_334 = vector.broadcast %xor3A_333 : i32 to vector<16xi32>
      %xor3A_335 = arith.xori %iota3A, %xor3A_334 : vector<16xi32>
      %broadcast_in_dim3A_336 = vector.shape_cast %xor3A_335 : vector<16xi32> to vector<16x1xi32>
      %gather3A_337 = vector.shape_cast %broadcast_in_dim3A_336 : vector<16x1xi32> to vector<16xi32>
      %gather3A_338 = tpu.dynamic_gather %min3A_332[%gather3A_337] in [0] : vector<16xi32>, vector<16xi32> -> vector<16xi32>
      %min3A_339 = arith.minsi %min3A_332, %gather3A_338 : vector<16xi32>
      %xor3A_340 = arith.constant 8 : i32
      %xor3A_341 = vector.broadcast %xor3A_340 : i32 to vector<16xi32>
      %xor3A_342 = arith.xori %iota3A, %xor3A_341 : vector<16xi32>
      %broadcast_in_dim3A_343 = vector.shape_cast %xor3A_342 : vector<16xi32> to vector<16x1xi32>
      %gather3A_344 = vector.shape_cast %broadcast_in_dim3A_343 : vector<16x1xi32> to vector<16xi32>
      %gather3A_345 = tpu.dynamic_gather %min3A_339[%gather3A_344] in [0] : vector<16xi32>, vector<16xi32> -> vector<16xi32>
      %min3A_346 = arith.minsi %min3A_339, %gather3A_345 : vector<16xi32>
      %eq3A_347 = arith.constant 1 : i32
      %eq3A_348 = vector.broadcast %eq3A_347 : i32 to vector<16xi32>
      %eq3A_349 = arith.cmpi eq, %iota3A, %eq3A_348 : vector<16xi32>
      %select_n3A_350 = arith.select %eq3A_349, %min3A_346, %select_n3A_85 : vector<16xi1>, vector<16xi32>
      %slice3A_351 = vector.extract_strided_slice %min3A_346 {offsets = [0], sizes = [1], strides = [1]} : vector<16xi32> to vector<1xi32>
      %squeeze3A_352 = vector.extract %slice3A_351[0] : i32 from vector<1xi32>
      %jit3A_353 = arith.constant 16 : i32
      %div3A_354 = arith.divsi %squeeze3A_352, %jit3A_353 : i32
      %sign3A_355 = arith.constant 0 : i32
      %sign3A_356 = arith.cmpi sgt, %squeeze3A_352, %sign3A_355 : i32
      %sign3A_357 = arith.extui %sign3A_356 : i1 to i32
      %sign3A_358 = arith.constant 0 : i32
      %sign3A_359 = arith.cmpi slt, %squeeze3A_352, %sign3A_358 : i32
      %sign3A_360 = arith.extui %sign3A_359 : i1 to i32
      %sign3A_361 = arith.subi %sign3A_357, %sign3A_360 : i32
      %sign3A_362 = arith.constant 0 : i32
      %sign3A_363 = arith.cmpi sgt, %jit3A_353, %sign3A_362 : i32
      %sign3A_364 = arith.extui %sign3A_363 : i1 to i32
      %sign3A_365 = arith.constant 0 : i32
      %sign3A_366 = arith.cmpi slt, %jit3A_353, %sign3A_365 : i32
      %sign3A_367 = arith.extui %sign3A_366 : i1 to i32
      %sign3A_368 = arith.subi %sign3A_364, %sign3A_367 : i32
      %ne3A_369 = arith.cmpi ne, %sign3A_361, %sign3A_368 : i32
      %rem3A_370 = arith.remsi %squeeze3A_352, %jit3A_353 : i32
      %ne3A_371 = arith.constant 0 : i32
      %ne3A_372 = arith.cmpi ne, %rem3A_370, %ne3A_371 : i32
      %and3A_373 = arith.andi %ne3A_369, %ne3A_372 : i1
      %sub3A_374 = arith.constant 1 : i32
      %sub3A_375 = arith.subi %div3A_354, %sub3A_374 : i32
      %select_n3A_376 = arith.select %and3A_373, %sub3A_375, %div3A_354 : i32
      %mul3A_377 = arith.constant 16 : i32
      %mul3A_378 = arith.muli %select_n3A_376, %mul3A_377 : i32
      %add3A_379 = vector.broadcast %mul3A_378 : i32 to vector<16xi32>
      %add3A_380 = arith.addi %add3A_379, %iota3A : vector<16xi32>
      %eq3A_381 = vector.broadcast %squeeze3A_352 : i32 to vector<16xi32>
      %eq3A_382 = arith.cmpi eq, %add3A_380, %eq3A_381 : vector<16xi32>
      %get3A_383 = arith.index_cast %mul3A_378 : i32 to index
      %get3A_384 = tpu.vector_load %arg6[%get3A_383] {strides = array<i32>} : memref<2048xf32, #tpu.memory_space<vmem>>, vector<16xf32>,
      %get3A_385 = vector.shape_cast %get3A_384 : vector<16xf32> to vector<16xf32>
      %broadcast_in_dim3A_386 = arith.constant 0xFF800000 : f32
      %broadcast_in_dim3A_387 = vector.broadcast %broadcast_in_dim3A_386 : f32 to vector<16xf32>
      %select_n3A_388 = arith.select %eq3A_382, %broadcast_in_dim3A_387, %get3A_385 : vector<16xi1>, vector<16xf32>
      %swap3A_389 = arith.index_cast %mul3A_378 : i32 to index
      %swap3A_390 = tpu.vector_load %arg6[%swap3A_389] {strides = array<i32>} : memref<2048xf32, #tpu.memory_space<vmem>>, vector<16xf32>,
      %swap3A_391 = vector.shape_cast %swap3A_390 : vector<16xf32> to vector<16xf32>
      %swap3A_392 = vector.shape_cast %select_n3A_388 : vector<16xf32> to vector<16xf32>
      tpu.vector_store %arg6[%swap3A_389], %swap3A_392 {strides = array<i32>} : memref<2048xf32, #tpu.memory_space<vmem>>, vector<16xf32>,
      %get3A_393 = arith.constant 0 : i32
      %get3A_394 = arith.index_cast %get3A_393 : i32 to index
      %get3A_395 = arith.index_cast %mul3A_378 : i32 to index
      %get3A_396 = tpu.vector_load %arg5[%get3A_394, %get3A_395] {strides = array<i32>} : memref<4x2048xf32, #tpu.memory_space<vmem>>, vector<1x16xf32>,
      %get3A_397 = vector.shape_cast %get3A_396 : vector<1x16xf32> to vector<16xf32>
      %jit3A_398 = arith.constant 0.000000e+00 : f32
      %broadcast_in_dim3A_399 = vector.broadcast %jit3A_398 : f32 to vector<16xf32>
      %select_n3A_400 = arith.select %eq3A_382, %get3A_397, %broadcast_in_dim3A_399 : vector<16xi1>, vector<16xf32>
      %xor3A_401 = arith.constant 1 : i32
      %xor3A_402 = vector.broadcast %xor3A_401 : i32 to vector<16xi32>
      %xor3A_403 = arith.xori %iota3A, %xor3A_402 : vector<16xi32>
      %broadcast_in_dim3A_404 = vector.shape_cast %xor3A_403 : vector<16xi32> to vector<16x1xi32>
      %gather3A_405 = vector.shape_cast %broadcast_in_dim3A_404 : vector<16x1xi32> to vector<16xi32>
      %gather3A_406 = tpu.dynamic_gather %select_n3A_400[%gather3A_405] in [0] : vector<16xf32>, vector<16xi32> -> vector<16xf32>
      %add3A_407 = arith.addf %select_n3A_400, %gather3A_406 : vector<16xf32>
      %xor3A_408 = arith.constant 2 : i32
      %xor3A_409 = vector.broadcast %xor3A_408 : i32 to vector<16xi32>
      %xor3A_410 = arith.xori %iota3A, %xor3A_409 : vector<16xi32>
      %broadcast_in_dim3A_411 = vector.shape_cast %xor3A_410 : vector<16xi32> to vector<16x1xi32>
      %gather3A_412 = vector.shape_cast %broadcast_in_dim3A_411 : vector<16x1xi32> to vector<16xi32>
      %gather3A_413 = tpu.dynamic_gather %add3A_407[%gather3A_412] in [0] : vector<16xf32>, vector<16xi32> -> vector<16xf32>
      %add3A_414 = arith.addf %add3A_407, %gather3A_413 : vector<16xf32>
      %xor3A_415 = arith.constant 4 : i32
      %xor3A_416 = vector.broadcast %xor3A_415 : i32 to vector<16xi32>
      %xor3A_417 = arith.xori %iota3A, %xor3A_416 : vector<16xi32>
      %broadcast_in_dim3A_418 = vector.shape_cast %xor3A_417 : vector<16xi32> to vector<16x1xi32>
      %gather3A_419 = vector.shape_cast %broadcast_in_dim3A_418 : vector<16x1xi32> to vector<16xi32>
      %gather3A_420 = tpu.dynamic_gather %add3A_414[%gather3A_419] in [0] : vector<16xf32>, vector<16xi32> -> vector<16xf32>
      %add3A_421 = arith.addf %add3A_414, %gather3A_420 : vector<16xf32>
      %xor3A_422 = arith.constant 8 : i32
      %xor3A_423 = vector.broadcast %xor3A_422 : i32 to vector<16xi32>
      %xor3A_424 = arith.xori %iota3A, %xor3A_423 : vector<16xi32>
      %broadcast_in_dim3A_425 = vector.shape_cast %xor3A_424 : vector<16xi32> to vector<16x1xi32>
      %gather3A_426 = vector.shape_cast %broadcast_in_dim3A_425 : vector<16x1xi32> to vector<16xi32>
      %gather3A_427 = tpu.dynamic_gather %add3A_421[%gather3A_426] in [0] : vector<16xf32>, vector<16xi32> -> vector<16xf32>
      %add3A_428 = arith.addf %add3A_421, %gather3A_427 : vector<16xf32>
      %eq3A_429 = arith.constant 1 : i32
      %eq3A_430 = vector.broadcast %eq3A_429 : i32 to vector<16xi32>
      %eq3A_431 = arith.cmpi eq, %iota3A, %eq3A_430 : vector<16xi32>
      %select_n3A_432 = arith.select %eq3A_431, %add3A_428, %select_n3A_156 : vector<16xi1>, vector<16xf32>
      %get3A_433 = arith.constant 1 : i32
      %get3A_434 = arith.index_cast %get3A_433 : i32 to index
      %get3A_435 = arith.index_cast %mul3A_378 : i32 to index
      %get3A_436 = tpu.vector_load %arg5[%get3A_434, %get3A_435] {strides = array<i32>} : memref<4x2048xf32, #tpu.memory_space<vmem>>, vector<1x16xf32>,
      %get3A_437 = vector.shape_cast %get3A_436 : vector<1x16xf32> to vector<16xf32>
      %jit3A_438 = arith.constant 0.000000e+00 : f32
      %broadcast_in_dim3A_439 = vector.broadcast %jit3A_438 : f32 to vector<16xf32>
      %select_n3A_440 = arith.select %eq3A_382, %get3A_437, %broadcast_in_dim3A_439 : vector<16xi1>, vector<16xf32>
      %xor3A_441 = arith.constant 1 : i32
      %xor3A_442 = vector.broadcast %xor3A_441 : i32 to vector<16xi32>
      %xor3A_443 = arith.xori %iota3A, %xor3A_442 : vector<16xi32>
      %broadcast_in_dim3A_444 = vector.shape_cast %xor3A_443 : vector<16xi32> to vector<16x1xi32>
      %gather3A_445 = vector.shape_cast %broadcast_in_dim3A_444 : vector<16x1xi32> to vector<16xi32>
      %gather3A_446 = tpu.dynamic_gather %select_n3A_440[%gather3A_445] in [0] : vector<16xf32>, vector<16xi32> -> vector<16xf32>
      %add3A_447 = arith.addf %select_n3A_440, %gather3A_446 : vector<16xf32>
      %xor3A_448 = arith.constant 2 : i32
      %xor3A_449 = vector.broadcast %xor3A_448 : i32 to vector<16xi32>
      %xor3A_450 = arith.xori %iota3A, %xor3A_449 : vector<16xi32>
      %broadcast_in_dim3A_451 = vector.shape_cast %xor3A_450 : vector<16xi32> to vector<16x1xi32>
      %gather3A_452 = vector.shape_cast %broadcast_in_dim3A_451 : vector<16x1xi32> to vector<16xi32>
      %gather3A_453 = tpu.dynamic_gather %add3A_447[%gather3A_452] in [0] : vector<16xf32>, vector<16xi32> -> vector<16xf32>
      %add3A_454 = arith.addf %add3A_447, %gather3A_453 : vector<16xf32>
      %xor3A_455 = arith.constant 4 : i32
      %xor3A_456 = vector.broadcast %xor3A_455 : i32 to vector<16xi32>
      %xor3A_457 = arith.xori %iota3A, %xor3A_456 : vector<16xi32>
      %broadcast_in_dim3A_458 = vector.shape_cast %xor3A_457 : vector<16xi32> to vector<16x1xi32>
      %gather3A_459 = vector.shape_cast %broadcast_in_dim3A_458 : vector<16x1xi32> to vector<16xi32>
      %gather3A_460 = tpu.dynamic_gather %add3A_454[%gather3A_459] in [0] : vector<16xf32>, vector<16xi32> -> vector<16xf32>
      %add3A_461 = arith.addf %add3A_454, %gather3A_460 : vector<16xf32>
      %xor3A_462 = arith.constant 8 : i32
      %xor3A_463 = vector.broadcast %xor3A_462 : i32 to vector<16xi32>
      %xor3A_464 = arith.xori %iota3A, %xor3A_463 : vector<16xi32>
      %broadcast_in_dim3A_465 = vector.shape_cast %xor3A_464 : vector<16xi32> to vector<16x1xi32>
      %gather3A_466 = vector.shape_cast %broadcast_in_dim3A_465 : vector<16x1xi32> to vector<16xi32>
      %gather3A_467 = tpu.dynamic_gather %add3A_461[%gather3A_466] in [0] : vector<16xf32>, vector<16xi32> -> vector<16xf32>
      %add3A_468 = arith.addf %add3A_461, %gather3A_467 : vector<16xf32>
      %eq3A_469 = arith.constant 1 : i32
      %eq3A_470 = vector.broadcast %eq3A_469 : i32 to vector<16xi32>
      %eq3A_471 = arith.cmpi eq, %iota3A, %eq3A_470 : vector<16xi32>
      %select_n3A_472 = arith.select %eq3A_471, %add3A_468, %select_n3A_196 : vector<16xi1>, vector<16xf32>
      %get3A_473 = arith.constant 2 : i32
      %get3A_474 = arith.index_cast %get3A_473 : i32 to index
      %get3A_475 = arith.index_cast %mul3A_378 : i32 to index
      %get3A_476 = tpu.vector_load %arg5[%get3A_474, %get3A_475] {strides = array<i32>} : memref<4x2048xf32, #tpu.memory_space<vmem>>, vector<1x16xf32>,
      %get3A_477 = vector.shape_cast %get3A_476 : vector<1x16xf32> to vector<16xf32>
      %jit3A_478 = arith.constant 0.000000e+00 : f32
      %broadcast_in_dim3A_479 = vector.broadcast %jit3A_478 : f32 to vector<16xf32>
      %select_n3A_480 = arith.select %eq3A_382, %get3A_477, %broadcast_in_dim3A_479 : vector<16xi1>, vector<16xf32>
      %xor3A_481 = arith.constant 1 : i32
      %xor3A_482 = vector.broadcast %xor3A_481 : i32 to vector<16xi32>
      %xor3A_483 = arith.xori %iota3A, %xor3A_482 : vector<16xi32>
      %broadcast_in_dim3A_484 = vector.shape_cast %xor3A_483 : vector<16xi32> to vector<16x1xi32>
      %gather3A_485 = vector.shape_cast %broadcast_in_dim3A_484 : vector<16x1xi32> to vector<16xi32>
      %gather3A_486 = tpu.dynamic_gather %select_n3A_480[%gather3A_485] in [0] : vector<16xf32>, vector<16xi32> -> vector<16xf32>
      %add3A_487 = arith.addf %select_n3A_480, %gather3A_486 : vector<16xf32>
      %xor3A_488 = arith.constant 2 : i32
      %xor3A_489 = vector.broadcast %xor3A_488 : i32 to vector<16xi32>
      %xor3A_490 = arith.xori %iota3A, %xor3A_489 : vector<16xi32>
      %broadcast_in_dim3A_491 = vector.shape_cast %xor3A_490 : vector<16xi32> to vector<16x1xi32>
      %gather3A_492 = vector.shape_cast %broadcast_in_dim3A_491 : vector<16x1xi32> to vector<16xi32>
      %gather3A_493 = tpu.dynamic_gather %add3A_487[%gather3A_492] in [0] : vector<16xf32>, vector<16xi32> -> vector<16xf32>
      %add3A_494 = arith.addf %add3A_487, %gather3A_493 : vector<16xf32>
      %xor3A_495 = arith.constant 4 : i32
      %xor3A_496 = vector.broadcast %xor3A_495 : i32 to vector<16xi32>
      %xor3A_497 = arith.xori %iota3A, %xor3A_496 : vector<16xi32>
      %broadcast_in_dim3A_498 = vector.shape_cast %xor3A_497 : vector<16xi32> to vector<16x1xi32>
      %gather3A_499 = vector.shape_cast %broadcast_in_dim3A_498 : vector<16x1xi32> to vector<16xi32>
      %gather3A_500 = tpu.dynamic_gather %add3A_494[%gather3A_499] in [0] : vector<16xf32>, vector<16xi32> -> vector<16xf32>
      %add3A_501 = arith.addf %add3A_494, %gather3A_500 : vector<16xf32>
      %xor3A_502 = arith.constant 8 : i32
      %xor3A_503 = vector.broadcast %xor3A_502 : i32 to vector<16xi32>
      %xor3A_504 = arith.xori %iota3A, %xor3A_503 : vector<16xi32>
      %broadcast_in_dim3A_505 = vector.shape_cast %xor3A_504 : vector<16xi32> to vector<16x1xi32>
      %gather3A_506 = vector.shape_cast %broadcast_in_dim3A_505 : vector<16x1xi32> to vector<16xi32>
      %gather3A_507 = tpu.dynamic_gather %add3A_501[%gather3A_506] in [0] : vector<16xf32>, vector<16xi32> -> vector<16xf32>
      %add3A_508 = arith.addf %add3A_501, %gather3A_507 : vector<16xf32>
      %eq3A_509 = arith.constant 1 : i32
      %eq3A_510 = vector.broadcast %eq3A_509 : i32 to vector<16xi32>
      %eq3A_511 = arith.cmpi eq, %iota3A, %eq3A_510 : vector<16xi32>
      %select_n3A_512 = arith.select %eq3A_511, %add3A_508, %select_n3A_236 : vector<16xi1>, vector<16xf32>
      %get3A_513 = arith.constant 3 : i32
      %get3A_514 = arith.index_cast %get3A_513 : i32 to index
      %get3A_515 = arith.index_cast %mul3A_378 : i32 to index
      %get3A_516 = tpu.vector_load %arg5[%get3A_514, %get3A_515] {strides = array<i32>} : memref<4x2048xf32, #tpu.memory_space<vmem>>, vector<1x16xf32>,
      %get3A_517 = vector.shape_cast %get3A_516 : vector<1x16xf32> to vector<16xf32>
      %jit3A_518 = arith.constant 0.000000e+00 : f32
      %broadcast_in_dim3A_519 = vector.broadcast %jit3A_518 : f32 to vector<16xf32>
      %select_n3A_520 = arith.select %eq3A_382, %get3A_517, %broadcast_in_dim3A_519 : vector<16xi1>, vector<16xf32>
      %xor3A_521 = arith.constant 1 : i32
      %xor3A_522 = vector.broadcast %xor3A_521 : i32 to vector<16xi32>
      %xor3A_523 = arith.xori %iota3A, %xor3A_522 : vector<16xi32>
      %broadcast_in_dim3A_524 = vector.shape_cast %xor3A_523 : vector<16xi32> to vector<16x1xi32>
      %gather3A_525 = vector.shape_cast %broadcast_in_dim3A_524 : vector<16x1xi32> to vector<16xi32>
      %gather3A_526 = tpu.dynamic_gather %select_n3A_520[%gather3A_525] in [0] : vector<16xf32>, vector<16xi32> -> vector<16xf32>
      %add3A_527 = arith.addf %select_n3A_520, %gather3A_526 : vector<16xf32>
      %xor3A_528 = arith.constant 2 : i32
      %xor3A_529 = vector.broadcast %xor3A_528 : i32 to vector<16xi32>
      %xor3A_530 = arith.xori %iota3A, %xor3A_529 : vector<16xi32>
      %broadcast_in_dim3A_531 = vector.shape_cast %xor3A_530 : vector<16xi32> to vector<16x1xi32>
      %gather3A_532 = vector.shape_cast %broadcast_in_dim3A_531 : vector<16x1xi32> to vector<16xi32>
      %gather3A_533 = tpu.dynamic_gather %add3A_527[%gather3A_532] in [0] : vector<16xf32>, vector<16xi32> -> vector<16xf32>
      %add3A_534 = arith.addf %add3A_527, %gather3A_533 : vector<16xf32>
      %xor3A_535 = arith.constant 4 : i32
      %xor3A_536 = vector.broadcast %xor3A_535 : i32 to vector<16xi32>
      %xor3A_537 = arith.xori %iota3A, %xor3A_536 : vector<16xi32>
      %broadcast_in_dim3A_538 = vector.shape_cast %xor3A_537 : vector<16xi32> to vector<16x1xi32>
      %gather3A_539 = vector.shape_cast %broadcast_in_dim3A_538 : vector<16x1xi32> to vector<16xi32>
      %gather3A_540 = tpu.dynamic_gather %add3A_534[%gather3A_539] in [0] : vector<16xf32>, vector<16xi32> -> vector<16xf32>
      %add3A_541 = arith.addf %add3A_534, %gather3A_540 : vector<16xf32>
      %xor3A_542 = arith.constant 8 : i32
      %xor3A_543 = vector.broadcast %xor3A_542 : i32 to vector<16xi32>
      %xor3A_544 = arith.xori %iota3A, %xor3A_543 : vector<16xi32>
      %broadcast_in_dim3A_545 = vector.shape_cast %xor3A_544 : vector<16xi32> to vector<16x1xi32>
      %gather3A_546 = vector.shape_cast %broadcast_in_dim3A_545 : vector<16x1xi32> to vector<16xi32>
      %gather3A_547 = tpu.dynamic_gather %add3A_541[%gather3A_546] in [0] : vector<16xf32>, vector<16xi32> -> vector<16xf32>
      %add3A_548 = arith.addf %add3A_541, %gather3A_547 : vector<16xf32>
      %eq3A_549 = arith.constant 1 : i32
      %eq3A_550 = vector.broadcast %eq3A_549 : i32 to vector<16xi32>
      %eq3A_551 = arith.cmpi eq, %iota3A, %eq3A_550 : vector<16xi32>
      %select_n3A_552 = arith.select %eq3A_551, %add3A_548, %select_n3A_276 : vector<16xi1>, vector<16xf32>
      %broadcast_in_dim3A_553 = arith.constant 0xFF800000 : f32
      %broadcast_in_dim3A_554 = vector.broadcast %broadcast_in_dim3A_553 : f32 to vector<16xf32>
      %broadcast_in_dim3A_555 = arith.constant 0 : i32
      %broadcast_in_dim3A_556 = vector.broadcast %broadcast_in_dim3A_555 : i32 to vector<16xi32>
      %scan3A_557 = arith.constant 0 : i32
      %scan3A_558 = arith.constant 128 : i32
      %scan3A_559 = arith.addi %scan3A_557, %scan3A_558 : i32
      %scan3A_560 = arith.constant 1 : i32
      %scan3A_561:2 = scf.for %scan3A_2222 = %scan3A_557 to %scan3A_559 step %scan3A_560 iter_args(%scan3A_2223 = %broadcast_in_dim3A_554, %scan3A_2224 = %broadcast_in_dim3A_556) -> (vector<16xf32>, vector<16xi32>)  : i32 {
        %mul3A_2225 = arith.constant 16 : i32
        %mul3A_2226 = arith.muli %scan3A_2222, %mul3A_2225 : i32
        %get3A_2227 = arith.index_cast %mul3A_2226 : i32 to index
        %get3A_2228 = tpu.vector_load %arg6[%get3A_2227] {strides = array<i32>} : memref<2048xf32, #tpu.memory_space<vmem>>, vector<16xf32>,
        %get3A_2229 = vector.shape_cast %get3A_2228 : vector<16xf32> to vector<16xf32>
        %mul3A_2230 = arith.constant 16 : i32
        %mul3A_2231 = arith.muli %scan3A_2222, %mul3A_2230 : i32
        %add3A_2232 = vector.broadcast %mul3A_2231 : i32 to vector<16xi32>
        %add3A_2233 = arith.addi %add3A_2232, %iota3A : vector<16xi32>
        %gt3A = arith.cmpf ogt, %get3A_2229, %scan3A_2223 : vector<16xf32>
        %select_n3A_2234 = arith.select %gt3A, %get3A_2229, %scan3A_2223 : vector<16xi1>, vector<16xf32>
        %select_n3A_2235 = arith.select %gt3A, %add3A_2233, %scan3A_2224 : vector<16xi1>, vector<16xi32>
        scf.yield %select_n3A_2234, %select_n3A_2235 : vector<16xf32>, vector<16xi32>
      }
      %scan3A_562 = arith.constant 128 : i32
      %xor3A_563 = arith.constant 1 : i32
      %xor3A_564 = vector.broadcast %xor3A_563 : i32 to vector<16xi32>
      %xor3A_565 = arith.xori %iota3A, %xor3A_564 : vector<16xi32>
      %broadcast_in_dim3A_566 = vector.shape_cast %xor3A_565 : vector<16xi32> to vector<16x1xi32>
      %gather3A_567 = vector.shape_cast %broadcast_in_dim3A_566 : vector<16x1xi32> to vector<16xi32>
      %gather3A_568 = tpu.dynamic_gather %scan3A_561#0[%gather3A_567] in [0] : vector<16xf32>, vector<16xi32> -> vector<16xf32>
      %max3A_569 = arith.maximumf %scan3A_561#0, %gather3A_568 : vector<16xf32>
      %xor3A_570 = arith.constant 2 : i32
      %xor3A_571 = vector.broadcast %xor3A_570 : i32 to vector<16xi32>
      %xor3A_572 = arith.xori %iota3A, %xor3A_571 : vector<16xi32>
      %broadcast_in_dim3A_573 = vector.shape_cast %xor3A_572 : vector<16xi32> to vector<16x1xi32>
      %gather3A_574 = vector.shape_cast %broadcast_in_dim3A_573 : vector<16x1xi32> to vector<16xi32>
      %gather3A_575 = tpu.dynamic_gather %max3A_569[%gather3A_574] in [0] : vector<16xf32>, vector<16xi32> -> vector<16xf32>
      %max3A_576 = arith.maximumf %max3A_569, %gather3A_575 : vector<16xf32>
      %xor3A_577 = arith.constant 4 : i32
      %xor3A_578 = vector.broadcast %xor3A_577 : i32 to vector<16xi32>
      %xor3A_579 = arith.xori %iota3A, %xor3A_578 : vector<16xi32>
      %broadcast_in_dim3A_580 = vector.shape_cast %xor3A_579 : vector<16xi32> to vector<16x1xi32>
      %gather3A_581 = vector.shape_cast %broadcast_in_dim3A_580 : vector<16x1xi32> to vector<16xi32>
      %gather3A_582 = tpu.dynamic_gather %max3A_576[%gather3A_581] in [0] : vector<16xf32>, vector<16xi32> -> vector<16xf32>
      %max3A_583 = arith.maximumf %max3A_576, %gather3A_582 : vector<16xf32>
      %xor3A_584 = arith.constant 8 : i32
      %xor3A_585 = vector.broadcast %xor3A_584 : i32 to vector<16xi32>
      %xor3A_586 = arith.xori %iota3A, %xor3A_585 : vector<16xi32>
      %broadcast_in_dim3A_587 = vector.shape_cast %xor3A_586 : vector<16xi32> to vector<16x1xi32>
      %gather3A_588 = vector.shape_cast %broadcast_in_dim3A_587 : vector<16x1xi32> to vector<16xi32>
      %gather3A_589 = tpu.dynamic_gather %max3A_583[%gather3A_588] in [0] : vector<16xf32>, vector<16xi32> -> vector<16xf32>
      %max3A_590 = arith.maximumf %max3A_583, %gather3A_589 : vector<16xf32>
      %eq3A_591 = arith.cmpf oeq, %scan3A_561#0, %max3A_590 : vector<16xf32>
      %jit3A_592 = arith.constant 1073741824 : i32
      %broadcast_in_dim3A_593 = vector.broadcast %jit3A_592 : i32 to vector<16xi32>
      %select_n3A_594 = arith.select %eq3A_591, %scan3A_561#1, %broadcast_in_dim3A_593 : vector<16xi1>, vector<16xi32>
      %xor3A_595 = arith.constant 1 : i32
      %xor3A_596 = vector.broadcast %xor3A_595 : i32 to vector<16xi32>
      %xor3A_597 = arith.xori %iota3A, %xor3A_596 : vector<16xi32>
      %broadcast_in_dim3A_598 = vector.shape_cast %xor3A_597 : vector<16xi32> to vector<16x1xi32>
      %gather3A_599 = vector.shape_cast %broadcast_in_dim3A_598 : vector<16x1xi32> to vector<16xi32>
      %gather3A_600 = tpu.dynamic_gather %select_n3A_594[%gather3A_599] in [0] : vector<16xi32>, vector<16xi32> -> vector<16xi32>
      %min3A_601 = arith.minsi %select_n3A_594, %gather3A_600 : vector<16xi32>
      %xor3A_602 = arith.constant 2 : i32
      %xor3A_603 = vector.broadcast %xor3A_602 : i32 to vector<16xi32>
      %xor3A_604 = arith.xori %iota3A, %xor3A_603 : vector<16xi32>
      %broadcast_in_dim3A_605 = vector.shape_cast %xor3A_604 : vector<16xi32> to vector<16x1xi32>
      %gather3A_606 = vector.shape_cast %broadcast_in_dim3A_605 : vector<16x1xi32> to vector<16xi32>
      %gather3A_607 = tpu.dynamic_gather %min3A_601[%gather3A_606] in [0] : vector<16xi32>, vector<16xi32> -> vector<16xi32>
      %min3A_608 = arith.minsi %min3A_601, %gather3A_607 : vector<16xi32>
      %xor3A_609 = arith.constant 4 : i32
      %xor3A_610 = vector.broadcast %xor3A_609 : i32 to vector<16xi32>
      %xor3A_611 = arith.xori %iota3A, %xor3A_610 : vector<16xi32>
      %broadcast_in_dim3A_612 = vector.shape_cast %xor3A_611 : vector<16xi32> to vector<16x1xi32>
      %gather3A_613 = vector.shape_cast %broadcast_in_dim3A_612 : vector<16x1xi32> to vector<16xi32>
      %gather3A_614 = tpu.dynamic_gather %min3A_608[%gather3A_613] in [0] : vector<16xi32>, vector<16xi32> -> vector<16xi32>
      %min3A_615 = arith.minsi %min3A_608, %gather3A_614 : vector<16xi32>
      %xor3A_616 = arith.constant 8 : i32
      %xor3A_617 = vector.broadcast %xor3A_616 : i32 to vector<16xi32>
      %xor3A_618 = arith.xori %iota3A, %xor3A_617 : vector<16xi32>
      %broadcast_in_dim3A_619 = vector.shape_cast %xor3A_618 : vector<16xi32> to vector<16x1xi32>
      %gather3A_620 = vector.shape_cast %broadcast_in_dim3A_619 : vector<16x1xi32> to vector<16xi32>
      %gather3A_621 = tpu.dynamic_gather %min3A_615[%gather3A_620] in [0] : vector<16xi32>, vector<16xi32> -> vector<16xi32>
      %min3A_622 = arith.minsi %min3A_615, %gather3A_621 : vector<16xi32>
      %eq3A_623 = arith.constant 2 : i32
      %eq3A_624 = vector.broadcast %eq3A_623 : i32 to vector<16xi32>
      %eq3A_625 = arith.cmpi eq, %iota3A, %eq3A_624 : vector<16xi32>
      %select_n3A_626 = arith.select %eq3A_625, %min3A_622, %select_n3A_350 : vector<16xi1>, vector<16xi32>
      %slice3A_627 = vector.extract_strided_slice %min3A_622 {offsets = [0], sizes = [1], strides = [1]} : vector<16xi32> to vector<1xi32>
      %squeeze3A_628 = vector.extract %slice3A_627[0] : i32 from vector<1xi32>
      %jit3A_629 = arith.constant 16 : i32
      %div3A_630 = arith.divsi %squeeze3A_628, %jit3A_629 : i32
      %sign3A_631 = arith.constant 0 : i32
      %sign3A_632 = arith.cmpi sgt, %squeeze3A_628, %sign3A_631 : i32
      %sign3A_633 = arith.extui %sign3A_632 : i1 to i32
      %sign3A_634 = arith.constant 0 : i32
      %sign3A_635 = arith.cmpi slt, %squeeze3A_628, %sign3A_634 : i32
      %sign3A_636 = arith.extui %sign3A_635 : i1 to i32
      %sign3A_637 = arith.subi %sign3A_633, %sign3A_636 : i32
      %sign3A_638 = arith.constant 0 : i32
      %sign3A_639 = arith.cmpi sgt, %jit3A_629, %sign3A_638 : i32
      %sign3A_640 = arith.extui %sign3A_639 : i1 to i32
      %sign3A_641 = arith.constant 0 : i32
      %sign3A_642 = arith.cmpi slt, %jit3A_629, %sign3A_641 : i32
      %sign3A_643 = arith.extui %sign3A_642 : i1 to i32
      %sign3A_644 = arith.subi %sign3A_640, %sign3A_643 : i32
      %ne3A_645 = arith.cmpi ne, %sign3A_637, %sign3A_644 : i32
      %rem3A_646 = arith.remsi %squeeze3A_628, %jit3A_629 : i32
      %ne3A_647 = arith.constant 0 : i32
      %ne3A_648 = arith.cmpi ne, %rem3A_646, %ne3A_647 : i32
      %and3A_649 = arith.andi %ne3A_645, %ne3A_648 : i1
      %sub3A_650 = arith.constant 1 : i32
      %sub3A_651 = arith.subi %div3A_630, %sub3A_650 : i32
      %select_n3A_652 = arith.select %and3A_649, %sub3A_651, %div3A_630 : i32
      %mul3A_653 = arith.constant 16 : i32
      %mul3A_654 = arith.muli %select_n3A_652, %mul3A_653 : i32
      %add3A_655 = vector.broadcast %mul3A_654 : i32 to vector<16xi32>
      %add3A_656 = arith.addi %add3A_655, %iota3A : vector<16xi32>
      %eq3A_657 = vector.broadcast %squeeze3A_628 : i32 to vector<16xi32>
      %eq3A_658 = arith.cmpi eq, %add3A_656, %eq3A_657 : vector<16xi32>
      %get3A_659 = arith.index_cast %mul3A_654 : i32 to index
      %get3A_660 = tpu.vector_load %arg6[%get3A_659] {strides = array<i32>} : memref<2048xf32, #tpu.memory_space<vmem>>, vector<16xf32>,
      %get3A_661 = vector.shape_cast %get3A_660 : vector<16xf32> to vector<16xf32>
      %broadcast_in_dim3A_662 = arith.constant 0xFF800000 : f32
      %broadcast_in_dim3A_663 = vector.broadcast %broadcast_in_dim3A_662 : f32 to vector<16xf32>
      %select_n3A_664 = arith.select %eq3A_658, %broadcast_in_dim3A_663, %get3A_661 : vector<16xi1>, vector<16xf32>
      %swap3A_665 = arith.index_cast %mul3A_654 : i32 to index
      %swap3A_666 = tpu.vector_load %arg6[%swap3A_665] {strides = array<i32>} : memref<2048xf32, #tpu.memory_space<vmem>>, vector<16xf32>,
      %swap3A_667 = vector.shape_cast %swap3A_666 : vector<16xf32> to vector<16xf32>
      %swap3A_668 = vector.shape_cast %select_n3A_664 : vector<16xf32> to vector<16xf32>
      tpu.vector_store %arg6[%swap3A_665], %swap3A_668 {strides = array<i32>} : memref<2048xf32, #tpu.memory_space<vmem>>, vector<16xf32>,
      %get3A_669 = arith.constant 0 : i32
      %get3A_670 = arith.index_cast %get3A_669 : i32 to index
      %get3A_671 = arith.index_cast %mul3A_654 : i32 to index
      %get3A_672 = tpu.vector_load %arg5[%get3A_670, %get3A_671] {strides = array<i32>} : memref<4x2048xf32, #tpu.memory_space<vmem>>, vector<1x16xf32>,
      %get3A_673 = vector.shape_cast %get3A_672 : vector<1x16xf32> to vector<16xf32>
      %jit3A_674 = arith.constant 0.000000e+00 : f32
      %broadcast_in_dim3A_675 = vector.broadcast %jit3A_674 : f32 to vector<16xf32>
      %select_n3A_676 = arith.select %eq3A_658, %get3A_673, %broadcast_in_dim3A_675 : vector<16xi1>, vector<16xf32>
      %xor3A_677 = arith.constant 1 : i32
      %xor3A_678 = vector.broadcast %xor3A_677 : i32 to vector<16xi32>
      %xor3A_679 = arith.xori %iota3A, %xor3A_678 : vector<16xi32>
      %broadcast_in_dim3A_680 = vector.shape_cast %xor3A_679 : vector<16xi32> to vector<16x1xi32>
      %gather3A_681 = vector.shape_cast %broadcast_in_dim3A_680 : vector<16x1xi32> to vector<16xi32>
      %gather3A_682 = tpu.dynamic_gather %select_n3A_676[%gather3A_681] in [0] : vector<16xf32>, vector<16xi32> -> vector<16xf32>
      %add3A_683 = arith.addf %select_n3A_676, %gather3A_682 : vector<16xf32>
      %xor3A_684 = arith.constant 2 : i32
      %xor3A_685 = vector.broadcast %xor3A_684 : i32 to vector<16xi32>
      %xor3A_686 = arith.xori %iota3A, %xor3A_685 : vector<16xi32>
      %broadcast_in_dim3A_687 = vector.shape_cast %xor3A_686 : vector<16xi32> to vector<16x1xi32>
      %gather3A_688 = vector.shape_cast %broadcast_in_dim3A_687 : vector<16x1xi32> to vector<16xi32>
      %gather3A_689 = tpu.dynamic_gather %add3A_683[%gather3A_688] in [0] : vector<16xf32>, vector<16xi32> -> vector<16xf32>
      %add3A_690 = arith.addf %add3A_683, %gather3A_689 : vector<16xf32>
      %xor3A_691 = arith.constant 4 : i32
      %xor3A_692 = vector.broadcast %xor3A_691 : i32 to vector<16xi32>
      %xor3A_693 = arith.xori %iota3A, %xor3A_692 : vector<16xi32>
      %broadcast_in_dim3A_694 = vector.shape_cast %xor3A_693 : vector<16xi32> to vector<16x1xi32>
      %gather3A_695 = vector.shape_cast %broadcast_in_dim3A_694 : vector<16x1xi32> to vector<16xi32>
      %gather3A_696 = tpu.dynamic_gather %add3A_690[%gather3A_695] in [0] : vector<16xf32>, vector<16xi32> -> vector<16xf32>
      %add3A_697 = arith.addf %add3A_690, %gather3A_696 : vector<16xf32>
      %xor3A_698 = arith.constant 8 : i32
      %xor3A_699 = vector.broadcast %xor3A_698 : i32 to vector<16xi32>
      %xor3A_700 = arith.xori %iota3A, %xor3A_699 : vector<16xi32>
      %broadcast_in_dim3A_701 = vector.shape_cast %xor3A_700 : vector<16xi32> to vector<16x1xi32>
      %gather3A_702 = vector.shape_cast %broadcast_in_dim3A_701 : vector<16x1xi32> to vector<16xi32>
      %gather3A_703 = tpu.dynamic_gather %add3A_697[%gather3A_702] in [0] : vector<16xf32>, vector<16xi32> -> vector<16xf32>
      %add3A_704 = arith.addf %add3A_697, %gather3A_703 : vector<16xf32>
      %eq3A_705 = arith.constant 2 : i32
      %eq3A_706 = vector.broadcast %eq3A_705 : i32 to vector<16xi32>
      %eq3A_707 = arith.cmpi eq, %iota3A, %eq3A_706 : vector<16xi32>
      %select_n3A_708 = arith.select %eq3A_707, %add3A_704, %select_n3A_432 : vector<16xi1>, vector<16xf32>
      %get3A_709 = arith.constant 1 : i32
      %get3A_710 = arith.index_cast %get3A_709 : i32 to index
      %get3A_711 = arith.index_cast %mul3A_654 : i32 to index
      %get3A_712 = tpu.vector_load %arg5[%get3A_710, %get3A_711] {strides = array<i32>} : memref<4x2048xf32, #tpu.memory_space<vmem>>, vector<1x16xf32>,
      %get3A_713 = vector.shape_cast %get3A_712 : vector<1x16xf32> to vector<16xf32>
      %jit3A_714 = arith.constant 0.000000e+00 : f32
      %broadcast_in_dim3A_715 = vector.broadcast %jit3A_714 : f32 to vector<16xf32>
      %select_n3A_716 = arith.select %eq3A_658, %get3A_713, %broadcast_in_dim3A_715 : vector<16xi1>, vector<16xf32>
      %xor3A_717 = arith.constant 1 : i32
      %xor3A_718 = vector.broadcast %xor3A_717 : i32 to vector<16xi32>
      %xor3A_719 = arith.xori %iota3A, %xor3A_718 : vector<16xi32>
      %broadcast_in_dim3A_720 = vector.shape_cast %xor3A_719 : vector<16xi32> to vector<16x1xi32>
      %gather3A_721 = vector.shape_cast %broadcast_in_dim3A_720 : vector<16x1xi32> to vector<16xi32>
      %gather3A_722 = tpu.dynamic_gather %select_n3A_716[%gather3A_721] in [0] : vector<16xf32>, vector<16xi32> -> vector<16xf32>
      %add3A_723 = arith.addf %select_n3A_716, %gather3A_722 : vector<16xf32>
      %xor3A_724 = arith.constant 2 : i32
      %xor3A_725 = vector.broadcast %xor3A_724 : i32 to vector<16xi32>
      %xor3A_726 = arith.xori %iota3A, %xor3A_725 : vector<16xi32>
      %broadcast_in_dim3A_727 = vector.shape_cast %xor3A_726 : vector<16xi32> to vector<16x1xi32>
      %gather3A_728 = vector.shape_cast %broadcast_in_dim3A_727 : vector<16x1xi32> to vector<16xi32>
      %gather3A_729 = tpu.dynamic_gather %add3A_723[%gather3A_728] in [0] : vector<16xf32>, vector<16xi32> -> vector<16xf32>
      %add3A_730 = arith.addf %add3A_723, %gather3A_729 : vector<16xf32>
      %xor3A_731 = arith.constant 4 : i32
      %xor3A_732 = vector.broadcast %xor3A_731 : i32 to vector<16xi32>
      %xor3A_733 = arith.xori %iota3A, %xor3A_732 : vector<16xi32>
      %broadcast_in_dim3A_734 = vector.shape_cast %xor3A_733 : vector<16xi32> to vector<16x1xi32>
      %gather3A_735 = vector.shape_cast %broadcast_in_dim3A_734 : vector<16x1xi32> to vector<16xi32>
      %gather3A_736 = tpu.dynamic_gather %add3A_730[%gather3A_735] in [0] : vector<16xf32>, vector<16xi32> -> vector<16xf32>
      %add3A_737 = arith.addf %add3A_730, %gather3A_736 : vector<16xf32>
      %xor3A_738 = arith.constant 8 : i32
      %xor3A_739 = vector.broadcast %xor3A_738 : i32 to vector<16xi32>
      %xor3A_740 = arith.xori %iota3A, %xor3A_739 : vector<16xi32>
      %broadcast_in_dim3A_741 = vector.shape_cast %xor3A_740 : vector<16xi32> to vector<16x1xi32>
      %gather3A_742 = vector.shape_cast %broadcast_in_dim3A_741 : vector<16x1xi32> to vector<16xi32>
      %gather3A_743 = tpu.dynamic_gather %add3A_737[%gather3A_742] in [0] : vector<16xf32>, vector<16xi32> -> vector<16xf32>
      %add3A_744 = arith.addf %add3A_737, %gather3A_743 : vector<16xf32>
      %eq3A_745 = arith.constant 2 : i32
      %eq3A_746 = vector.broadcast %eq3A_745 : i32 to vector<16xi32>
      %eq3A_747 = arith.cmpi eq, %iota3A, %eq3A_746 : vector<16xi32>
      %select_n3A_748 = arith.select %eq3A_747, %add3A_744, %select_n3A_472 : vector<16xi1>, vector<16xf32>
      %get3A_749 = arith.constant 2 : i32
      %get3A_750 = arith.index_cast %get3A_749 : i32 to index
      %get3A_751 = arith.index_cast %mul3A_654 : i32 to index
      %get3A_752 = tpu.vector_load %arg5[%get3A_750, %get3A_751] {strides = array<i32>} : memref<4x2048xf32, #tpu.memory_space<vmem>>, vector<1x16xf32>,
      %get3A_753 = vector.shape_cast %get3A_752 : vector<1x16xf32> to vector<16xf32>
      %jit3A_754 = arith.constant 0.000000e+00 : f32
      %broadcast_in_dim3A_755 = vector.broadcast %jit3A_754 : f32 to vector<16xf32>
      %select_n3A_756 = arith.select %eq3A_658, %get3A_753, %broadcast_in_dim3A_755 : vector<16xi1>, vector<16xf32>
      %xor3A_757 = arith.constant 1 : i32
      %xor3A_758 = vector.broadcast %xor3A_757 : i32 to vector<16xi32>
      %xor3A_759 = arith.xori %iota3A, %xor3A_758 : vector<16xi32>
      %broadcast_in_dim3A_760 = vector.shape_cast %xor3A_759 : vector<16xi32> to vector<16x1xi32>
      %gather3A_761 = vector.shape_cast %broadcast_in_dim3A_760 : vector<16x1xi32> to vector<16xi32>
      %gather3A_762 = tpu.dynamic_gather %select_n3A_756[%gather3A_761] in [0] : vector<16xf32>, vector<16xi32> -> vector<16xf32>
      %add3A_763 = arith.addf %select_n3A_756, %gather3A_762 : vector<16xf32>
      %xor3A_764 = arith.constant 2 : i32
      %xor3A_765 = vector.broadcast %xor3A_764 : i32 to vector<16xi32>
      %xor3A_766 = arith.xori %iota3A, %xor3A_765 : vector<16xi32>
      %broadcast_in_dim3A_767 = vector.shape_cast %xor3A_766 : vector<16xi32> to vector<16x1xi32>
      %gather3A_768 = vector.shape_cast %broadcast_in_dim3A_767 : vector<16x1xi32> to vector<16xi32>
      %gather3A_769 = tpu.dynamic_gather %add3A_763[%gather3A_768] in [0] : vector<16xf32>, vector<16xi32> -> vector<16xf32>
      %add3A_770 = arith.addf %add3A_763, %gather3A_769 : vector<16xf32>
      %xor3A_771 = arith.constant 4 : i32
      %xor3A_772 = vector.broadcast %xor3A_771 : i32 to vector<16xi32>
      %xor3A_773 = arith.xori %iota3A, %xor3A_772 : vector<16xi32>
      %broadcast_in_dim3A_774 = vector.shape_cast %xor3A_773 : vector<16xi32> to vector<16x1xi32>
      %gather3A_775 = vector.shape_cast %broadcast_in_dim3A_774 : vector<16x1xi32> to vector<16xi32>
      %gather3A_776 = tpu.dynamic_gather %add3A_770[%gather3A_775] in [0] : vector<16xf32>, vector<16xi32> -> vector<16xf32>
      %add3A_777 = arith.addf %add3A_770, %gather3A_776 : vector<16xf32>
      %xor3A_778 = arith.constant 8 : i32
      %xor3A_779 = vector.broadcast %xor3A_778 : i32 to vector<16xi32>
      %xor3A_780 = arith.xori %iota3A, %xor3A_779 : vector<16xi32>
      %broadcast_in_dim3A_781 = vector.shape_cast %xor3A_780 : vector<16xi32> to vector<16x1xi32>
      %gather3A_782 = vector.shape_cast %broadcast_in_dim3A_781 : vector<16x1xi32> to vector<16xi32>
      %gather3A_783 = tpu.dynamic_gather %add3A_777[%gather3A_782] in [0] : vector<16xf32>, vector<16xi32> -> vector<16xf32>
      %add3A_784 = arith.addf %add3A_777, %gather3A_783 : vector<16xf32>
      %eq3A_785 = arith.constant 2 : i32
      %eq3A_786 = vector.broadcast %eq3A_785 : i32 to vector<16xi32>
      %eq3A_787 = arith.cmpi eq, %iota3A, %eq3A_786 : vector<16xi32>
      %select_n3A_788 = arith.select %eq3A_787, %add3A_784, %select_n3A_512 : vector<16xi1>, vector<16xf32>
      %get3A_789 = arith.constant 3 : i32
      %get3A_790 = arith.index_cast %get3A_789 : i32 to index
      %get3A_791 = arith.index_cast %mul3A_654 : i32 to index
      %get3A_792 = tpu.vector_load %arg5[%get3A_790, %get3A_791] {strides = array<i32>} : memref<4x2048xf32, #tpu.memory_space<vmem>>, vector<1x16xf32>,
      %get3A_793 = vector.shape_cast %get3A_792 : vector<1x16xf32> to vector<16xf32>
      %jit3A_794 = arith.constant 0.000000e+00 : f32
      %broadcast_in_dim3A_795 = vector.broadcast %jit3A_794 : f32 to vector<16xf32>
      %select_n3A_796 = arith.select %eq3A_658, %get3A_793, %broadcast_in_dim3A_795 : vector<16xi1>, vector<16xf32>
      %xor3A_797 = arith.constant 1 : i32
      %xor3A_798 = vector.broadcast %xor3A_797 : i32 to vector<16xi32>
      %xor3A_799 = arith.xori %iota3A, %xor3A_798 : vector<16xi32>
      %broadcast_in_dim3A_800 = vector.shape_cast %xor3A_799 : vector<16xi32> to vector<16x1xi32>
      %gather3A_801 = vector.shape_cast %broadcast_in_dim3A_800 : vector<16x1xi32> to vector<16xi32>
      %gather3A_802 = tpu.dynamic_gather %select_n3A_796[%gather3A_801] in [0] : vector<16xf32>, vector<16xi32> -> vector<16xf32>
      %add3A_803 = arith.addf %select_n3A_796, %gather3A_802 : vector<16xf32>
      %xor3A_804 = arith.constant 2 : i32
      %xor3A_805 = vector.broadcast %xor3A_804 : i32 to vector<16xi32>
      %xor3A_806 = arith.xori %iota3A, %xor3A_805 : vector<16xi32>
      %broadcast_in_dim3A_807 = vector.shape_cast %xor3A_806 : vector<16xi32> to vector<16x1xi32>
      %gather3A_808 = vector.shape_cast %broadcast_in_dim3A_807 : vector<16x1xi32> to vector<16xi32>
      %gather3A_809 = tpu.dynamic_gather %add3A_803[%gather3A_808] in [0] : vector<16xf32>, vector<16xi32> -> vector<16xf32>
      %add3A_810 = arith.addf %add3A_803, %gather3A_809 : vector<16xf32>
      %xor3A_811 = arith.constant 4 : i32
      %xor3A_812 = vector.broadcast %xor3A_811 : i32 to vector<16xi32>
      %xor3A_813 = arith.xori %iota3A, %xor3A_812 : vector<16xi32>
      %broadcast_in_dim3A_814 = vector.shape_cast %xor3A_813 : vector<16xi32> to vector<16x1xi32>
      %gather3A_815 = vector.shape_cast %broadcast_in_dim3A_814 : vector<16x1xi32> to vector<16xi32>
      %gather3A_816 = tpu.dynamic_gather %add3A_810[%gather3A_815] in [0] : vector<16xf32>, vector<16xi32> -> vector<16xf32>
      %add3A_817 = arith.addf %add3A_810, %gather3A_816 : vector<16xf32>
      %xor3A_818 = arith.constant 8 : i32
      %xor3A_819 = vector.broadcast %xor3A_818 : i32 to vector<16xi32>
      %xor3A_820 = arith.xori %iota3A, %xor3A_819 : vector<16xi32>
      %broadcast_in_dim3A_821 = vector.shape_cast %xor3A_820 : vector<16xi32> to vector<16x1xi32>
      %gather3A_822 = vector.shape_cast %broadcast_in_dim3A_821 : vector<16x1xi32> to vector<16xi32>
      %gather3A_823 = tpu.dynamic_gather %add3A_817[%gather3A_822] in [0] : vector<16xf32>, vector<16xi32> -> vector<16xf32>
      %add3A_824 = arith.addf %add3A_817, %gather3A_823 : vector<16xf32>
      %eq3A_825 = arith.constant 2 : i32
      %eq3A_826 = vector.broadcast %eq3A_825 : i32 to vector<16xi32>
      %eq3A_827 = arith.cmpi eq, %iota3A, %eq3A_826 : vector<16xi32>
      %select_n3A_828 = arith.select %eq3A_827, %add3A_824, %select_n3A_552 : vector<16xi1>, vector<16xf32>
      %broadcast_in_dim3A_829 = arith.constant 0xFF800000 : f32
      %broadcast_in_dim3A_830 = vector.broadcast %broadcast_in_dim3A_829 : f32 to vector<16xf32>
      %broadcast_in_dim3A_831 = arith.constant 0 : i32
      %broadcast_in_dim3A_832 = vector.broadcast %broadcast_in_dim3A_831 : i32 to vector<16xi32>
      %scan3A_833 = arith.constant 0 : i32
      %scan3A_834 = arith.constant 128 : i32
      %scan3A_835 = arith.addi %scan3A_833, %scan3A_834 : i32
      %scan3A_836 = arith.constant 1 : i32
      %scan3A_837:2 = scf.for %scan3A_2222 = %scan3A_833 to %scan3A_835 step %scan3A_836 iter_args(%scan3A_2223 = %broadcast_in_dim3A_830, %scan3A_2224 = %broadcast_in_dim3A_832) -> (vector<16xf32>, vector<16xi32>)  : i32 {
        %mul3A_2225 = arith.constant 16 : i32
        %mul3A_2226 = arith.muli %scan3A_2222, %mul3A_2225 : i32
        %get3A_2227 = arith.index_cast %mul3A_2226 : i32 to index
        %get3A_2228 = tpu.vector_load %arg6[%get3A_2227] {strides = array<i32>} : memref<2048xf32, #tpu.memory_space<vmem>>, vector<16xf32>,
        %get3A_2229 = vector.shape_cast %get3A_2228 : vector<16xf32> to vector<16xf32>
        %mul3A_2230 = arith.constant 16 : i32
        %mul3A_2231 = arith.muli %scan3A_2222, %mul3A_2230 : i32
        %add3A_2232 = vector.broadcast %mul3A_2231 : i32 to vector<16xi32>
        %add3A_2233 = arith.addi %add3A_2232, %iota3A : vector<16xi32>
        %gt3A = arith.cmpf ogt, %get3A_2229, %scan3A_2223 : vector<16xf32>
        %select_n3A_2234 = arith.select %gt3A, %get3A_2229, %scan3A_2223 : vector<16xi1>, vector<16xf32>
        %select_n3A_2235 = arith.select %gt3A, %add3A_2233, %scan3A_2224 : vector<16xi1>, vector<16xi32>
        scf.yield %select_n3A_2234, %select_n3A_2235 : vector<16xf32>, vector<16xi32>
      }
      %scan3A_838 = arith.constant 128 : i32
      %xor3A_839 = arith.constant 1 : i32
      %xor3A_840 = vector.broadcast %xor3A_839 : i32 to vector<16xi32>
      %xor3A_841 = arith.xori %iota3A, %xor3A_840 : vector<16xi32>
      %broadcast_in_dim3A_842 = vector.shape_cast %xor3A_841 : vector<16xi32> to vector<16x1xi32>
      %gather3A_843 = vector.shape_cast %broadcast_in_dim3A_842 : vector<16x1xi32> to vector<16xi32>
      %gather3A_844 = tpu.dynamic_gather %scan3A_837#0[%gather3A_843] in [0] : vector<16xf32>, vector<16xi32> -> vector<16xf32>
      %max3A_845 = arith.maximumf %scan3A_837#0, %gather3A_844 : vector<16xf32>
      %xor3A_846 = arith.constant 2 : i32
      %xor3A_847 = vector.broadcast %xor3A_846 : i32 to vector<16xi32>
      %xor3A_848 = arith.xori %iota3A, %xor3A_847 : vector<16xi32>
      %broadcast_in_dim3A_849 = vector.shape_cast %xor3A_848 : vector<16xi32> to vector<16x1xi32>
      %gather3A_850 = vector.shape_cast %broadcast_in_dim3A_849 : vector<16x1xi32> to vector<16xi32>
      %gather3A_851 = tpu.dynamic_gather %max3A_845[%gather3A_850] in [0] : vector<16xf32>, vector<16xi32> -> vector<16xf32>
      %max3A_852 = arith.maximumf %max3A_845, %gather3A_851 : vector<16xf32>
      %xor3A_853 = arith.constant 4 : i32
      %xor3A_854 = vector.broadcast %xor3A_853 : i32 to vector<16xi32>
      %xor3A_855 = arith.xori %iota3A, %xor3A_854 : vector<16xi32>
      %broadcast_in_dim3A_856 = vector.shape_cast %xor3A_855 : vector<16xi32> to vector<16x1xi32>
      %gather3A_857 = vector.shape_cast %broadcast_in_dim3A_856 : vector<16x1xi32> to vector<16xi32>
      %gather3A_858 = tpu.dynamic_gather %max3A_852[%gather3A_857] in [0] : vector<16xf32>, vector<16xi32> -> vector<16xf32>
      %max3A_859 = arith.maximumf %max3A_852, %gather3A_858 : vector<16xf32>
      %xor3A_860 = arith.constant 8 : i32
      %xor3A_861 = vector.broadcast %xor3A_860 : i32 to vector<16xi32>
      %xor3A_862 = arith.xori %iota3A, %xor3A_861 : vector<16xi32>
      %broadcast_in_dim3A_863 = vector.shape_cast %xor3A_862 : vector<16xi32> to vector<16x1xi32>
      %gather3A_864 = vector.shape_cast %broadcast_in_dim3A_863 : vector<16x1xi32> to vector<16xi32>
      %gather3A_865 = tpu.dynamic_gather %max3A_859[%gather3A_864] in [0] : vector<16xf32>, vector<16xi32> -> vector<16xf32>
      %max3A_866 = arith.maximumf %max3A_859, %gather3A_865 : vector<16xf32>
      %eq3A_867 = arith.cmpf oeq, %scan3A_837#0, %max3A_866 : vector<16xf32>
      %jit3A_868 = arith.constant 1073741824 : i32
      %broadcast_in_dim3A_869 = vector.broadcast %jit3A_868 : i32 to vector<16xi32>
      %select_n3A_870 = arith.select %eq3A_867, %scan3A_837#1, %broadcast_in_dim3A_869 : vector<16xi1>, vector<16xi32>
      %xor3A_871 = arith.constant 1 : i32
      %xor3A_872 = vector.broadcast %xor3A_871 : i32 to vector<16xi32>
      %xor3A_873 = arith.xori %iota3A, %xor3A_872 : vector<16xi32>
      %broadcast_in_dim3A_874 = vector.shape_cast %xor3A_873 : vector<16xi32> to vector<16x1xi32>
      %gather3A_875 = vector.shape_cast %broadcast_in_dim3A_874 : vector<16x1xi32> to vector<16xi32>
      %gather3A_876 = tpu.dynamic_gather %select_n3A_870[%gather3A_875] in [0] : vector<16xi32>, vector<16xi32> -> vector<16xi32>
      %min3A_877 = arith.minsi %select_n3A_870, %gather3A_876 : vector<16xi32>
      %xor3A_878 = arith.constant 2 : i32
      %xor3A_879 = vector.broadcast %xor3A_878 : i32 to vector<16xi32>
      %xor3A_880 = arith.xori %iota3A, %xor3A_879 : vector<16xi32>
      %broadcast_in_dim3A_881 = vector.shape_cast %xor3A_880 : vector<16xi32> to vector<16x1xi32>
      %gather3A_882 = vector.shape_cast %broadcast_in_dim3A_881 : vector<16x1xi32> to vector<16xi32>
      %gather3A_883 = tpu.dynamic_gather %min3A_877[%gather3A_882] in [0] : vector<16xi32>, vector<16xi32> -> vector<16xi32>
      %min3A_884 = arith.minsi %min3A_877, %gather3A_883 : vector<16xi32>
      %xor3A_885 = arith.constant 4 : i32
      %xor3A_886 = vector.broadcast %xor3A_885 : i32 to vector<16xi32>
      %xor3A_887 = arith.xori %iota3A, %xor3A_886 : vector<16xi32>
      %broadcast_in_dim3A_888 = vector.shape_cast %xor3A_887 : vector<16xi32> to vector<16x1xi32>
      %gather3A_889 = vector.shape_cast %broadcast_in_dim3A_888 : vector<16x1xi32> to vector<16xi32>
      %gather3A_890 = tpu.dynamic_gather %min3A_884[%gather3A_889] in [0] : vector<16xi32>, vector<16xi32> -> vector<16xi32>
      %min3A_891 = arith.minsi %min3A_884, %gather3A_890 : vector<16xi32>
      %xor3A_892 = arith.constant 8 : i32
      %xor3A_893 = vector.broadcast %xor3A_892 : i32 to vector<16xi32>
      %xor3A_894 = arith.xori %iota3A, %xor3A_893 : vector<16xi32>
      %broadcast_in_dim3A_895 = vector.shape_cast %xor3A_894 : vector<16xi32> to vector<16x1xi32>
      %gather3A_896 = vector.shape_cast %broadcast_in_dim3A_895 : vector<16x1xi32> to vector<16xi32>
      %gather3A_897 = tpu.dynamic_gather %min3A_891[%gather3A_896] in [0] : vector<16xi32>, vector<16xi32> -> vector<16xi32>
      %min3A_898 = arith.minsi %min3A_891, %gather3A_897 : vector<16xi32>
      %eq3A_899 = arith.constant 3 : i32
      %eq3A_900 = vector.broadcast %eq3A_899 : i32 to vector<16xi32>
      %eq3A_901 = arith.cmpi eq, %iota3A, %eq3A_900 : vector<16xi32>
      %select_n3A_902 = arith.select %eq3A_901, %min3A_898, %select_n3A_626 : vector<16xi1>, vector<16xi32>
      %slice3A_903 = vector.extract_strided_slice %min3A_898 {offsets = [0], sizes = [1], strides = [1]} : vector<16xi32> to vector<1xi32>
      %squeeze3A_904 = vector.extract %slice3A_903[0] : i32 from vector<1xi32>
      %jit3A_905 = arith.constant 16 : i32
      %div3A_906 = arith.divsi %squeeze3A_904, %jit3A_905 : i32
      %sign3A_907 = arith.constant 0 : i32
      %sign3A_908 = arith.cmpi sgt, %squeeze3A_904, %sign3A_907 : i32
      %sign3A_909 = arith.extui %sign3A_908 : i1 to i32
      %sign3A_910 = arith.constant 0 : i32
      %sign3A_911 = arith.cmpi slt, %squeeze3A_904, %sign3A_910 : i32
      %sign3A_912 = arith.extui %sign3A_911 : i1 to i32
      %sign3A_913 = arith.subi %sign3A_909, %sign3A_912 : i32
      %sign3A_914 = arith.constant 0 : i32
      %sign3A_915 = arith.cmpi sgt, %jit3A_905, %sign3A_914 : i32
      %sign3A_916 = arith.extui %sign3A_915 : i1 to i32
      %sign3A_917 = arith.constant 0 : i32
      %sign3A_918 = arith.cmpi slt, %jit3A_905, %sign3A_917 : i32
      %sign3A_919 = arith.extui %sign3A_918 : i1 to i32
      %sign3A_920 = arith.subi %sign3A_916, %sign3A_919 : i32
      %ne3A_921 = arith.cmpi ne, %sign3A_913, %sign3A_920 : i32
      %rem3A_922 = arith.remsi %squeeze3A_904, %jit3A_905 : i32
      %ne3A_923 = arith.constant 0 : i32
      %ne3A_924 = arith.cmpi ne, %rem3A_922, %ne3A_923 : i32
      %and3A_925 = arith.andi %ne3A_921, %ne3A_924 : i1
      %sub3A_926 = arith.constant 1 : i32
      %sub3A_927 = arith.subi %div3A_906, %sub3A_926 : i32
      %select_n3A_928 = arith.select %and3A_925, %sub3A_927, %div3A_906 : i32
      %mul3A_929 = arith.constant 16 : i32
      %mul3A_930 = arith.muli %select_n3A_928, %mul3A_929 : i32
      %add3A_931 = vector.broadcast %mul3A_930 : i32 to vector<16xi32>
      %add3A_932 = arith.addi %add3A_931, %iota3A : vector<16xi32>
      %eq3A_933 = vector.broadcast %squeeze3A_904 : i32 to vector<16xi32>
      %eq3A_934 = arith.cmpi eq, %add3A_932, %eq3A_933 : vector<16xi32>
      %get3A_935 = arith.index_cast %mul3A_930 : i32 to index
      %get3A_936 = tpu.vector_load %arg6[%get3A_935] {strides = array<i32>} : memref<2048xf32, #tpu.memory_space<vmem>>, vector<16xf32>,
      %get3A_937 = vector.shape_cast %get3A_936 : vector<16xf32> to vector<16xf32>
      %broadcast_in_dim3A_938 = arith.constant 0xFF800000 : f32
      %broadcast_in_dim3A_939 = vector.broadcast %broadcast_in_dim3A_938 : f32 to vector<16xf32>
      %select_n3A_940 = arith.select %eq3A_934, %broadcast_in_dim3A_939, %get3A_937 : vector<16xi1>, vector<16xf32>
      %swap3A_941 = arith.index_cast %mul3A_930 : i32 to index
      %swap3A_942 = tpu.vector_load %arg6[%swap3A_941] {strides = array<i32>} : memref<2048xf32, #tpu.memory_space<vmem>>, vector<16xf32>,
      %swap3A_943 = vector.shape_cast %swap3A_942 : vector<16xf32> to vector<16xf32>
      %swap3A_944 = vector.shape_cast %select_n3A_940 : vector<16xf32> to vector<16xf32>
      tpu.vector_store %arg6[%swap3A_941], %swap3A_944 {strides = array<i32>} : memref<2048xf32, #tpu.memory_space<vmem>>, vector<16xf32>,
      %get3A_945 = arith.constant 0 : i32
      %get3A_946 = arith.index_cast %get3A_945 : i32 to index
      %get3A_947 = arith.index_cast %mul3A_930 : i32 to index
      %get3A_948 = tpu.vector_load %arg5[%get3A_946, %get3A_947] {strides = array<i32>} : memref<4x2048xf32, #tpu.memory_space<vmem>>, vector<1x16xf32>,
      %get3A_949 = vector.shape_cast %get3A_948 : vector<1x16xf32> to vector<16xf32>
      %jit3A_950 = arith.constant 0.000000e+00 : f32
      %broadcast_in_dim3A_951 = vector.broadcast %jit3A_950 : f32 to vector<16xf32>
      %select_n3A_952 = arith.select %eq3A_934, %get3A_949, %broadcast_in_dim3A_951 : vector<16xi1>, vector<16xf32>
      %xor3A_953 = arith.constant 1 : i32
      %xor3A_954 = vector.broadcast %xor3A_953 : i32 to vector<16xi32>
      %xor3A_955 = arith.xori %iota3A, %xor3A_954 : vector<16xi32>
      %broadcast_in_dim3A_956 = vector.shape_cast %xor3A_955 : vector<16xi32> to vector<16x1xi32>
      %gather3A_957 = vector.shape_cast %broadcast_in_dim3A_956 : vector<16x1xi32> to vector<16xi32>
      %gather3A_958 = tpu.dynamic_gather %select_n3A_952[%gather3A_957] in [0] : vector<16xf32>, vector<16xi32> -> vector<16xf32>
      %add3A_959 = arith.addf %select_n3A_952, %gather3A_958 : vector<16xf32>
      %xor3A_960 = arith.constant 2 : i32
      %xor3A_961 = vector.broadcast %xor3A_960 : i32 to vector<16xi32>
      %xor3A_962 = arith.xori %iota3A, %xor3A_961 : vector<16xi32>
      %broadcast_in_dim3A_963 = vector.shape_cast %xor3A_962 : vector<16xi32> to vector<16x1xi32>
      %gather3A_964 = vector.shape_cast %broadcast_in_dim3A_963 : vector<16x1xi32> to vector<16xi32>
      %gather3A_965 = tpu.dynamic_gather %add3A_959[%gather3A_964] in [0] : vector<16xf32>, vector<16xi32> -> vector<16xf32>
      %add3A_966 = arith.addf %add3A_959, %gather3A_965 : vector<16xf32>
      %xor3A_967 = arith.constant 4 : i32
      %xor3A_968 = vector.broadcast %xor3A_967 : i32 to vector<16xi32>
      %xor3A_969 = arith.xori %iota3A, %xor3A_968 : vector<16xi32>
      %broadcast_in_dim3A_970 = vector.shape_cast %xor3A_969 : vector<16xi32> to vector<16x1xi32>
      %gather3A_971 = vector.shape_cast %broadcast_in_dim3A_970 : vector<16x1xi32> to vector<16xi32>
      %gather3A_972 = tpu.dynamic_gather %add3A_966[%gather3A_971] in [0] : vector<16xf32>, vector<16xi32> -> vector<16xf32>
      %add3A_973 = arith.addf %add3A_966, %gather3A_972 : vector<16xf32>
      %xor3A_974 = arith.constant 8 : i32
      %xor3A_975 = vector.broadcast %xor3A_974 : i32 to vector<16xi32>
      %xor3A_976 = arith.xori %iota3A, %xor3A_975 : vector<16xi32>
      %broadcast_in_dim3A_977 = vector.shape_cast %xor3A_976 : vector<16xi32> to vector<16x1xi32>
      %gather3A_978 = vector.shape_cast %broadcast_in_dim3A_977 : vector<16x1xi32> to vector<16xi32>
      %gather3A_979 = tpu.dynamic_gather %add3A_973[%gather3A_978] in [0] : vector<16xf32>, vector<16xi32> -> vector<16xf32>
      %add3A_980 = arith.addf %add3A_973, %gather3A_979 : vector<16xf32>
      %eq3A_981 = arith.constant 3 : i32
      %eq3A_982 = vector.broadcast %eq3A_981 : i32 to vector<16xi32>
      %eq3A_983 = arith.cmpi eq, %iota3A, %eq3A_982 : vector<16xi32>
      %select_n3A_984 = arith.select %eq3A_983, %add3A_980, %select_n3A_708 : vector<16xi1>, vector<16xf32>
      %get3A_985 = arith.constant 1 : i32
      %get3A_986 = arith.index_cast %get3A_985 : i32 to index
      %get3A_987 = arith.index_cast %mul3A_930 : i32 to index
      %get3A_988 = tpu.vector_load %arg5[%get3A_986, %get3A_987] {strides = array<i32>} : memref<4x2048xf32, #tpu.memory_space<vmem>>, vector<1x16xf32>,
      %get3A_989 = vector.shape_cast %get3A_988 : vector<1x16xf32> to vector<16xf32>
      %jit3A_990 = arith.constant 0.000000e+00 : f32
      %broadcast_in_dim3A_991 = vector.broadcast %jit3A_990 : f32 to vector<16xf32>
      %select_n3A_992 = arith.select %eq3A_934, %get3A_989, %broadcast_in_dim3A_991 : vector<16xi1>, vector<16xf32>
      %xor3A_993 = arith.constant 1 : i32
      %xor3A_994 = vector.broadcast %xor3A_993 : i32 to vector<16xi32>
      %xor3A_995 = arith.xori %iota3A, %xor3A_994 : vector<16xi32>
      %broadcast_in_dim3A_996 = vector.shape_cast %xor3A_995 : vector<16xi32> to vector<16x1xi32>
      %gather3A_997 = vector.shape_cast %broadcast_in_dim3A_996 : vector<16x1xi32> to vector<16xi32>
      %gather3A_998 = tpu.dynamic_gather %select_n3A_992[%gather3A_997] in [0] : vector<16xf32>, vector<16xi32> -> vector<16xf32>
      %add3A_999 = arith.addf %select_n3A_992, %gather3A_998 : vector<16xf32>
      %xor3A_1000 = arith.constant 2 : i32
      %xor3A_1001 = vector.broadcast %xor3A_1000 : i32 to vector<16xi32>
      %xor3A_1002 = arith.xori %iota3A, %xor3A_1001 : vector<16xi32>
      %broadcast_in_dim3A_1003 = vector.shape_cast %xor3A_1002 : vector<16xi32> to vector<16x1xi32>
      %gather3A_1004 = vector.shape_cast %broadcast_in_dim3A_1003 : vector<16x1xi32> to vector<16xi32>
      %gather3A_1005 = tpu.dynamic_gather %add3A_999[%gather3A_1004] in [0] : vector<16xf32>, vector<16xi32> -> vector<16xf32>
      %add3A_1006 = arith.addf %add3A_999, %gather3A_1005 : vector<16xf32>
      %xor3A_1007 = arith.constant 4 : i32
      %xor3A_1008 = vector.broadcast %xor3A_1007 : i32 to vector<16xi32>
      %xor3A_1009 = arith.xori %iota3A, %xor3A_1008 : vector<16xi32>
      %broadcast_in_dim3A_1010 = vector.shape_cast %xor3A_1009 : vector<16xi32> to vector<16x1xi32>
      %gather3A_1011 = vector.shape_cast %broadcast_in_dim3A_1010 : vector<16x1xi32> to vector<16xi32>
      %gather3A_1012 = tpu.dynamic_gather %add3A_1006[%gather3A_1011] in [0] : vector<16xf32>, vector<16xi32> -> vector<16xf32>
      %add3A_1013 = arith.addf %add3A_1006, %gather3A_1012 : vector<16xf32>
      %xor3A_1014 = arith.constant 8 : i32
      %xor3A_1015 = vector.broadcast %xor3A_1014 : i32 to vector<16xi32>
      %xor3A_1016 = arith.xori %iota3A, %xor3A_1015 : vector<16xi32>
      %broadcast_in_dim3A_1017 = vector.shape_cast %xor3A_1016 : vector<16xi32> to vector<16x1xi32>
      %gather3A_1018 = vector.shape_cast %broadcast_in_dim3A_1017 : vector<16x1xi32> to vector<16xi32>
      %gather3A_1019 = tpu.dynamic_gather %add3A_1013[%gather3A_1018] in [0] : vector<16xf32>, vector<16xi32> -> vector<16xf32>
      %add3A_1020 = arith.addf %add3A_1013, %gather3A_1019 : vector<16xf32>
      %eq3A_1021 = arith.constant 3 : i32
      %eq3A_1022 = vector.broadcast %eq3A_1021 : i32 to vector<16xi32>
      %eq3A_1023 = arith.cmpi eq, %iota3A, %eq3A_1022 : vector<16xi32>
      %select_n3A_1024 = arith.select %eq3A_1023, %add3A_1020, %select_n3A_748 : vector<16xi1>, vector<16xf32>
      %get3A_1025 = arith.constant 2 : i32
      %get3A_1026 = arith.index_cast %get3A_1025 : i32 to index
      %get3A_1027 = arith.index_cast %mul3A_930 : i32 to index
      %get3A_1028 = tpu.vector_load %arg5[%get3A_1026, %get3A_1027] {strides = array<i32>} : memref<4x2048xf32, #tpu.memory_space<vmem>>, vector<1x16xf32>,
      %get3A_1029 = vector.shape_cast %get3A_1028 : vector<1x16xf32> to vector<16xf32>
      %jit3A_1030 = arith.constant 0.000000e+00 : f32
      %broadcast_in_dim3A_1031 = vector.broadcast %jit3A_1030 : f32 to vector<16xf32>
      %select_n3A_1032 = arith.select %eq3A_934, %get3A_1029, %broadcast_in_dim3A_1031 : vector<16xi1>, vector<16xf32>
      %xor3A_1033 = arith.constant 1 : i32
      %xor3A_1034 = vector.broadcast %xor3A_1033 : i32 to vector<16xi32>
      %xor3A_1035 = arith.xori %iota3A, %xor3A_1034 : vector<16xi32>
      %broadcast_in_dim3A_1036 = vector.shape_cast %xor3A_1035 : vector<16xi32> to vector<16x1xi32>
      %gather3A_1037 = vector.shape_cast %broadcast_in_dim3A_1036 : vector<16x1xi32> to vector<16xi32>
      %gather3A_1038 = tpu.dynamic_gather %select_n3A_1032[%gather3A_1037] in [0] : vector<16xf32>, vector<16xi32> -> vector<16xf32>
      %add3A_1039 = arith.addf %select_n3A_1032, %gather3A_1038 : vector<16xf32>
      %xor3A_1040 = arith.constant 2 : i32
      %xor3A_1041 = vector.broadcast %xor3A_1040 : i32 to vector<16xi32>
      %xor3A_1042 = arith.xori %iota3A, %xor3A_1041 : vector<16xi32>
      %broadcast_in_dim3A_1043 = vector.shape_cast %xor3A_1042 : vector<16xi32> to vector<16x1xi32>
      %gather3A_1044 = vector.shape_cast %broadcast_in_dim3A_1043 : vector<16x1xi32> to vector<16xi32>
      %gather3A_1045 = tpu.dynamic_gather %add3A_1039[%gather3A_1044] in [0] : vector<16xf32>, vector<16xi32> -> vector<16xf32>
      %add3A_1046 = arith.addf %add3A_1039, %gather3A_1045 : vector<16xf32>
      %xor3A_1047 = arith.constant 4 : i32
      %xor3A_1048 = vector.broadcast %xor3A_1047 : i32 to vector<16xi32>
      %xor3A_1049 = arith.xori %iota3A, %xor3A_1048 : vector<16xi32>
      %broadcast_in_dim3A_1050 = vector.shape_cast %xor3A_1049 : vector<16xi32> to vector<16x1xi32>
      %gather3A_1051 = vector.shape_cast %broadcast_in_dim3A_1050 : vector<16x1xi32> to vector<16xi32>
      %gather3A_1052 = tpu.dynamic_gather %add3A_1046[%gather3A_1051] in [0] : vector<16xf32>, vector<16xi32> -> vector<16xf32>
      %add3A_1053 = arith.addf %add3A_1046, %gather3A_1052 : vector<16xf32>
      %xor3A_1054 = arith.constant 8 : i32
      %xor3A_1055 = vector.broadcast %xor3A_1054 : i32 to vector<16xi32>
      %xor3A_1056 = arith.xori %iota3A, %xor3A_1055 : vector<16xi32>
      %broadcast_in_dim3A_1057 = vector.shape_cast %xor3A_1056 : vector<16xi32> to vector<16x1xi32>
      %gather3A_1058 = vector.shape_cast %broadcast_in_dim3A_1057 : vector<16x1xi32> to vector<16xi32>
      %gather3A_1059 = tpu.dynamic_gather %add3A_1053[%gather3A_1058] in [0] : vector<16xf32>, vector<16xi32> -> vector<16xf32>
      %add3A_1060 = arith.addf %add3A_1053, %gather3A_1059 : vector<16xf32>
      %eq3A_1061 = arith.constant 3 : i32
      %eq3A_1062 = vector.broadcast %eq3A_1061 : i32 to vector<16xi32>
      %eq3A_1063 = arith.cmpi eq, %iota3A, %eq3A_1062 : vector<16xi32>
      %select_n3A_1064 = arith.select %eq3A_1063, %add3A_1060, %select_n3A_788 : vector<16xi1>, vector<16xf32>
      %get3A_1065 = arith.constant 3 : i32
      %get3A_1066 = arith.index_cast %get3A_1065 : i32 to index
      %get3A_1067 = arith.index_cast %mul3A_930 : i32 to index
      %get3A_1068 = tpu.vector_load %arg5[%get3A_1066, %get3A_1067] {strides = array<i32>} : memref<4x2048xf32, #tpu.memory_space<vmem>>, vector<1x16xf32>,
      %get3A_1069 = vector.shape_cast %get3A_1068 : vector<1x16xf32> to vector<16xf32>
      %jit3A_1070 = arith.constant 0.000000e+00 : f32
      %broadcast_in_dim3A_1071 = vector.broadcast %jit3A_1070 : f32 to vector<16xf32>
      %select_n3A_1072 = arith.select %eq3A_934, %get3A_1069, %broadcast_in_dim3A_1071 : vector<16xi1>, vector<16xf32>
      %xor3A_1073 = arith.constant 1 : i32
      %xor3A_1074 = vector.broadcast %xor3A_1073 : i32 to vector<16xi32>
      %xor3A_1075 = arith.xori %iota3A, %xor3A_1074 : vector<16xi32>
      %broadcast_in_dim3A_1076 = vector.shape_cast %xor3A_1075 : vector<16xi32> to vector<16x1xi32>
      %gather3A_1077 = vector.shape_cast %broadcast_in_dim3A_1076 : vector<16x1xi32> to vector<16xi32>
      %gather3A_1078 = tpu.dynamic_gather %select_n3A_1072[%gather3A_1077] in [0] : vector<16xf32>, vector<16xi32> -> vector<16xf32>
      %add3A_1079 = arith.addf %select_n3A_1072, %gather3A_1078 : vector<16xf32>
      %xor3A_1080 = arith.constant 2 : i32
      %xor3A_1081 = vector.broadcast %xor3A_1080 : i32 to vector<16xi32>
      %xor3A_1082 = arith.xori %iota3A, %xor3A_1081 : vector<16xi32>
      %broadcast_in_dim3A_1083 = vector.shape_cast %xor3A_1082 : vector<16xi32> to vector<16x1xi32>
      %gather3A_1084 = vector.shape_cast %broadcast_in_dim3A_1083 : vector<16x1xi32> to vector<16xi32>
      %gather3A_1085 = tpu.dynamic_gather %add3A_1079[%gather3A_1084] in [0] : vector<16xf32>, vector<16xi32> -> vector<16xf32>
      %add3A_1086 = arith.addf %add3A_1079, %gather3A_1085 : vector<16xf32>
      %xor3A_1087 = arith.constant 4 : i32
      %xor3A_1088 = vector.broadcast %xor3A_1087 : i32 to vector<16xi32>
      %xor3A_1089 = arith.xori %iota3A, %xor3A_1088 : vector<16xi32>
      %broadcast_in_dim3A_1090 = vector.shape_cast %xor3A_1089 : vector<16xi32> to vector<16x1xi32>
      %gather3A_1091 = vector.shape_cast %broadcast_in_dim3A_1090 : vector<16x1xi32> to vector<16xi32>
      %gather3A_1092 = tpu.dynamic_gather %add3A_1086[%gather3A_1091] in [0] : vector<16xf32>, vector<16xi32> -> vector<16xf32>
      %add3A_1093 = arith.addf %add3A_1086, %gather3A_1092 : vector<16xf32>
      %xor3A_1094 = arith.constant 8 : i32
      %xor3A_1095 = vector.broadcast %xor3A_1094 : i32 to vector<16xi32>
      %xor3A_1096 = arith.xori %iota3A, %xor3A_1095 : vector<16xi32>
      %broadcast_in_dim3A_1097 = vector.shape_cast %xor3A_1096 : vector<16xi32> to vector<16x1xi32>
      %gather3A_1098 = vector.shape_cast %broadcast_in_dim3A_1097 : vector<16x1xi32> to vector<16xi32>
      %gather3A_1099 = tpu.dynamic_gather %add3A_1093[%gather3A_1098] in [0] : vector<16xf32>, vector<16xi32> -> vector<16xf32>
      %add3A_1100 = arith.addf %add3A_1093, %gather3A_1099 : vector<16xf32>
      %eq3A_1101 = arith.constant 3 : i32
      %eq3A_1102 = vector.broadcast %eq3A_1101 : i32 to vector<16xi32>
      %eq3A_1103 = arith.cmpi eq, %iota3A, %eq3A_1102 : vector<16xi32>
      %select_n3A_1104 = arith.select %eq3A_1103, %add3A_1100, %select_n3A_828 : vector<16xi1>, vector<16xf32>
      %broadcast_in_dim3A_1105 = arith.constant 0xFF800000 : f32
      %broadcast_in_dim3A_1106 = vector.broadcast %broadcast_in_dim3A_1105 : f32 to vector<16xf32>
      %broadcast_in_dim3A_1107 = arith.constant 0 : i32
      %broadcast_in_dim3A_1108 = vector.broadcast %broadcast_in_dim3A_1107 : i32 to vector<16xi32>
      %scan3A_1109 = arith.constant 0 : i32
      %scan3A_1110 = arith.constant 128 : i32
      %scan3A_1111 = arith.addi %scan3A_1109, %scan3A_1110 : i32
      %scan3A_1112 = arith.constant 1 : i32
      %scan3A_1113:2 = scf.for %scan3A_2222 = %scan3A_1109 to %scan3A_1111 step %scan3A_1112 iter_args(%scan3A_2223 = %broadcast_in_dim3A_1106, %scan3A_2224 = %broadcast_in_dim3A_1108) -> (vector<16xf32>, vector<16xi32>)  : i32 {
        %mul3A_2225 = arith.constant 16 : i32
        %mul3A_2226 = arith.muli %scan3A_2222, %mul3A_2225 : i32
        %get3A_2227 = arith.index_cast %mul3A_2226 : i32 to index
        %get3A_2228 = tpu.vector_load %arg6[%get3A_2227] {strides = array<i32>} : memref<2048xf32, #tpu.memory_space<vmem>>, vector<16xf32>,
        %get3A_2229 = vector.shape_cast %get3A_2228 : vector<16xf32> to vector<16xf32>
        %mul3A_2230 = arith.constant 16 : i32
        %mul3A_2231 = arith.muli %scan3A_2222, %mul3A_2230 : i32
        %add3A_2232 = vector.broadcast %mul3A_2231 : i32 to vector<16xi32>
        %add3A_2233 = arith.addi %add3A_2232, %iota3A : vector<16xi32>
        %gt3A = arith.cmpf ogt, %get3A_2229, %scan3A_2223 : vector<16xf32>
        %select_n3A_2234 = arith.select %gt3A, %get3A_2229, %scan3A_2223 : vector<16xi1>, vector<16xf32>
        %select_n3A_2235 = arith.select %gt3A, %add3A_2233, %scan3A_2224 : vector<16xi1>, vector<16xi32>
        scf.yield %select_n3A_2234, %select_n3A_2235 : vector<16xf32>, vector<16xi32>
      }
      %scan3A_1114 = arith.constant 128 : i32
      %xor3A_1115 = arith.constant 1 : i32
      %xor3A_1116 = vector.broadcast %xor3A_1115 : i32 to vector<16xi32>
      %xor3A_1117 = arith.xori %iota3A, %xor3A_1116 : vector<16xi32>
      %broadcast_in_dim3A_1118 = vector.shape_cast %xor3A_1117 : vector<16xi32> to vector<16x1xi32>
      %gather3A_1119 = vector.shape_cast %broadcast_in_dim3A_1118 : vector<16x1xi32> to vector<16xi32>
      %gather3A_1120 = tpu.dynamic_gather %scan3A_1113#0[%gather3A_1119] in [0] : vector<16xf32>, vector<16xi32> -> vector<16xf32>
      %max3A_1121 = arith.maximumf %scan3A_1113#0, %gather3A_1120 : vector<16xf32>
      %xor3A_1122 = arith.constant 2 : i32
      %xor3A_1123 = vector.broadcast %xor3A_1122 : i32 to vector<16xi32>
      %xor3A_1124 = arith.xori %iota3A, %xor3A_1123 : vector<16xi32>
      %broadcast_in_dim3A_1125 = vector.shape_cast %xor3A_1124 : vector<16xi32> to vector<16x1xi32>
      %gather3A_1126 = vector.shape_cast %broadcast_in_dim3A_1125 : vector<16x1xi32> to vector<16xi32>
      %gather3A_1127 = tpu.dynamic_gather %max3A_1121[%gather3A_1126] in [0] : vector<16xf32>, vector<16xi32> -> vector<16xf32>
      %max3A_1128 = arith.maximumf %max3A_1121, %gather3A_1127 : vector<16xf32>
      %xor3A_1129 = arith.constant 4 : i32
      %xor3A_1130 = vector.broadcast %xor3A_1129 : i32 to vector<16xi32>
      %xor3A_1131 = arith.xori %iota3A, %xor3A_1130 : vector<16xi32>
      %broadcast_in_dim3A_1132 = vector.shape_cast %xor3A_1131 : vector<16xi32> to vector<16x1xi32>
      %gather3A_1133 = vector.shape_cast %broadcast_in_dim3A_1132 : vector<16x1xi32> to vector<16xi32>
      %gather3A_1134 = tpu.dynamic_gather %max3A_1128[%gather3A_1133] in [0] : vector<16xf32>, vector<16xi32> -> vector<16xf32>
      %max3A_1135 = arith.maximumf %max3A_1128, %gather3A_1134 : vector<16xf32>
      %xor3A_1136 = arith.constant 8 : i32
      %xor3A_1137 = vector.broadcast %xor3A_1136 : i32 to vector<16xi32>
      %xor3A_1138 = arith.xori %iota3A, %xor3A_1137 : vector<16xi32>
      %broadcast_in_dim3A_1139 = vector.shape_cast %xor3A_1138 : vector<16xi32> to vector<16x1xi32>
      %gather3A_1140 = vector.shape_cast %broadcast_in_dim3A_1139 : vector<16x1xi32> to vector<16xi32>
      %gather3A_1141 = tpu.dynamic_gather %max3A_1135[%gather3A_1140] in [0] : vector<16xf32>, vector<16xi32> -> vector<16xf32>
      %max3A_1142 = arith.maximumf %max3A_1135, %gather3A_1141 : vector<16xf32>
      %eq3A_1143 = arith.cmpf oeq, %scan3A_1113#0, %max3A_1142 : vector<16xf32>
      %jit3A_1144 = arith.constant 1073741824 : i32
      %broadcast_in_dim3A_1145 = vector.broadcast %jit3A_1144 : i32 to vector<16xi32>
      %select_n3A_1146 = arith.select %eq3A_1143, %scan3A_1113#1, %broadcast_in_dim3A_1145 : vector<16xi1>, vector<16xi32>
      %xor3A_1147 = arith.constant 1 : i32
      %xor3A_1148 = vector.broadcast %xor3A_1147 : i32 to vector<16xi32>
      %xor3A_1149 = arith.xori %iota3A, %xor3A_1148 : vector<16xi32>
      %broadcast_in_dim3A_1150 = vector.shape_cast %xor3A_1149 : vector<16xi32> to vector<16x1xi32>
      %gather3A_1151 = vector.shape_cast %broadcast_in_dim3A_1150 : vector<16x1xi32> to vector<16xi32>
      %gather3A_1152 = tpu.dynamic_gather %select_n3A_1146[%gather3A_1151] in [0] : vector<16xi32>, vector<16xi32> -> vector<16xi32>
      %min3A_1153 = arith.minsi %select_n3A_1146, %gather3A_1152 : vector<16xi32>
      %xor3A_1154 = arith.constant 2 : i32
      %xor3A_1155 = vector.broadcast %xor3A_1154 : i32 to vector<16xi32>
      %xor3A_1156 = arith.xori %iota3A, %xor3A_1155 : vector<16xi32>
      %broadcast_in_dim3A_1157 = vector.shape_cast %xor3A_1156 : vector<16xi32> to vector<16x1xi32>
      %gather3A_1158 = vector.shape_cast %broadcast_in_dim3A_1157 : vector<16x1xi32> to vector<16xi32>
      %gather3A_1159 = tpu.dynamic_gather %min3A_1153[%gather3A_1158] in [0] : vector<16xi32>, vector<16xi32> -> vector<16xi32>
      %min3A_1160 = arith.minsi %min3A_1153, %gather3A_1159 : vector<16xi32>
      %xor3A_1161 = arith.constant 4 : i32
      %xor3A_1162 = vector.broadcast %xor3A_1161 : i32 to vector<16xi32>
      %xor3A_1163 = arith.xori %iota3A, %xor3A_1162 : vector<16xi32>
      %broadcast_in_dim3A_1164 = vector.shape_cast %xor3A_1163 : vector<16xi32> to vector<16x1xi32>
      %gather3A_1165 = vector.shape_cast %broadcast_in_dim3A_1164 : vector<16x1xi32> to vector<16xi32>
      %gather3A_1166 = tpu.dynamic_gather %min3A_1160[%gather3A_1165] in [0] : vector<16xi32>, vector<16xi32> -> vector<16xi32>
      %min3A_1167 = arith.minsi %min3A_1160, %gather3A_1166 : vector<16xi32>
      %xor3A_1168 = arith.constant 8 : i32
      %xor3A_1169 = vector.broadcast %xor3A_1168 : i32 to vector<16xi32>
      %xor3A_1170 = arith.xori %iota3A, %xor3A_1169 : vector<16xi32>
      %broadcast_in_dim3A_1171 = vector.shape_cast %xor3A_1170 : vector<16xi32> to vector<16x1xi32>
      %gather3A_1172 = vector.shape_cast %broadcast_in_dim3A_1171 : vector<16x1xi32> to vector<16xi32>
      %gather3A_1173 = tpu.dynamic_gather %min3A_1167[%gather3A_1172] in [0] : vector<16xi32>, vector<16xi32> -> vector<16xi32>
      %min3A_1174 = arith.minsi %min3A_1167, %gather3A_1173 : vector<16xi32>
      %eq3A_1175 = arith.constant 4 : i32
      %eq3A_1176 = vector.broadcast %eq3A_1175 : i32 to vector<16xi32>
      %eq3A_1177 = arith.cmpi eq, %iota3A, %eq3A_1176 : vector<16xi32>
      %select_n3A_1178 = arith.select %eq3A_1177, %min3A_1174, %select_n3A_902 : vector<16xi1>, vector<16xi32>
      %slice3A_1179 = vector.extract_strided_slice %min3A_1174 {offsets = [0], sizes = [1], strides = [1]} : vector<16xi32> to vector<1xi32>
      %squeeze3A_1180 = vector.extract %slice3A_1179[0] : i32 from vector<1xi32>
      %jit3A_1181 = arith.constant 16 : i32
      %div3A_1182 = arith.divsi %squeeze3A_1180, %jit3A_1181 : i32
      %sign3A_1183 = arith.constant 0 : i32
      %sign3A_1184 = arith.cmpi sgt, %squeeze3A_1180, %sign3A_1183 : i32
      %sign3A_1185 = arith.extui %sign3A_1184 : i1 to i32
      %sign3A_1186 = arith.constant 0 : i32
      %sign3A_1187 = arith.cmpi slt, %squeeze3A_1180, %sign3A_1186 : i32
      %sign3A_1188 = arith.extui %sign3A_1187 : i1 to i32
      %sign3A_1189 = arith.subi %sign3A_1185, %sign3A_1188 : i32
      %sign3A_1190 = arith.constant 0 : i32
      %sign3A_1191 = arith.cmpi sgt, %jit3A_1181, %sign3A_1190 : i32
      %sign3A_1192 = arith.extui %sign3A_1191 : i1 to i32
      %sign3A_1193 = arith.constant 0 : i32
      %sign3A_1194 = arith.cmpi slt, %jit3A_1181, %sign3A_1193 : i32
      %sign3A_1195 = arith.extui %sign3A_1194 : i1 to i32
      %sign3A_1196 = arith.subi %sign3A_1192, %sign3A_1195 : i32
      %ne3A_1197 = arith.cmpi ne, %sign3A_1189, %sign3A_1196 : i32
      %rem3A_1198 = arith.remsi %squeeze3A_1180, %jit3A_1181 : i32
      %ne3A_1199 = arith.constant 0 : i32
      %ne3A_1200 = arith.cmpi ne, %rem3A_1198, %ne3A_1199 : i32
      %and3A_1201 = arith.andi %ne3A_1197, %ne3A_1200 : i1
      %sub3A_1202 = arith.constant 1 : i32
      %sub3A_1203 = arith.subi %div3A_1182, %sub3A_1202 : i32
      %select_n3A_1204 = arith.select %and3A_1201, %sub3A_1203, %div3A_1182 : i32
      %mul3A_1205 = arith.constant 16 : i32
      %mul3A_1206 = arith.muli %select_n3A_1204, %mul3A_1205 : i32
      %add3A_1207 = vector.broadcast %mul3A_1206 : i32 to vector<16xi32>
      %add3A_1208 = arith.addi %add3A_1207, %iota3A : vector<16xi32>
      %eq3A_1209 = vector.broadcast %squeeze3A_1180 : i32 to vector<16xi32>
      %eq3A_1210 = arith.cmpi eq, %add3A_1208, %eq3A_1209 : vector<16xi32>
      %get3A_1211 = arith.index_cast %mul3A_1206 : i32 to index
      %get3A_1212 = tpu.vector_load %arg6[%get3A_1211] {strides = array<i32>} : memref<2048xf32, #tpu.memory_space<vmem>>, vector<16xf32>,
      %get3A_1213 = vector.shape_cast %get3A_1212 : vector<16xf32> to vector<16xf32>
      %broadcast_in_dim3A_1214 = arith.constant 0xFF800000 : f32
      %broadcast_in_dim3A_1215 = vector.broadcast %broadcast_in_dim3A_1214 : f32 to vector<16xf32>
      %select_n3A_1216 = arith.select %eq3A_1210, %broadcast_in_dim3A_1215, %get3A_1213 : vector<16xi1>, vector<16xf32>
      %swap3A_1217 = arith.index_cast %mul3A_1206 : i32 to index
      %swap3A_1218 = tpu.vector_load %arg6[%swap3A_1217] {strides = array<i32>} : memref<2048xf32, #tpu.memory_space<vmem>>, vector<16xf32>,
      %swap3A_1219 = vector.shape_cast %swap3A_1218 : vector<16xf32> to vector<16xf32>
      %swap3A_1220 = vector.shape_cast %select_n3A_1216 : vector<16xf32> to vector<16xf32>
      tpu.vector_store %arg6[%swap3A_1217], %swap3A_1220 {strides = array<i32>} : memref<2048xf32, #tpu.memory_space<vmem>>, vector<16xf32>,
      %get3A_1221 = arith.constant 0 : i32
      %get3A_1222 = arith.index_cast %get3A_1221 : i32 to index
      %get3A_1223 = arith.index_cast %mul3A_1206 : i32 to index
      %get3A_1224 = tpu.vector_load %arg5[%get3A_1222, %get3A_1223] {strides = array<i32>} : memref<4x2048xf32, #tpu.memory_space<vmem>>, vector<1x16xf32>,
      %get3A_1225 = vector.shape_cast %get3A_1224 : vector<1x16xf32> to vector<16xf32>
      %jit3A_1226 = arith.constant 0.000000e+00 : f32
      %broadcast_in_dim3A_1227 = vector.broadcast %jit3A_1226 : f32 to vector<16xf32>
      %select_n3A_1228 = arith.select %eq3A_1210, %get3A_1225, %broadcast_in_dim3A_1227 : vector<16xi1>, vector<16xf32>
      %xor3A_1229 = arith.constant 1 : i32
      %xor3A_1230 = vector.broadcast %xor3A_1229 : i32 to vector<16xi32>
      %xor3A_1231 = arith.xori %iota3A, %xor3A_1230 : vector<16xi32>
      %broadcast_in_dim3A_1232 = vector.shape_cast %xor3A_1231 : vector<16xi32> to vector<16x1xi32>
      %gather3A_1233 = vector.shape_cast %broadcast_in_dim3A_1232 : vector<16x1xi32> to vector<16xi32>
      %gather3A_1234 = tpu.dynamic_gather %select_n3A_1228[%gather3A_1233] in [0] : vector<16xf32>, vector<16xi32> -> vector<16xf32>
      %add3A_1235 = arith.addf %select_n3A_1228, %gather3A_1234 : vector<16xf32>
      %xor3A_1236 = arith.constant 2 : i32
      %xor3A_1237 = vector.broadcast %xor3A_1236 : i32 to vector<16xi32>
      %xor3A_1238 = arith.xori %iota3A, %xor3A_1237 : vector<16xi32>
      %broadcast_in_dim3A_1239 = vector.shape_cast %xor3A_1238 : vector<16xi32> to vector<16x1xi32>
      %gather3A_1240 = vector.shape_cast %broadcast_in_dim3A_1239 : vector<16x1xi32> to vector<16xi32>
      %gather3A_1241 = tpu.dynamic_gather %add3A_1235[%gather3A_1240] in [0] : vector<16xf32>, vector<16xi32> -> vector<16xf32>
      %add3A_1242 = arith.addf %add3A_1235, %gather3A_1241 : vector<16xf32>
      %xor3A_1243 = arith.constant 4 : i32
      %xor3A_1244 = vector.broadcast %xor3A_1243 : i32 to vector<16xi32>
      %xor3A_1245 = arith.xori %iota3A, %xor3A_1244 : vector<16xi32>
      %broadcast_in_dim3A_1246 = vector.shape_cast %xor3A_1245 : vector<16xi32> to vector<16x1xi32>
      %gather3A_1247 = vector.shape_cast %broadcast_in_dim3A_1246 : vector<16x1xi32> to vector<16xi32>
      %gather3A_1248 = tpu.dynamic_gather %add3A_1242[%gather3A_1247] in [0] : vector<16xf32>, vector<16xi32> -> vector<16xf32>
      %add3A_1249 = arith.addf %add3A_1242, %gather3A_1248 : vector<16xf32>
      %xor3A_1250 = arith.constant 8 : i32
      %xor3A_1251 = vector.broadcast %xor3A_1250 : i32 to vector<16xi32>
      %xor3A_1252 = arith.xori %iota3A, %xor3A_1251 : vector<16xi32>
      %broadcast_in_dim3A_1253 = vector.shape_cast %xor3A_1252 : vector<16xi32> to vector<16x1xi32>
      %gather3A_1254 = vector.shape_cast %broadcast_in_dim3A_1253 : vector<16x1xi32> to vector<16xi32>
      %gather3A_1255 = tpu.dynamic_gather %add3A_1249[%gather3A_1254] in [0] : vector<16xf32>, vector<16xi32> -> vector<16xf32>
      %add3A_1256 = arith.addf %add3A_1249, %gather3A_1255 : vector<16xf32>
      %eq3A_1257 = arith.constant 4 : i32
      %eq3A_1258 = vector.broadcast %eq3A_1257 : i32 to vector<16xi32>
      %eq3A_1259 = arith.cmpi eq, %iota3A, %eq3A_1258 : vector<16xi32>
      %select_n3A_1260 = arith.select %eq3A_1259, %add3A_1256, %select_n3A_984 : vector<16xi1>, vector<16xf32>
      %get3A_1261 = arith.constant 1 : i32
      %get3A_1262 = arith.index_cast %get3A_1261 : i32 to index
      %get3A_1263 = arith.index_cast %mul3A_1206 : i32 to index
      %get3A_1264 = tpu.vector_load %arg5[%get3A_1262, %get3A_1263] {strides = array<i32>} : memref<4x2048xf32, #tpu.memory_space<vmem>>, vector<1x16xf32>,
      %get3A_1265 = vector.shape_cast %get3A_1264 : vector<1x16xf32> to vector<16xf32>
      %jit3A_1266 = arith.constant 0.000000e+00 : f32
      %broadcast_in_dim3A_1267 = vector.broadcast %jit3A_1266 : f32 to vector<16xf32>
      %select_n3A_1268 = arith.select %eq3A_1210, %get3A_1265, %broadcast_in_dim3A_1267 : vector<16xi1>, vector<16xf32>
      %xor3A_1269 = arith.constant 1 : i32
      %xor3A_1270 = vector.broadcast %xor3A_1269 : i32 to vector<16xi32>
      %xor3A_1271 = arith.xori %iota3A, %xor3A_1270 : vector<16xi32>
      %broadcast_in_dim3A_1272 = vector.shape_cast %xor3A_1271 : vector<16xi32> to vector<16x1xi32>
      %gather3A_1273 = vector.shape_cast %broadcast_in_dim3A_1272 : vector<16x1xi32> to vector<16xi32>
      %gather3A_1274 = tpu.dynamic_gather %select_n3A_1268[%gather3A_1273] in [0] : vector<16xf32>, vector<16xi32> -> vector<16xf32>
      %add3A_1275 = arith.addf %select_n3A_1268, %gather3A_1274 : vector<16xf32>
      %xor3A_1276 = arith.constant 2 : i32
      %xor3A_1277 = vector.broadcast %xor3A_1276 : i32 to vector<16xi32>
      %xor3A_1278 = arith.xori %iota3A, %xor3A_1277 : vector<16xi32>
      %broadcast_in_dim3A_1279 = vector.shape_cast %xor3A_1278 : vector<16xi32> to vector<16x1xi32>
      %gather3A_1280 = vector.shape_cast %broadcast_in_dim3A_1279 : vector<16x1xi32> to vector<16xi32>
      %gather3A_1281 = tpu.dynamic_gather %add3A_1275[%gather3A_1280] in [0] : vector<16xf32>, vector<16xi32> -> vector<16xf32>
      %add3A_1282 = arith.addf %add3A_1275, %gather3A_1281 : vector<16xf32>
      %xor3A_1283 = arith.constant 4 : i32
      %xor3A_1284 = vector.broadcast %xor3A_1283 : i32 to vector<16xi32>
      %xor3A_1285 = arith.xori %iota3A, %xor3A_1284 : vector<16xi32>
      %broadcast_in_dim3A_1286 = vector.shape_cast %xor3A_1285 : vector<16xi32> to vector<16x1xi32>
      %gather3A_1287 = vector.shape_cast %broadcast_in_dim3A_1286 : vector<16x1xi32> to vector<16xi32>
      %gather3A_1288 = tpu.dynamic_gather %add3A_1282[%gather3A_1287] in [0] : vector<16xf32>, vector<16xi32> -> vector<16xf32>
      %add3A_1289 = arith.addf %add3A_1282, %gather3A_1288 : vector<16xf32>
      %xor3A_1290 = arith.constant 8 : i32
      %xor3A_1291 = vector.broadcast %xor3A_1290 : i32 to vector<16xi32>
      %xor3A_1292 = arith.xori %iota3A, %xor3A_1291 : vector<16xi32>
      %broadcast_in_dim3A_1293 = vector.shape_cast %xor3A_1292 : vector<16xi32> to vector<16x1xi32>
      %gather3A_1294 = vector.shape_cast %broadcast_in_dim3A_1293 : vector<16x1xi32> to vector<16xi32>
      %gather3A_1295 = tpu.dynamic_gather %add3A_1289[%gather3A_1294] in [0] : vector<16xf32>, vector<16xi32> -> vector<16xf32>
      %add3A_1296 = arith.addf %add3A_1289, %gather3A_1295 : vector<16xf32>
      %eq3A_1297 = arith.constant 4 : i32
      %eq3A_1298 = vector.broadcast %eq3A_1297 : i32 to vector<16xi32>
      %eq3A_1299 = arith.cmpi eq, %iota3A, %eq3A_1298 : vector<16xi32>
      %select_n3A_1300 = arith.select %eq3A_1299, %add3A_1296, %select_n3A_1024 : vector<16xi1>, vector<16xf32>
      %get3A_1301 = arith.constant 2 : i32
      %get3A_1302 = arith.index_cast %get3A_1301 : i32 to index
      %get3A_1303 = arith.index_cast %mul3A_1206 : i32 to index
      %get3A_1304 = tpu.vector_load %arg5[%get3A_1302, %get3A_1303] {strides = array<i32>} : memref<4x2048xf32, #tpu.memory_space<vmem>>, vector<1x16xf32>,
      %get3A_1305 = vector.shape_cast %get3A_1304 : vector<1x16xf32> to vector<16xf32>
      %jit3A_1306 = arith.constant 0.000000e+00 : f32
      %broadcast_in_dim3A_1307 = vector.broadcast %jit3A_1306 : f32 to vector<16xf32>
      %select_n3A_1308 = arith.select %eq3A_1210, %get3A_1305, %broadcast_in_dim3A_1307 : vector<16xi1>, vector<16xf32>
      %xor3A_1309 = arith.constant 1 : i32
      %xor3A_1310 = vector.broadcast %xor3A_1309 : i32 to vector<16xi32>
      %xor3A_1311 = arith.xori %iota3A, %xor3A_1310 : vector<16xi32>
      %broadcast_in_dim3A_1312 = vector.shape_cast %xor3A_1311 : vector<16xi32> to vector<16x1xi32>
      %gather3A_1313 = vector.shape_cast %broadcast_in_dim3A_1312 : vector<16x1xi32> to vector<16xi32>
      %gather3A_1314 = tpu.dynamic_gather %select_n3A_1308[%gather3A_1313] in [0] : vector<16xf32>, vector<16xi32> -> vector<16xf32>
      %add3A_1315 = arith.addf %select_n3A_1308, %gather3A_1314 : vector<16xf32>
      %xor3A_1316 = arith.constant 2 : i32
      %xor3A_1317 = vector.broadcast %xor3A_1316 : i32 to vector<16xi32>
      %xor3A_1318 = arith.xori %iota3A, %xor3A_1317 : vector<16xi32>
      %broadcast_in_dim3A_1319 = vector.shape_cast %xor3A_1318 : vector<16xi32> to vector<16x1xi32>
      %gather3A_1320 = vector.shape_cast %broadcast_in_dim3A_1319 : vector<16x1xi32> to vector<16xi32>
      %gather3A_1321 = tpu.dynamic_gather %add3A_1315[%gather3A_1320] in [0] : vector<16xf32>, vector<16xi32> -> vector<16xf32>
      %add3A_1322 = arith.addf %add3A_1315, %gather3A_1321 : vector<16xf32>
      %xor3A_1323 = arith.constant 4 : i32
      %xor3A_1324 = vector.broadcast %xor3A_1323 : i32 to vector<16xi32>
      %xor3A_1325 = arith.xori %iota3A, %xor3A_1324 : vector<16xi32>
      %broadcast_in_dim3A_1326 = vector.shape_cast %xor3A_1325 : vector<16xi32> to vector<16x1xi32>
      %gather3A_1327 = vector.shape_cast %broadcast_in_dim3A_1326 : vector<16x1xi32> to vector<16xi32>
      %gather3A_1328 = tpu.dynamic_gather %add3A_1322[%gather3A_1327] in [0] : vector<16xf32>, vector<16xi32> -> vector<16xf32>
      %add3A_1329 = arith.addf %add3A_1322, %gather3A_1328 : vector<16xf32>
      %xor3A_1330 = arith.constant 8 : i32
      %xor3A_1331 = vector.broadcast %xor3A_1330 : i32 to vector<16xi32>
      %xor3A_1332 = arith.xori %iota3A, %xor3A_1331 : vector<16xi32>
      %broadcast_in_dim3A_1333 = vector.shape_cast %xor3A_1332 : vector<16xi32> to vector<16x1xi32>
      %gather3A_1334 = vector.shape_cast %broadcast_in_dim3A_1333 : vector<16x1xi32> to vector<16xi32>
      %gather3A_1335 = tpu.dynamic_gather %add3A_1329[%gather3A_1334] in [0] : vector<16xf32>, vector<16xi32> -> vector<16xf32>
      %add3A_1336 = arith.addf %add3A_1329, %gather3A_1335 : vector<16xf32>
      %eq3A_1337 = arith.constant 4 : i32
      %eq3A_1338 = vector.broadcast %eq3A_1337 : i32 to vector<16xi32>
      %eq3A_1339 = arith.cmpi eq, %iota3A, %eq3A_1338 : vector<16xi32>
      %select_n3A_1340 = arith.select %eq3A_1339, %add3A_1336, %select_n3A_1064 : vector<16xi1>, vector<16xf32>
      %get3A_1341 = arith.constant 3 : i32
      %get3A_1342 = arith.index_cast %get3A_1341 : i32 to index
      %get3A_1343 = arith.index_cast %mul3A_1206 : i32 to index
      %get3A_1344 = tpu.vector_load %arg5[%get3A_1342, %get3A_1343] {strides = array<i32>} : memref<4x2048xf32, #tpu.memory_space<vmem>>, vector<1x16xf32>,
      %get3A_1345 = vector.shape_cast %get3A_1344 : vector<1x16xf32> to vector<16xf32>
      %jit3A_1346 = arith.constant 0.000000e+00 : f32
      %broadcast_in_dim3A_1347 = vector.broadcast %jit3A_1346 : f32 to vector<16xf32>
      %select_n3A_1348 = arith.select %eq3A_1210, %get3A_1345, %broadcast_in_dim3A_1347 : vector<16xi1>, vector<16xf32>
      %xor3A_1349 = arith.constant 1 : i32
      %xor3A_1350 = vector.broadcast %xor3A_1349 : i32 to vector<16xi32>
      %xor3A_1351 = arith.xori %iota3A, %xor3A_1350 : vector<16xi32>
      %broadcast_in_dim3A_1352 = vector.shape_cast %xor3A_1351 : vector<16xi32> to vector<16x1xi32>
      %gather3A_1353 = vector.shape_cast %broadcast_in_dim3A_1352 : vector<16x1xi32> to vector<16xi32>
      %gather3A_1354 = tpu.dynamic_gather %select_n3A_1348[%gather3A_1353] in [0] : vector<16xf32>, vector<16xi32> -> vector<16xf32>
      %add3A_1355 = arith.addf %select_n3A_1348, %gather3A_1354 : vector<16xf32>
      %xor3A_1356 = arith.constant 2 : i32
      %xor3A_1357 = vector.broadcast %xor3A_1356 : i32 to vector<16xi32>
      %xor3A_1358 = arith.xori %iota3A, %xor3A_1357 : vector<16xi32>
      %broadcast_in_dim3A_1359 = vector.shape_cast %xor3A_1358 : vector<16xi32> to vector<16x1xi32>
      %gather3A_1360 = vector.shape_cast %broadcast_in_dim3A_1359 : vector<16x1xi32> to vector<16xi32>
      %gather3A_1361 = tpu.dynamic_gather %add3A_1355[%gather3A_1360] in [0] : vector<16xf32>, vector<16xi32> -> vector<16xf32>
      %add3A_1362 = arith.addf %add3A_1355, %gather3A_1361 : vector<16xf32>
      %xor3A_1363 = arith.constant 4 : i32
      %xor3A_1364 = vector.broadcast %xor3A_1363 : i32 to vector<16xi32>
      %xor3A_1365 = arith.xori %iota3A, %xor3A_1364 : vector<16xi32>
      %broadcast_in_dim3A_1366 = vector.shape_cast %xor3A_1365 : vector<16xi32> to vector<16x1xi32>
      %gather3A_1367 = vector.shape_cast %broadcast_in_dim3A_1366 : vector<16x1xi32> to vector<16xi32>
      %gather3A_1368 = tpu.dynamic_gather %add3A_1362[%gather3A_1367] in [0] : vector<16xf32>, vector<16xi32> -> vector<16xf32>
      %add3A_1369 = arith.addf %add3A_1362, %gather3A_1368 : vector<16xf32>
      %xor3A_1370 = arith.constant 8 : i32
      %xor3A_1371 = vector.broadcast %xor3A_1370 : i32 to vector<16xi32>
      %xor3A_1372 = arith.xori %iota3A, %xor3A_1371 : vector<16xi32>
      %broadcast_in_dim3A_1373 = vector.shape_cast %xor3A_1372 : vector<16xi32> to vector<16x1xi32>
      %gather3A_1374 = vector.shape_cast %broadcast_in_dim3A_1373 : vector<16x1xi32> to vector<16xi32>
      %gather3A_1375 = tpu.dynamic_gather %add3A_1369[%gather3A_1374] in [0] : vector<16xf32>, vector<16xi32> -> vector<16xf32>
      %add3A_1376 = arith.addf %add3A_1369, %gather3A_1375 : vector<16xf32>
      %eq3A_1377 = arith.constant 4 : i32
      %eq3A_1378 = vector.broadcast %eq3A_1377 : i32 to vector<16xi32>
      %eq3A_1379 = arith.cmpi eq, %iota3A, %eq3A_1378 : vector<16xi32>
      %select_n3A_1380 = arith.select %eq3A_1379, %add3A_1376, %select_n3A_1104 : vector<16xi1>, vector<16xf32>
      %broadcast_in_dim3A_1381 = arith.constant 0xFF800000 : f32
      %broadcast_in_dim3A_1382 = vector.broadcast %broadcast_in_dim3A_1381 : f32 to vector<16xf32>
      %broadcast_in_dim3A_1383 = arith.constant 0 : i32
      %broadcast_in_dim3A_1384 = vector.broadcast %broadcast_in_dim3A_1383 : i32 to vector<16xi32>
      %scan3A_1385 = arith.constant 0 : i32
      %scan3A_1386 = arith.constant 128 : i32
      %scan3A_1387 = arith.addi %scan3A_1385, %scan3A_1386 : i32
      %scan3A_1388 = arith.constant 1 : i32
      %scan3A_1389:2 = scf.for %scan3A_2222 = %scan3A_1385 to %scan3A_1387 step %scan3A_1388 iter_args(%scan3A_2223 = %broadcast_in_dim3A_1382, %scan3A_2224 = %broadcast_in_dim3A_1384) -> (vector<16xf32>, vector<16xi32>)  : i32 {
        %mul3A_2225 = arith.constant 16 : i32
        %mul3A_2226 = arith.muli %scan3A_2222, %mul3A_2225 : i32
        %get3A_2227 = arith.index_cast %mul3A_2226 : i32 to index
        %get3A_2228 = tpu.vector_load %arg6[%get3A_2227] {strides = array<i32>} : memref<2048xf32, #tpu.memory_space<vmem>>, vector<16xf32>,
        %get3A_2229 = vector.shape_cast %get3A_2228 : vector<16xf32> to vector<16xf32>
        %mul3A_2230 = arith.constant 16 : i32
        %mul3A_2231 = arith.muli %scan3A_2222, %mul3A_2230 : i32
        %add3A_2232 = vector.broadcast %mul3A_2231 : i32 to vector<16xi32>
        %add3A_2233 = arith.addi %add3A_2232, %iota3A : vector<16xi32>
        %gt3A = arith.cmpf ogt, %get3A_2229, %scan3A_2223 : vector<16xf32>
        %select_n3A_2234 = arith.select %gt3A, %get3A_2229, %scan3A_2223 : vector<16xi1>, vector<16xf32>
        %select_n3A_2235 = arith.select %gt3A, %add3A_2233, %scan3A_2224 : vector<16xi1>, vector<16xi32>
        scf.yield %select_n3A_2234, %select_n3A_2235 : vector<16xf32>, vector<16xi32>
      }
      %scan3A_1390 = arith.constant 128 : i32
      %xor3A_1391 = arith.constant 1 : i32
      %xor3A_1392 = vector.broadcast %xor3A_1391 : i32 to vector<16xi32>
      %xor3A_1393 = arith.xori %iota3A, %xor3A_1392 : vector<16xi32>
      %broadcast_in_dim3A_1394 = vector.shape_cast %xor3A_1393 : vector<16xi32> to vector<16x1xi32>
      %gather3A_1395 = vector.shape_cast %broadcast_in_dim3A_1394 : vector<16x1xi32> to vector<16xi32>
      %gather3A_1396 = tpu.dynamic_gather %scan3A_1389#0[%gather3A_1395] in [0] : vector<16xf32>, vector<16xi32> -> vector<16xf32>
      %max3A_1397 = arith.maximumf %scan3A_1389#0, %gather3A_1396 : vector<16xf32>
      %xor3A_1398 = arith.constant 2 : i32
      %xor3A_1399 = vector.broadcast %xor3A_1398 : i32 to vector<16xi32>
      %xor3A_1400 = arith.xori %iota3A, %xor3A_1399 : vector<16xi32>
      %broadcast_in_dim3A_1401 = vector.shape_cast %xor3A_1400 : vector<16xi32> to vector<16x1xi32>
      %gather3A_1402 = vector.shape_cast %broadcast_in_dim3A_1401 : vector<16x1xi32> to vector<16xi32>
      %gather3A_1403 = tpu.dynamic_gather %max3A_1397[%gather3A_1402] in [0] : vector<16xf32>, vector<16xi32> -> vector<16xf32>
      %max3A_1404 = arith.maximumf %max3A_1397, %gather3A_1403 : vector<16xf32>
      %xor3A_1405 = arith.constant 4 : i32
      %xor3A_1406 = vector.broadcast %xor3A_1405 : i32 to vector<16xi32>
      %xor3A_1407 = arith.xori %iota3A, %xor3A_1406 : vector<16xi32>
      %broadcast_in_dim3A_1408 = vector.shape_cast %xor3A_1407 : vector<16xi32> to vector<16x1xi32>
      %gather3A_1409 = vector.shape_cast %broadcast_in_dim3A_1408 : vector<16x1xi32> to vector<16xi32>
      %gather3A_1410 = tpu.dynamic_gather %max3A_1404[%gather3A_1409] in [0] : vector<16xf32>, vector<16xi32> -> vector<16xf32>
      %max3A_1411 = arith.maximumf %max3A_1404, %gather3A_1410 : vector<16xf32>
      %xor3A_1412 = arith.constant 8 : i32
      %xor3A_1413 = vector.broadcast %xor3A_1412 : i32 to vector<16xi32>
      %xor3A_1414 = arith.xori %iota3A, %xor3A_1413 : vector<16xi32>
      %broadcast_in_dim3A_1415 = vector.shape_cast %xor3A_1414 : vector<16xi32> to vector<16x1xi32>
      %gather3A_1416 = vector.shape_cast %broadcast_in_dim3A_1415 : vector<16x1xi32> to vector<16xi32>
      %gather3A_1417 = tpu.dynamic_gather %max3A_1411[%gather3A_1416] in [0] : vector<16xf32>, vector<16xi32> -> vector<16xf32>
      %max3A_1418 = arith.maximumf %max3A_1411, %gather3A_1417 : vector<16xf32>
      %eq3A_1419 = arith.cmpf oeq, %scan3A_1389#0, %max3A_1418 : vector<16xf32>
      %jit3A_1420 = arith.constant 1073741824 : i32
      %broadcast_in_dim3A_1421 = vector.broadcast %jit3A_1420 : i32 to vector<16xi32>
      %select_n3A_1422 = arith.select %eq3A_1419, %scan3A_1389#1, %broadcast_in_dim3A_1421 : vector<16xi1>, vector<16xi32>
      %xor3A_1423 = arith.constant 1 : i32
      %xor3A_1424 = vector.broadcast %xor3A_1423 : i32 to vector<16xi32>
      %xor3A_1425 = arith.xori %iota3A, %xor3A_1424 : vector<16xi32>
      %broadcast_in_dim3A_1426 = vector.shape_cast %xor3A_1425 : vector<16xi32> to vector<16x1xi32>
      %gather3A_1427 = vector.shape_cast %broadcast_in_dim3A_1426 : vector<16x1xi32> to vector<16xi32>
      %gather3A_1428 = tpu.dynamic_gather %select_n3A_1422[%gather3A_1427] in [0] : vector<16xi32>, vector<16xi32> -> vector<16xi32>
      %min3A_1429 = arith.minsi %select_n3A_1422, %gather3A_1428 : vector<16xi32>
      %xor3A_1430 = arith.constant 2 : i32
      %xor3A_1431 = vector.broadcast %xor3A_1430 : i32 to vector<16xi32>
      %xor3A_1432 = arith.xori %iota3A, %xor3A_1431 : vector<16xi32>
      %broadcast_in_dim3A_1433 = vector.shape_cast %xor3A_1432 : vector<16xi32> to vector<16x1xi32>
      %gather3A_1434 = vector.shape_cast %broadcast_in_dim3A_1433 : vector<16x1xi32> to vector<16xi32>
      %gather3A_1435 = tpu.dynamic_gather %min3A_1429[%gather3A_1434] in [0] : vector<16xi32>, vector<16xi32> -> vector<16xi32>
      %min3A_1436 = arith.minsi %min3A_1429, %gather3A_1435 : vector<16xi32>
      %xor3A_1437 = arith.constant 4 : i32
      %xor3A_1438 = vector.broadcast %xor3A_1437 : i32 to vector<16xi32>
      %xor3A_1439 = arith.xori %iota3A, %xor3A_1438 : vector<16xi32>
      %broadcast_in_dim3A_1440 = vector.shape_cast %xor3A_1439 : vector<16xi32> to vector<16x1xi32>
      %gather3A_1441 = vector.shape_cast %broadcast_in_dim3A_1440 : vector<16x1xi32> to vector<16xi32>
      %gather3A_1442 = tpu.dynamic_gather %min3A_1436[%gather3A_1441] in [0] : vector<16xi32>, vector<16xi32> -> vector<16xi32>
      %min3A_1443 = arith.minsi %min3A_1436, %gather3A_1442 : vector<16xi32>
      %xor3A_1444 = arith.constant 8 : i32
      %xor3A_1445 = vector.broadcast %xor3A_1444 : i32 to vector<16xi32>
      %xor3A_1446 = arith.xori %iota3A, %xor3A_1445 : vector<16xi32>
      %broadcast_in_dim3A_1447 = vector.shape_cast %xor3A_1446 : vector<16xi32> to vector<16x1xi32>
      %gather3A_1448 = vector.shape_cast %broadcast_in_dim3A_1447 : vector<16x1xi32> to vector<16xi32>
      %gather3A_1449 = tpu.dynamic_gather %min3A_1443[%gather3A_1448] in [0] : vector<16xi32>, vector<16xi32> -> vector<16xi32>
      %min3A_1450 = arith.minsi %min3A_1443, %gather3A_1449 : vector<16xi32>
      %eq3A_1451 = arith.constant 5 : i32
      %eq3A_1452 = vector.broadcast %eq3A_1451 : i32 to vector<16xi32>
      %eq3A_1453 = arith.cmpi eq, %iota3A, %eq3A_1452 : vector<16xi32>
      %select_n3A_1454 = arith.select %eq3A_1453, %min3A_1450, %select_n3A_1178 : vector<16xi1>, vector<16xi32>
      %slice3A_1455 = vector.extract_strided_slice %min3A_1450 {offsets = [0], sizes = [1], strides = [1]} : vector<16xi32> to vector<1xi32>
      %squeeze3A_1456 = vector.extract %slice3A_1455[0] : i32 from vector<1xi32>
      %jit3A_1457 = arith.constant 16 : i32
      %div3A_1458 = arith.divsi %squeeze3A_1456, %jit3A_1457 : i32
      %sign3A_1459 = arith.constant 0 : i32
      %sign3A_1460 = arith.cmpi sgt, %squeeze3A_1456, %sign3A_1459 : i32
      %sign3A_1461 = arith.extui %sign3A_1460 : i1 to i32
      %sign3A_1462 = arith.constant 0 : i32
      %sign3A_1463 = arith.cmpi slt, %squeeze3A_1456, %sign3A_1462 : i32
      %sign3A_1464 = arith.extui %sign3A_1463 : i1 to i32
      %sign3A_1465 = arith.subi %sign3A_1461, %sign3A_1464 : i32
      %sign3A_1466 = arith.constant 0 : i32
      %sign3A_1467 = arith.cmpi sgt, %jit3A_1457, %sign3A_1466 : i32
      %sign3A_1468 = arith.extui %sign3A_1467 : i1 to i32
      %sign3A_1469 = arith.constant 0 : i32
      %sign3A_1470 = arith.cmpi slt, %jit3A_1457, %sign3A_1469 : i32
      %sign3A_1471 = arith.extui %sign3A_1470 : i1 to i32
      %sign3A_1472 = arith.subi %sign3A_1468, %sign3A_1471 : i32
      %ne3A_1473 = arith.cmpi ne, %sign3A_1465, %sign3A_1472 : i32
      %rem3A_1474 = arith.remsi %squeeze3A_1456, %jit3A_1457 : i32
      %ne3A_1475 = arith.constant 0 : i32
      %ne3A_1476 = arith.cmpi ne, %rem3A_1474, %ne3A_1475 : i32
      %and3A_1477 = arith.andi %ne3A_1473, %ne3A_1476 : i1
      %sub3A_1478 = arith.constant 1 : i32
      %sub3A_1479 = arith.subi %div3A_1458, %sub3A_1478 : i32
      %select_n3A_1480 = arith.select %and3A_1477, %sub3A_1479, %div3A_1458 : i32
      %mul3A_1481 = arith.constant 16 : i32
      %mul3A_1482 = arith.muli %select_n3A_1480, %mul3A_1481 : i32
      %add3A_1483 = vector.broadcast %mul3A_1482 : i32 to vector<16xi32>
      %add3A_1484 = arith.addi %add3A_1483, %iota3A : vector<16xi32>
      %eq3A_1485 = vector.broadcast %squeeze3A_1456 : i32 to vector<16xi32>
      %eq3A_1486 = arith.cmpi eq, %add3A_1484, %eq3A_1485 : vector<16xi32>
      %get3A_1487 = arith.index_cast %mul3A_1482 : i32 to index
      %get3A_1488 = tpu.vector_load %arg6[%get3A_1487] {strides = array<i32>} : memref<2048xf32, #tpu.memory_space<vmem>>, vector<16xf32>,
      %get3A_1489 = vector.shape_cast %get3A_1488 : vector<16xf32> to vector<16xf32>
      %broadcast_in_dim3A_1490 = arith.constant 0xFF800000 : f32
      %broadcast_in_dim3A_1491 = vector.broadcast %broadcast_in_dim3A_1490 : f32 to vector<16xf32>
      %select_n3A_1492 = arith.select %eq3A_1486, %broadcast_in_dim3A_1491, %get3A_1489 : vector<16xi1>, vector<16xf32>
      %swap3A_1493 = arith.index_cast %mul3A_1482 : i32 to index
      %swap3A_1494 = tpu.vector_load %arg6[%swap3A_1493] {strides = array<i32>} : memref<2048xf32, #tpu.memory_space<vmem>>, vector<16xf32>,
      %swap3A_1495 = vector.shape_cast %swap3A_1494 : vector<16xf32> to vector<16xf32>
      %swap3A_1496 = vector.shape_cast %select_n3A_1492 : vector<16xf32> to vector<16xf32>
      tpu.vector_store %arg6[%swap3A_1493], %swap3A_1496 {strides = array<i32>} : memref<2048xf32, #tpu.memory_space<vmem>>, vector<16xf32>,
      %get3A_1497 = arith.constant 0 : i32
      %get3A_1498 = arith.index_cast %get3A_1497 : i32 to index
      %get3A_1499 = arith.index_cast %mul3A_1482 : i32 to index
      %get3A_1500 = tpu.vector_load %arg5[%get3A_1498, %get3A_1499] {strides = array<i32>} : memref<4x2048xf32, #tpu.memory_space<vmem>>, vector<1x16xf32>,
      %get3A_1501 = vector.shape_cast %get3A_1500 : vector<1x16xf32> to vector<16xf32>
      %jit3A_1502 = arith.constant 0.000000e+00 : f32
      %broadcast_in_dim3A_1503 = vector.broadcast %jit3A_1502 : f32 to vector<16xf32>
      %select_n3A_1504 = arith.select %eq3A_1486, %get3A_1501, %broadcast_in_dim3A_1503 : vector<16xi1>, vector<16xf32>
      %xor3A_1505 = arith.constant 1 : i32
      %xor3A_1506 = vector.broadcast %xor3A_1505 : i32 to vector<16xi32>
      %xor3A_1507 = arith.xori %iota3A, %xor3A_1506 : vector<16xi32>
      %broadcast_in_dim3A_1508 = vector.shape_cast %xor3A_1507 : vector<16xi32> to vector<16x1xi32>
      %gather3A_1509 = vector.shape_cast %broadcast_in_dim3A_1508 : vector<16x1xi32> to vector<16xi32>
      %gather3A_1510 = tpu.dynamic_gather %select_n3A_1504[%gather3A_1509] in [0] : vector<16xf32>, vector<16xi32> -> vector<16xf32>
      %add3A_1511 = arith.addf %select_n3A_1504, %gather3A_1510 : vector<16xf32>
      %xor3A_1512 = arith.constant 2 : i32
      %xor3A_1513 = vector.broadcast %xor3A_1512 : i32 to vector<16xi32>
      %xor3A_1514 = arith.xori %iota3A, %xor3A_1513 : vector<16xi32>
      %broadcast_in_dim3A_1515 = vector.shape_cast %xor3A_1514 : vector<16xi32> to vector<16x1xi32>
      %gather3A_1516 = vector.shape_cast %broadcast_in_dim3A_1515 : vector<16x1xi32> to vector<16xi32>
      %gather3A_1517 = tpu.dynamic_gather %add3A_1511[%gather3A_1516] in [0] : vector<16xf32>, vector<16xi32> -> vector<16xf32>
      %add3A_1518 = arith.addf %add3A_1511, %gather3A_1517 : vector<16xf32>
      %xor3A_1519 = arith.constant 4 : i32
      %xor3A_1520 = vector.broadcast %xor3A_1519 : i32 to vector<16xi32>
      %xor3A_1521 = arith.xori %iota3A, %xor3A_1520 : vector<16xi32>
      %broadcast_in_dim3A_1522 = vector.shape_cast %xor3A_1521 : vector<16xi32> to vector<16x1xi32>
      %gather3A_1523 = vector.shape_cast %broadcast_in_dim3A_1522 : vector<16x1xi32> to vector<16xi32>
      %gather3A_1524 = tpu.dynamic_gather %add3A_1518[%gather3A_1523] in [0] : vector<16xf32>, vector<16xi32> -> vector<16xf32>
      %add3A_1525 = arith.addf %add3A_1518, %gather3A_1524 : vector<16xf32>
      %xor3A_1526 = arith.constant 8 : i32
      %xor3A_1527 = vector.broadcast %xor3A_1526 : i32 to vector<16xi32>
      %xor3A_1528 = arith.xori %iota3A, %xor3A_1527 : vector<16xi32>
      %broadcast_in_dim3A_1529 = vector.shape_cast %xor3A_1528 : vector<16xi32> to vector<16x1xi32>
      %gather3A_1530 = vector.shape_cast %broadcast_in_dim3A_1529 : vector<16x1xi32> to vector<16xi32>
      %gather3A_1531 = tpu.dynamic_gather %add3A_1525[%gather3A_1530] in [0] : vector<16xf32>, vector<16xi32> -> vector<16xf32>
      %add3A_1532 = arith.addf %add3A_1525, %gather3A_1531 : vector<16xf32>
      %eq3A_1533 = arith.constant 5 : i32
      %eq3A_1534 = vector.broadcast %eq3A_1533 : i32 to vector<16xi32>
      %eq3A_1535 = arith.cmpi eq, %iota3A, %eq3A_1534 : vector<16xi32>
      %select_n3A_1536 = arith.select %eq3A_1535, %add3A_1532, %select_n3A_1260 : vector<16xi1>, vector<16xf32>
      %get3A_1537 = arith.constant 1 : i32
      %get3A_1538 = arith.index_cast %get3A_1537 : i32 to index
      %get3A_1539 = arith.index_cast %mul3A_1482 : i32 to index
      %get3A_1540 = tpu.vector_load %arg5[%get3A_1538, %get3A_1539] {strides = array<i32>} : memref<4x2048xf32, #tpu.memory_space<vmem>>, vector<1x16xf32>,
      %get3A_1541 = vector.shape_cast %get3A_1540 : vector<1x16xf32> to vector<16xf32>
      %jit3A_1542 = arith.constant 0.000000e+00 : f32
      %broadcast_in_dim3A_1543 = vector.broadcast %jit3A_1542 : f32 to vector<16xf32>
      %select_n3A_1544 = arith.select %eq3A_1486, %get3A_1541, %broadcast_in_dim3A_1543 : vector<16xi1>, vector<16xf32>
      %xor3A_1545 = arith.constant 1 : i32
      %xor3A_1546 = vector.broadcast %xor3A_1545 : i32 to vector<16xi32>
      %xor3A_1547 = arith.xori %iota3A, %xor3A_1546 : vector<16xi32>
      %broadcast_in_dim3A_1548 = vector.shape_cast %xor3A_1547 : vector<16xi32> to vector<16x1xi32>
      %gather3A_1549 = vector.shape_cast %broadcast_in_dim3A_1548 : vector<16x1xi32> to vector<16xi32>
      %gather3A_1550 = tpu.dynamic_gather %select_n3A_1544[%gather3A_1549] in [0] : vector<16xf32>, vector<16xi32> -> vector<16xf32>
      %add3A_1551 = arith.addf %select_n3A_1544, %gather3A_1550 : vector<16xf32>
      %xor3A_1552 = arith.constant 2 : i32
      %xor3A_1553 = vector.broadcast %xor3A_1552 : i32 to vector<16xi32>
      %xor3A_1554 = arith.xori %iota3A, %xor3A_1553 : vector<16xi32>
      %broadcast_in_dim3A_1555 = vector.shape_cast %xor3A_1554 : vector<16xi32> to vector<16x1xi32>
      %gather3A_1556 = vector.shape_cast %broadcast_in_dim3A_1555 : vector<16x1xi32> to vector<16xi32>
      %gather3A_1557 = tpu.dynamic_gather %add3A_1551[%gather3A_1556] in [0] : vector<16xf32>, vector<16xi32> -> vector<16xf32>
      %add3A_1558 = arith.addf %add3A_1551, %gather3A_1557 : vector<16xf32>
      %xor3A_1559 = arith.constant 4 : i32
      %xor3A_1560 = vector.broadcast %xor3A_1559 : i32 to vector<16xi32>
      %xor3A_1561 = arith.xori %iota3A, %xor3A_1560 : vector<16xi32>
      %broadcast_in_dim3A_1562 = vector.shape_cast %xor3A_1561 : vector<16xi32> to vector<16x1xi32>
      %gather3A_1563 = vector.shape_cast %broadcast_in_dim3A_1562 : vector<16x1xi32> to vector<16xi32>
      %gather3A_1564 = tpu.dynamic_gather %add3A_1558[%gather3A_1563] in [0] : vector<16xf32>, vector<16xi32> -> vector<16xf32>
      %add3A_1565 = arith.addf %add3A_1558, %gather3A_1564 : vector<16xf32>
      %xor3A_1566 = arith.constant 8 : i32
      %xor3A_1567 = vector.broadcast %xor3A_1566 : i32 to vector<16xi32>
      %xor3A_1568 = arith.xori %iota3A, %xor3A_1567 : vector<16xi32>
      %broadcast_in_dim3A_1569 = vector.shape_cast %xor3A_1568 : vector<16xi32> to vector<16x1xi32>
      %gather3A_1570 = vector.shape_cast %broadcast_in_dim3A_1569 : vector<16x1xi32> to vector<16xi32>
      %gather3A_1571 = tpu.dynamic_gather %add3A_1565[%gather3A_1570] in [0] : vector<16xf32>, vector<16xi32> -> vector<16xf32>
      %add3A_1572 = arith.addf %add3A_1565, %gather3A_1571 : vector<16xf32>
      %eq3A_1573 = arith.constant 5 : i32
      %eq3A_1574 = vector.broadcast %eq3A_1573 : i32 to vector<16xi32>
      %eq3A_1575 = arith.cmpi eq, %iota3A, %eq3A_1574 : vector<16xi32>
      %select_n3A_1576 = arith.select %eq3A_1575, %add3A_1572, %select_n3A_1300 : vector<16xi1>, vector<16xf32>
      %get3A_1577 = arith.constant 2 : i32
      %get3A_1578 = arith.index_cast %get3A_1577 : i32 to index
      %get3A_1579 = arith.index_cast %mul3A_1482 : i32 to index
      %get3A_1580 = tpu.vector_load %arg5[%get3A_1578, %get3A_1579] {strides = array<i32>} : memref<4x2048xf32, #tpu.memory_space<vmem>>, vector<1x16xf32>,
      %get3A_1581 = vector.shape_cast %get3A_1580 : vector<1x16xf32> to vector<16xf32>
      %jit3A_1582 = arith.constant 0.000000e+00 : f32
      %broadcast_in_dim3A_1583 = vector.broadcast %jit3A_1582 : f32 to vector<16xf32>
      %select_n3A_1584 = arith.select %eq3A_1486, %get3A_1581, %broadcast_in_dim3A_1583 : vector<16xi1>, vector<16xf32>
      %xor3A_1585 = arith.constant 1 : i32
      %xor3A_1586 = vector.broadcast %xor3A_1585 : i32 to vector<16xi32>
      %xor3A_1587 = arith.xori %iota3A, %xor3A_1586 : vector<16xi32>
      %broadcast_in_dim3A_1588 = vector.shape_cast %xor3A_1587 : vector<16xi32> to vector<16x1xi32>
      %gather3A_1589 = vector.shape_cast %broadcast_in_dim3A_1588 : vector<16x1xi32> to vector<16xi32>
      %gather3A_1590 = tpu.dynamic_gather %select_n3A_1584[%gather3A_1589] in [0] : vector<16xf32>, vector<16xi32> -> vector<16xf32>
      %add3A_1591 = arith.addf %select_n3A_1584, %gather3A_1590 : vector<16xf32>
      %xor3A_1592 = arith.constant 2 : i32
      %xor3A_1593 = vector.broadcast %xor3A_1592 : i32 to vector<16xi32>
      %xor3A_1594 = arith.xori %iota3A, %xor3A_1593 : vector<16xi32>
      %broadcast_in_dim3A_1595 = vector.shape_cast %xor3A_1594 : vector<16xi32> to vector<16x1xi32>
      %gather3A_1596 = vector.shape_cast %broadcast_in_dim3A_1595 : vector<16x1xi32> to vector<16xi32>
      %gather3A_1597 = tpu.dynamic_gather %add3A_1591[%gather3A_1596] in [0] : vector<16xf32>, vector<16xi32> -> vector<16xf32>
      %add3A_1598 = arith.addf %add3A_1591, %gather3A_1597 : vector<16xf32>
      %xor3A_1599 = arith.constant 4 : i32
      %xor3A_1600 = vector.broadcast %xor3A_1599 : i32 to vector<16xi32>
      %xor3A_1601 = arith.xori %iota3A, %xor3A_1600 : vector<16xi32>
      %broadcast_in_dim3A_1602 = vector.shape_cast %xor3A_1601 : vector<16xi32> to vector<16x1xi32>
      %gather3A_1603 = vector.shape_cast %broadcast_in_dim3A_1602 : vector<16x1xi32> to vector<16xi32>
      %gather3A_1604 = tpu.dynamic_gather %add3A_1598[%gather3A_1603] in [0] : vector<16xf32>, vector<16xi32> -> vector<16xf32>
      %add3A_1605 = arith.addf %add3A_1598, %gather3A_1604 : vector<16xf32>
      %xor3A_1606 = arith.constant 8 : i32
      %xor3A_1607 = vector.broadcast %xor3A_1606 : i32 to vector<16xi32>
      %xor3A_1608 = arith.xori %iota3A, %xor3A_1607 : vector<16xi32>
      %broadcast_in_dim3A_1609 = vector.shape_cast %xor3A_1608 : vector<16xi32> to vector<16x1xi32>
      %gather3A_1610 = vector.shape_cast %broadcast_in_dim3A_1609 : vector<16x1xi32> to vector<16xi32>
      %gather3A_1611 = tpu.dynamic_gather %add3A_1605[%gather3A_1610] in [0] : vector<16xf32>, vector<16xi32> -> vector<16xf32>
      %add3A_1612 = arith.addf %add3A_1605, %gather3A_1611 : vector<16xf32>
      %eq3A_1613 = arith.constant 5 : i32
      %eq3A_1614 = vector.broadcast %eq3A_1613 : i32 to vector<16xi32>
      %eq3A_1615 = arith.cmpi eq, %iota3A, %eq3A_1614 : vector<16xi32>
      %select_n3A_1616 = arith.select %eq3A_1615, %add3A_1612, %select_n3A_1340 : vector<16xi1>, vector<16xf32>
      %get3A_1617 = arith.constant 3 : i32
      %get3A_1618 = arith.index_cast %get3A_1617 : i32 to index
      %get3A_1619 = arith.index_cast %mul3A_1482 : i32 to index
      %get3A_1620 = tpu.vector_load %arg5[%get3A_1618, %get3A_1619] {strides = array<i32>} : memref<4x2048xf32, #tpu.memory_space<vmem>>, vector<1x16xf32>,
      %get3A_1621 = vector.shape_cast %get3A_1620 : vector<1x16xf32> to vector<16xf32>
      %jit3A_1622 = arith.constant 0.000000e+00 : f32
      %broadcast_in_dim3A_1623 = vector.broadcast %jit3A_1622 : f32 to vector<16xf32>
      %select_n3A_1624 = arith.select %eq3A_1486, %get3A_1621, %broadcast_in_dim3A_1623 : vector<16xi1>, vector<16xf32>
      %xor3A_1625 = arith.constant 1 : i32
      %xor3A_1626 = vector.broadcast %xor3A_1625 : i32 to vector<16xi32>
      %xor3A_1627 = arith.xori %iota3A, %xor3A_1626 : vector<16xi32>
      %broadcast_in_dim3A_1628 = vector.shape_cast %xor3A_1627 : vector<16xi32> to vector<16x1xi32>
      %gather3A_1629 = vector.shape_cast %broadcast_in_dim3A_1628 : vector<16x1xi32> to vector<16xi32>
      %gather3A_1630 = tpu.dynamic_gather %select_n3A_1624[%gather3A_1629] in [0] : vector<16xf32>, vector<16xi32> -> vector<16xf32>
      %add3A_1631 = arith.addf %select_n3A_1624, %gather3A_1630 : vector<16xf32>
      %xor3A_1632 = arith.constant 2 : i32
      %xor3A_1633 = vector.broadcast %xor3A_1632 : i32 to vector<16xi32>
      %xor3A_1634 = arith.xori %iota3A, %xor3A_1633 : vector<16xi32>
      %broadcast_in_dim3A_1635 = vector.shape_cast %xor3A_1634 : vector<16xi32> to vector<16x1xi32>
      %gather3A_1636 = vector.shape_cast %broadcast_in_dim3A_1635 : vector<16x1xi32> to vector<16xi32>
      %gather3A_1637 = tpu.dynamic_gather %add3A_1631[%gather3A_1636] in [0] : vector<16xf32>, vector<16xi32> -> vector<16xf32>
      %add3A_1638 = arith.addf %add3A_1631, %gather3A_1637 : vector<16xf32>
      %xor3A_1639 = arith.constant 4 : i32
      %xor3A_1640 = vector.broadcast %xor3A_1639 : i32 to vector<16xi32>
      %xor3A_1641 = arith.xori %iota3A, %xor3A_1640 : vector<16xi32>
      %broadcast_in_dim3A_1642 = vector.shape_cast %xor3A_1641 : vector<16xi32> to vector<16x1xi32>
      %gather3A_1643 = vector.shape_cast %broadcast_in_dim3A_1642 : vector<16x1xi32> to vector<16xi32>
      %gather3A_1644 = tpu.dynamic_gather %add3A_1638[%gather3A_1643] in [0] : vector<16xf32>, vector<16xi32> -> vector<16xf32>
      %add3A_1645 = arith.addf %add3A_1638, %gather3A_1644 : vector<16xf32>
      %xor3A_1646 = arith.constant 8 : i32
      %xor3A_1647 = vector.broadcast %xor3A_1646 : i32 to vector<16xi32>
      %xor3A_1648 = arith.xori %iota3A, %xor3A_1647 : vector<16xi32>
      %broadcast_in_dim3A_1649 = vector.shape_cast %xor3A_1648 : vector<16xi32> to vector<16x1xi32>
      %gather3A_1650 = vector.shape_cast %broadcast_in_dim3A_1649 : vector<16x1xi32> to vector<16xi32>
      %gather3A_1651 = tpu.dynamic_gather %add3A_1645[%gather3A_1650] in [0] : vector<16xf32>, vector<16xi32> -> vector<16xf32>
      %add3A_1652 = arith.addf %add3A_1645, %gather3A_1651 : vector<16xf32>
      %eq3A_1653 = arith.constant 5 : i32
      %eq3A_1654 = vector.broadcast %eq3A_1653 : i32 to vector<16xi32>
      %eq3A_1655 = arith.cmpi eq, %iota3A, %eq3A_1654 : vector<16xi32>
      %select_n3A_1656 = arith.select %eq3A_1655, %add3A_1652, %select_n3A_1380 : vector<16xi1>, vector<16xf32>
      %broadcast_in_dim3A_1657 = arith.constant 0xFF800000 : f32
      %broadcast_in_dim3A_1658 = vector.broadcast %broadcast_in_dim3A_1657 : f32 to vector<16xf32>
      %broadcast_in_dim3A_1659 = arith.constant 0 : i32
      %broadcast_in_dim3A_1660 = vector.broadcast %broadcast_in_dim3A_1659 : i32 to vector<16xi32>
      %scan3A_1661 = arith.constant 0 : i32
      %scan3A_1662 = arith.constant 128 : i32
      %scan3A_1663 = arith.addi %scan3A_1661, %scan3A_1662 : i32
      %scan3A_1664 = arith.constant 1 : i32
      %scan3A_1665:2 = scf.for %scan3A_2222 = %scan3A_1661 to %scan3A_1663 step %scan3A_1664 iter_args(%scan3A_2223 = %broadcast_in_dim3A_1658, %scan3A_2224 = %broadcast_in_dim3A_1660) -> (vector<16xf32>, vector<16xi32>)  : i32 {
        %mul3A_2225 = arith.constant 16 : i32
        %mul3A_2226 = arith.muli %scan3A_2222, %mul3A_2225 : i32
        %get3A_2227 = arith.index_cast %mul3A_2226 : i32 to index
        %get3A_2228 = tpu.vector_load %arg6[%get3A_2227] {strides = array<i32>} : memref<2048xf32, #tpu.memory_space<vmem>>, vector<16xf32>,
        %get3A_2229 = vector.shape_cast %get3A_2228 : vector<16xf32> to vector<16xf32>
        %mul3A_2230 = arith.constant 16 : i32
        %mul3A_2231 = arith.muli %scan3A_2222, %mul3A_2230 : i32
        %add3A_2232 = vector.broadcast %mul3A_2231 : i32 to vector<16xi32>
        %add3A_2233 = arith.addi %add3A_2232, %iota3A : vector<16xi32>
        %gt3A = arith.cmpf ogt, %get3A_2229, %scan3A_2223 : vector<16xf32>
        %select_n3A_2234 = arith.select %gt3A, %get3A_2229, %scan3A_2223 : vector<16xi1>, vector<16xf32>
        %select_n3A_2235 = arith.select %gt3A, %add3A_2233, %scan3A_2224 : vector<16xi1>, vector<16xi32>
        scf.yield %select_n3A_2234, %select_n3A_2235 : vector<16xf32>, vector<16xi32>
      }
      %scan3A_1666 = arith.constant 128 : i32
      %xor3A_1667 = arith.constant 1 : i32
      %xor3A_1668 = vector.broadcast %xor3A_1667 : i32 to vector<16xi32>
      %xor3A_1669 = arith.xori %iota3A, %xor3A_1668 : vector<16xi32>
      %broadcast_in_dim3A_1670 = vector.shape_cast %xor3A_1669 : vector<16xi32> to vector<16x1xi32>
      %gather3A_1671 = vector.shape_cast %broadcast_in_dim3A_1670 : vector<16x1xi32> to vector<16xi32>
      %gather3A_1672 = tpu.dynamic_gather %scan3A_1665#0[%gather3A_1671] in [0] : vector<16xf32>, vector<16xi32> -> vector<16xf32>
      %max3A_1673 = arith.maximumf %scan3A_1665#0, %gather3A_1672 : vector<16xf32>
      %xor3A_1674 = arith.constant 2 : i32
      %xor3A_1675 = vector.broadcast %xor3A_1674 : i32 to vector<16xi32>
      %xor3A_1676 = arith.xori %iota3A, %xor3A_1675 : vector<16xi32>
      %broadcast_in_dim3A_1677 = vector.shape_cast %xor3A_1676 : vector<16xi32> to vector<16x1xi32>
      %gather3A_1678 = vector.shape_cast %broadcast_in_dim3A_1677 : vector<16x1xi32> to vector<16xi32>
      %gather3A_1679 = tpu.dynamic_gather %max3A_1673[%gather3A_1678] in [0] : vector<16xf32>, vector<16xi32> -> vector<16xf32>
      %max3A_1680 = arith.maximumf %max3A_1673, %gather3A_1679 : vector<16xf32>
      %xor3A_1681 = arith.constant 4 : i32
      %xor3A_1682 = vector.broadcast %xor3A_1681 : i32 to vector<16xi32>
      %xor3A_1683 = arith.xori %iota3A, %xor3A_1682 : vector<16xi32>
      %broadcast_in_dim3A_1684 = vector.shape_cast %xor3A_1683 : vector<16xi32> to vector<16x1xi32>
      %gather3A_1685 = vector.shape_cast %broadcast_in_dim3A_1684 : vector<16x1xi32> to vector<16xi32>
      %gather3A_1686 = tpu.dynamic_gather %max3A_1680[%gather3A_1685] in [0] : vector<16xf32>, vector<16xi32> -> vector<16xf32>
      %max3A_1687 = arith.maximumf %max3A_1680, %gather3A_1686 : vector<16xf32>
      %xor3A_1688 = arith.constant 8 : i32
      %xor3A_1689 = vector.broadcast %xor3A_1688 : i32 to vector<16xi32>
      %xor3A_1690 = arith.xori %iota3A, %xor3A_1689 : vector<16xi32>
      %broadcast_in_dim3A_1691 = vector.shape_cast %xor3A_1690 : vector<16xi32> to vector<16x1xi32>
      %gather3A_1692 = vector.shape_cast %broadcast_in_dim3A_1691 : vector<16x1xi32> to vector<16xi32>
      %gather3A_1693 = tpu.dynamic_gather %max3A_1687[%gather3A_1692] in [0] : vector<16xf32>, vector<16xi32> -> vector<16xf32>
      %max3A_1694 = arith.maximumf %max3A_1687, %gather3A_1693 : vector<16xf32>
      %eq3A_1695 = arith.cmpf oeq, %scan3A_1665#0, %max3A_1694 : vector<16xf32>
      %jit3A_1696 = arith.constant 1073741824 : i32
      %broadcast_in_dim3A_1697 = vector.broadcast %jit3A_1696 : i32 to vector<16xi32>
      %select_n3A_1698 = arith.select %eq3A_1695, %scan3A_1665#1, %broadcast_in_dim3A_1697 : vector<16xi1>, vector<16xi32>
      %xor3A_1699 = arith.constant 1 : i32
      %xor3A_1700 = vector.broadcast %xor3A_1699 : i32 to vector<16xi32>
      %xor3A_1701 = arith.xori %iota3A, %xor3A_1700 : vector<16xi32>
      %broadcast_in_dim3A_1702 = vector.shape_cast %xor3A_1701 : vector<16xi32> to vector<16x1xi32>
      %gather3A_1703 = vector.shape_cast %broadcast_in_dim3A_1702 : vector<16x1xi32> to vector<16xi32>
      %gather3A_1704 = tpu.dynamic_gather %select_n3A_1698[%gather3A_1703] in [0] : vector<16xi32>, vector<16xi32> -> vector<16xi32>
      %min3A_1705 = arith.minsi %select_n3A_1698, %gather3A_1704 : vector<16xi32>
      %xor3A_1706 = arith.constant 2 : i32
      %xor3A_1707 = vector.broadcast %xor3A_1706 : i32 to vector<16xi32>
      %xor3A_1708 = arith.xori %iota3A, %xor3A_1707 : vector<16xi32>
      %broadcast_in_dim3A_1709 = vector.shape_cast %xor3A_1708 : vector<16xi32> to vector<16x1xi32>
      %gather3A_1710 = vector.shape_cast %broadcast_in_dim3A_1709 : vector<16x1xi32> to vector<16xi32>
      %gather3A_1711 = tpu.dynamic_gather %min3A_1705[%gather3A_1710] in [0] : vector<16xi32>, vector<16xi32> -> vector<16xi32>
      %min3A_1712 = arith.minsi %min3A_1705, %gather3A_1711 : vector<16xi32>
      %xor3A_1713 = arith.constant 4 : i32
      %xor3A_1714 = vector.broadcast %xor3A_1713 : i32 to vector<16xi32>
      %xor3A_1715 = arith.xori %iota3A, %xor3A_1714 : vector<16xi32>
      %broadcast_in_dim3A_1716 = vector.shape_cast %xor3A_1715 : vector<16xi32> to vector<16x1xi32>
      %gather3A_1717 = vector.shape_cast %broadcast_in_dim3A_1716 : vector<16x1xi32> to vector<16xi32>
      %gather3A_1718 = tpu.dynamic_gather %min3A_1712[%gather3A_1717] in [0] : vector<16xi32>, vector<16xi32> -> vector<16xi32>
      %min3A_1719 = arith.minsi %min3A_1712, %gather3A_1718 : vector<16xi32>
      %xor3A_1720 = arith.constant 8 : i32
      %xor3A_1721 = vector.broadcast %xor3A_1720 : i32 to vector<16xi32>
      %xor3A_1722 = arith.xori %iota3A, %xor3A_1721 : vector<16xi32>
      %broadcast_in_dim3A_1723 = vector.shape_cast %xor3A_1722 : vector<16xi32> to vector<16x1xi32>
      %gather3A_1724 = vector.shape_cast %broadcast_in_dim3A_1723 : vector<16x1xi32> to vector<16xi32>
      %gather3A_1725 = tpu.dynamic_gather %min3A_1719[%gather3A_1724] in [0] : vector<16xi32>, vector<16xi32> -> vector<16xi32>
      %min3A_1726 = arith.minsi %min3A_1719, %gather3A_1725 : vector<16xi32>
      %eq3A_1727 = arith.constant 6 : i32
      %eq3A_1728 = vector.broadcast %eq3A_1727 : i32 to vector<16xi32>
      %eq3A_1729 = arith.cmpi eq, %iota3A, %eq3A_1728 : vector<16xi32>
      %select_n3A_1730 = arith.select %eq3A_1729, %min3A_1726, %select_n3A_1454 : vector<16xi1>, vector<16xi32>
      %slice3A_1731 = vector.extract_strided_slice %min3A_1726 {offsets = [0], sizes = [1], strides = [1]} : vector<16xi32> to vector<1xi32>
      %squeeze3A_1732 = vector.extract %slice3A_1731[0] : i32 from vector<1xi32>
      %jit3A_1733 = arith.constant 16 : i32
      %div3A_1734 = arith.divsi %squeeze3A_1732, %jit3A_1733 : i32
      %sign3A_1735 = arith.constant 0 : i32
      %sign3A_1736 = arith.cmpi sgt, %squeeze3A_1732, %sign3A_1735 : i32
      %sign3A_1737 = arith.extui %sign3A_1736 : i1 to i32
      %sign3A_1738 = arith.constant 0 : i32
      %sign3A_1739 = arith.cmpi slt, %squeeze3A_1732, %sign3A_1738 : i32
      %sign3A_1740 = arith.extui %sign3A_1739 : i1 to i32
      %sign3A_1741 = arith.subi %sign3A_1737, %sign3A_1740 : i32
      %sign3A_1742 = arith.constant 0 : i32
      %sign3A_1743 = arith.cmpi sgt, %jit3A_1733, %sign3A_1742 : i32
      %sign3A_1744 = arith.extui %sign3A_1743 : i1 to i32
      %sign3A_1745 = arith.constant 0 : i32
      %sign3A_1746 = arith.cmpi slt, %jit3A_1733, %sign3A_1745 : i32
      %sign3A_1747 = arith.extui %sign3A_1746 : i1 to i32
      %sign3A_1748 = arith.subi %sign3A_1744, %sign3A_1747 : i32
      %ne3A_1749 = arith.cmpi ne, %sign3A_1741, %sign3A_1748 : i32
      %rem3A_1750 = arith.remsi %squeeze3A_1732, %jit3A_1733 : i32
      %ne3A_1751 = arith.constant 0 : i32
      %ne3A_1752 = arith.cmpi ne, %rem3A_1750, %ne3A_1751 : i32
      %and3A_1753 = arith.andi %ne3A_1749, %ne3A_1752 : i1
      %sub3A_1754 = arith.constant 1 : i32
      %sub3A_1755 = arith.subi %div3A_1734, %sub3A_1754 : i32
      %select_n3A_1756 = arith.select %and3A_1753, %sub3A_1755, %div3A_1734 : i32
      %mul3A_1757 = arith.constant 16 : i32
      %mul3A_1758 = arith.muli %select_n3A_1756, %mul3A_1757 : i32
      %add3A_1759 = vector.broadcast %mul3A_1758 : i32 to vector<16xi32>
      %add3A_1760 = arith.addi %add3A_1759, %iota3A : vector<16xi32>
      %eq3A_1761 = vector.broadcast %squeeze3A_1732 : i32 to vector<16xi32>
      %eq3A_1762 = arith.cmpi eq, %add3A_1760, %eq3A_1761 : vector<16xi32>
      %get3A_1763 = arith.index_cast %mul3A_1758 : i32 to index
      %get3A_1764 = tpu.vector_load %arg6[%get3A_1763] {strides = array<i32>} : memref<2048xf32, #tpu.memory_space<vmem>>, vector<16xf32>,
      %get3A_1765 = vector.shape_cast %get3A_1764 : vector<16xf32> to vector<16xf32>
      %broadcast_in_dim3A_1766 = arith.constant 0xFF800000 : f32
      %broadcast_in_dim3A_1767 = vector.broadcast %broadcast_in_dim3A_1766 : f32 to vector<16xf32>
      %select_n3A_1768 = arith.select %eq3A_1762, %broadcast_in_dim3A_1767, %get3A_1765 : vector<16xi1>, vector<16xf32>
      %swap3A_1769 = arith.index_cast %mul3A_1758 : i32 to index
      %swap3A_1770 = tpu.vector_load %arg6[%swap3A_1769] {strides = array<i32>} : memref<2048xf32, #tpu.memory_space<vmem>>, vector<16xf32>,
      %swap3A_1771 = vector.shape_cast %swap3A_1770 : vector<16xf32> to vector<16xf32>
      %swap3A_1772 = vector.shape_cast %select_n3A_1768 : vector<16xf32> to vector<16xf32>
      tpu.vector_store %arg6[%swap3A_1769], %swap3A_1772 {strides = array<i32>} : memref<2048xf32, #tpu.memory_space<vmem>>, vector<16xf32>,
      %get3A_1773 = arith.constant 0 : i32
      %get3A_1774 = arith.index_cast %get3A_1773 : i32 to index
      %get3A_1775 = arith.index_cast %mul3A_1758 : i32 to index
      %get3A_1776 = tpu.vector_load %arg5[%get3A_1774, %get3A_1775] {strides = array<i32>} : memref<4x2048xf32, #tpu.memory_space<vmem>>, vector<1x16xf32>,
      %get3A_1777 = vector.shape_cast %get3A_1776 : vector<1x16xf32> to vector<16xf32>
      %jit3A_1778 = arith.constant 0.000000e+00 : f32
      %broadcast_in_dim3A_1779 = vector.broadcast %jit3A_1778 : f32 to vector<16xf32>
      %select_n3A_1780 = arith.select %eq3A_1762, %get3A_1777, %broadcast_in_dim3A_1779 : vector<16xi1>, vector<16xf32>
      %xor3A_1781 = arith.constant 1 : i32
      %xor3A_1782 = vector.broadcast %xor3A_1781 : i32 to vector<16xi32>
      %xor3A_1783 = arith.xori %iota3A, %xor3A_1782 : vector<16xi32>
      %broadcast_in_dim3A_1784 = vector.shape_cast %xor3A_1783 : vector<16xi32> to vector<16x1xi32>
      %gather3A_1785 = vector.shape_cast %broadcast_in_dim3A_1784 : vector<16x1xi32> to vector<16xi32>
      %gather3A_1786 = tpu.dynamic_gather %select_n3A_1780[%gather3A_1785] in [0] : vector<16xf32>, vector<16xi32> -> vector<16xf32>
      %add3A_1787 = arith.addf %select_n3A_1780, %gather3A_1786 : vector<16xf32>
      %xor3A_1788 = arith.constant 2 : i32
      %xor3A_1789 = vector.broadcast %xor3A_1788 : i32 to vector<16xi32>
      %xor3A_1790 = arith.xori %iota3A, %xor3A_1789 : vector<16xi32>
      %broadcast_in_dim3A_1791 = vector.shape_cast %xor3A_1790 : vector<16xi32> to vector<16x1xi32>
      %gather3A_1792 = vector.shape_cast %broadcast_in_dim3A_1791 : vector<16x1xi32> to vector<16xi32>
      %gather3A_1793 = tpu.dynamic_gather %add3A_1787[%gather3A_1792] in [0] : vector<16xf32>, vector<16xi32> -> vector<16xf32>
      %add3A_1794 = arith.addf %add3A_1787, %gather3A_1793 : vector<16xf32>
      %xor3A_1795 = arith.constant 4 : i32
      %xor3A_1796 = vector.broadcast %xor3A_1795 : i32 to vector<16xi32>
      %xor3A_1797 = arith.xori %iota3A, %xor3A_1796 : vector<16xi32>
      %broadcast_in_dim3A_1798 = vector.shape_cast %xor3A_1797 : vector<16xi32> to vector<16x1xi32>
      %gather3A_1799 = vector.shape_cast %broadcast_in_dim3A_1798 : vector<16x1xi32> to vector<16xi32>
      %gather3A_1800 = tpu.dynamic_gather %add3A_1794[%gather3A_1799] in [0] : vector<16xf32>, vector<16xi32> -> vector<16xf32>
      %add3A_1801 = arith.addf %add3A_1794, %gather3A_1800 : vector<16xf32>
      %xor3A_1802 = arith.constant 8 : i32
      %xor3A_1803 = vector.broadcast %xor3A_1802 : i32 to vector<16xi32>
      %xor3A_1804 = arith.xori %iota3A, %xor3A_1803 : vector<16xi32>
      %broadcast_in_dim3A_1805 = vector.shape_cast %xor3A_1804 : vector<16xi32> to vector<16x1xi32>
      %gather3A_1806 = vector.shape_cast %broadcast_in_dim3A_1805 : vector<16x1xi32> to vector<16xi32>
      %gather3A_1807 = tpu.dynamic_gather %add3A_1801[%gather3A_1806] in [0] : vector<16xf32>, vector<16xi32> -> vector<16xf32>
      %add3A_1808 = arith.addf %add3A_1801, %gather3A_1807 : vector<16xf32>
      %eq3A_1809 = arith.constant 6 : i32
      %eq3A_1810 = vector.broadcast %eq3A_1809 : i32 to vector<16xi32>
      %eq3A_1811 = arith.cmpi eq, %iota3A, %eq3A_1810 : vector<16xi32>
      %select_n3A_1812 = arith.select %eq3A_1811, %add3A_1808, %select_n3A_1536 : vector<16xi1>, vector<16xf32>
      %get3A_1813 = arith.constant 1 : i32
      %get3A_1814 = arith.index_cast %get3A_1813 : i32 to index
      %get3A_1815 = arith.index_cast %mul3A_1758 : i32 to index
      %get3A_1816 = tpu.vector_load %arg5[%get3A_1814, %get3A_1815] {strides = array<i32>} : memref<4x2048xf32, #tpu.memory_space<vmem>>, vector<1x16xf32>,
      %get3A_1817 = vector.shape_cast %get3A_1816 : vector<1x16xf32> to vector<16xf32>
      %jit3A_1818 = arith.constant 0.000000e+00 : f32
      %broadcast_in_dim3A_1819 = vector.broadcast %jit3A_1818 : f32 to vector<16xf32>
      %select_n3A_1820 = arith.select %eq3A_1762, %get3A_1817, %broadcast_in_dim3A_1819 : vector<16xi1>, vector<16xf32>
      %xor3A_1821 = arith.constant 1 : i32
      %xor3A_1822 = vector.broadcast %xor3A_1821 : i32 to vector<16xi32>
      %xor3A_1823 = arith.xori %iota3A, %xor3A_1822 : vector<16xi32>
      %broadcast_in_dim3A_1824 = vector.shape_cast %xor3A_1823 : vector<16xi32> to vector<16x1xi32>
      %gather3A_1825 = vector.shape_cast %broadcast_in_dim3A_1824 : vector<16x1xi32> to vector<16xi32>
      %gather3A_1826 = tpu.dynamic_gather %select_n3A_1820[%gather3A_1825] in [0] : vector<16xf32>, vector<16xi32> -> vector<16xf32>
      %add3A_1827 = arith.addf %select_n3A_1820, %gather3A_1826 : vector<16xf32>
      %xor3A_1828 = arith.constant 2 : i32
      %xor3A_1829 = vector.broadcast %xor3A_1828 : i32 to vector<16xi32>
      %xor3A_1830 = arith.xori %iota3A, %xor3A_1829 : vector<16xi32>
      %broadcast_in_dim3A_1831 = vector.shape_cast %xor3A_1830 : vector<16xi32> to vector<16x1xi32>
      %gather3A_1832 = vector.shape_cast %broadcast_in_dim3A_1831 : vector<16x1xi32> to vector<16xi32>
      %gather3A_1833 = tpu.dynamic_gather %add3A_1827[%gather3A_1832] in [0] : vector<16xf32>, vector<16xi32> -> vector<16xf32>
      %add3A_1834 = arith.addf %add3A_1827, %gather3A_1833 : vector<16xf32>
      %xor3A_1835 = arith.constant 4 : i32
      %xor3A_1836 = vector.broadcast %xor3A_1835 : i32 to vector<16xi32>
      %xor3A_1837 = arith.xori %iota3A, %xor3A_1836 : vector<16xi32>
      %broadcast_in_dim3A_1838 = vector.shape_cast %xor3A_1837 : vector<16xi32> to vector<16x1xi32>
      %gather3A_1839 = vector.shape_cast %broadcast_in_dim3A_1838 : vector<16x1xi32> to vector<16xi32>
      %gather3A_1840 = tpu.dynamic_gather %add3A_1834[%gather3A_1839] in [0] : vector<16xf32>, vector<16xi32> -> vector<16xf32>
      %add3A_1841 = arith.addf %add3A_1834, %gather3A_1840 : vector<16xf32>
      %xor3A_1842 = arith.constant 8 : i32
      %xor3A_1843 = vector.broadcast %xor3A_1842 : i32 to vector<16xi32>
      %xor3A_1844 = arith.xori %iota3A, %xor3A_1843 : vector<16xi32>
      %broadcast_in_dim3A_1845 = vector.shape_cast %xor3A_1844 : vector<16xi32> to vector<16x1xi32>
      %gather3A_1846 = vector.shape_cast %broadcast_in_dim3A_1845 : vector<16x1xi32> to vector<16xi32>
      %gather3A_1847 = tpu.dynamic_gather %add3A_1841[%gather3A_1846] in [0] : vector<16xf32>, vector<16xi32> -> vector<16xf32>
      %add3A_1848 = arith.addf %add3A_1841, %gather3A_1847 : vector<16xf32>
      %eq3A_1849 = arith.constant 6 : i32
      %eq3A_1850 = vector.broadcast %eq3A_1849 : i32 to vector<16xi32>
      %eq3A_1851 = arith.cmpi eq, %iota3A, %eq3A_1850 : vector<16xi32>
      %select_n3A_1852 = arith.select %eq3A_1851, %add3A_1848, %select_n3A_1576 : vector<16xi1>, vector<16xf32>
      %get3A_1853 = arith.constant 2 : i32
      %get3A_1854 = arith.index_cast %get3A_1853 : i32 to index
      %get3A_1855 = arith.index_cast %mul3A_1758 : i32 to index
      %get3A_1856 = tpu.vector_load %arg5[%get3A_1854, %get3A_1855] {strides = array<i32>} : memref<4x2048xf32, #tpu.memory_space<vmem>>, vector<1x16xf32>,
      %get3A_1857 = vector.shape_cast %get3A_1856 : vector<1x16xf32> to vector<16xf32>
      %jit3A_1858 = arith.constant 0.000000e+00 : f32
      %broadcast_in_dim3A_1859 = vector.broadcast %jit3A_1858 : f32 to vector<16xf32>
      %select_n3A_1860 = arith.select %eq3A_1762, %get3A_1857, %broadcast_in_dim3A_1859 : vector<16xi1>, vector<16xf32>
      %xor3A_1861 = arith.constant 1 : i32
      %xor3A_1862 = vector.broadcast %xor3A_1861 : i32 to vector<16xi32>
      %xor3A_1863 = arith.xori %iota3A, %xor3A_1862 : vector<16xi32>
      %broadcast_in_dim3A_1864 = vector.shape_cast %xor3A_1863 : vector<16xi32> to vector<16x1xi32>
      %gather3A_1865 = vector.shape_cast %broadcast_in_dim3A_1864 : vector<16x1xi32> to vector<16xi32>
      %gather3A_1866 = tpu.dynamic_gather %select_n3A_1860[%gather3A_1865] in [0] : vector<16xf32>, vector<16xi32> -> vector<16xf32>
      %add3A_1867 = arith.addf %select_n3A_1860, %gather3A_1866 : vector<16xf32>
      %xor3A_1868 = arith.constant 2 : i32
      %xor3A_1869 = vector.broadcast %xor3A_1868 : i32 to vector<16xi32>
      %xor3A_1870 = arith.xori %iota3A, %xor3A_1869 : vector<16xi32>
      %broadcast_in_dim3A_1871 = vector.shape_cast %xor3A_1870 : vector<16xi32> to vector<16x1xi32>
      %gather3A_1872 = vector.shape_cast %broadcast_in_dim3A_1871 : vector<16x1xi32> to vector<16xi32>
      %gather3A_1873 = tpu.dynamic_gather %add3A_1867[%gather3A_1872] in [0] : vector<16xf32>, vector<16xi32> -> vector<16xf32>
      %add3A_1874 = arith.addf %add3A_1867, %gather3A_1873 : vector<16xf32>
      %xor3A_1875 = arith.constant 4 : i32
      %xor3A_1876 = vector.broadcast %xor3A_1875 : i32 to vector<16xi32>
      %xor3A_1877 = arith.xori %iota3A, %xor3A_1876 : vector<16xi32>
      %broadcast_in_dim3A_1878 = vector.shape_cast %xor3A_1877 : vector<16xi32> to vector<16x1xi32>
      %gather3A_1879 = vector.shape_cast %broadcast_in_dim3A_1878 : vector<16x1xi32> to vector<16xi32>
      %gather3A_1880 = tpu.dynamic_gather %add3A_1874[%gather3A_1879] in [0] : vector<16xf32>, vector<16xi32> -> vector<16xf32>
      %add3A_1881 = arith.addf %add3A_1874, %gather3A_1880 : vector<16xf32>
      %xor3A_1882 = arith.constant 8 : i32
      %xor3A_1883 = vector.broadcast %xor3A_1882 : i32 to vector<16xi32>
      %xor3A_1884 = arith.xori %iota3A, %xor3A_1883 : vector<16xi32>
      %broadcast_in_dim3A_1885 = vector.shape_cast %xor3A_1884 : vector<16xi32> to vector<16x1xi32>
      %gather3A_1886 = vector.shape_cast %broadcast_in_dim3A_1885 : vector<16x1xi32> to vector<16xi32>
      %gather3A_1887 = tpu.dynamic_gather %add3A_1881[%gather3A_1886] in [0] : vector<16xf32>, vector<16xi32> -> vector<16xf32>
      %add3A_1888 = arith.addf %add3A_1881, %gather3A_1887 : vector<16xf32>
      %eq3A_1889 = arith.constant 6 : i32
      %eq3A_1890 = vector.broadcast %eq3A_1889 : i32 to vector<16xi32>
      %eq3A_1891 = arith.cmpi eq, %iota3A, %eq3A_1890 : vector<16xi32>
      %select_n3A_1892 = arith.select %eq3A_1891, %add3A_1888, %select_n3A_1616 : vector<16xi1>, vector<16xf32>
      %get3A_1893 = arith.constant 3 : i32
      %get3A_1894 = arith.index_cast %get3A_1893 : i32 to index
      %get3A_1895 = arith.index_cast %mul3A_1758 : i32 to index
      %get3A_1896 = tpu.vector_load %arg5[%get3A_1894, %get3A_1895] {strides = array<i32>} : memref<4x2048xf32, #tpu.memory_space<vmem>>, vector<1x16xf32>,
      %get3A_1897 = vector.shape_cast %get3A_1896 : vector<1x16xf32> to vector<16xf32>
      %jit3A_1898 = arith.constant 0.000000e+00 : f32
      %broadcast_in_dim3A_1899 = vector.broadcast %jit3A_1898 : f32 to vector<16xf32>
      %select_n3A_1900 = arith.select %eq3A_1762, %get3A_1897, %broadcast_in_dim3A_1899 : vector<16xi1>, vector<16xf32>
      %xor3A_1901 = arith.constant 1 : i32
      %xor3A_1902 = vector.broadcast %xor3A_1901 : i32 to vector<16xi32>
      %xor3A_1903 = arith.xori %iota3A, %xor3A_1902 : vector<16xi32>
      %broadcast_in_dim3A_1904 = vector.shape_cast %xor3A_1903 : vector<16xi32> to vector<16x1xi32>
      %gather3A_1905 = vector.shape_cast %broadcast_in_dim3A_1904 : vector<16x1xi32> to vector<16xi32>
      %gather3A_1906 = tpu.dynamic_gather %select_n3A_1900[%gather3A_1905] in [0] : vector<16xf32>, vector<16xi32> -> vector<16xf32>
      %add3A_1907 = arith.addf %select_n3A_1900, %gather3A_1906 : vector<16xf32>
      %xor3A_1908 = arith.constant 2 : i32
      %xor3A_1909 = vector.broadcast %xor3A_1908 : i32 to vector<16xi32>
      %xor3A_1910 = arith.xori %iota3A, %xor3A_1909 : vector<16xi32>
      %broadcast_in_dim3A_1911 = vector.shape_cast %xor3A_1910 : vector<16xi32> to vector<16x1xi32>
      %gather3A_1912 = vector.shape_cast %broadcast_in_dim3A_1911 : vector<16x1xi32> to vector<16xi32>
      %gather3A_1913 = tpu.dynamic_gather %add3A_1907[%gather3A_1912] in [0] : vector<16xf32>, vector<16xi32> -> vector<16xf32>
      %add3A_1914 = arith.addf %add3A_1907, %gather3A_1913 : vector<16xf32>
      %xor3A_1915 = arith.constant 4 : i32
      %xor3A_1916 = vector.broadcast %xor3A_1915 : i32 to vector<16xi32>
      %xor3A_1917 = arith.xori %iota3A, %xor3A_1916 : vector<16xi32>
      %broadcast_in_dim3A_1918 = vector.shape_cast %xor3A_1917 : vector<16xi32> to vector<16x1xi32>
      %gather3A_1919 = vector.shape_cast %broadcast_in_dim3A_1918 : vector<16x1xi32> to vector<16xi32>
      %gather3A_1920 = tpu.dynamic_gather %add3A_1914[%gather3A_1919] in [0] : vector<16xf32>, vector<16xi32> -> vector<16xf32>
      %add3A_1921 = arith.addf %add3A_1914, %gather3A_1920 : vector<16xf32>
      %xor3A_1922 = arith.constant 8 : i32
      %xor3A_1923 = vector.broadcast %xor3A_1922 : i32 to vector<16xi32>
      %xor3A_1924 = arith.xori %iota3A, %xor3A_1923 : vector<16xi32>
      %broadcast_in_dim3A_1925 = vector.shape_cast %xor3A_1924 : vector<16xi32> to vector<16x1xi32>
      %gather3A_1926 = vector.shape_cast %broadcast_in_dim3A_1925 : vector<16x1xi32> to vector<16xi32>
      %gather3A_1927 = tpu.dynamic_gather %add3A_1921[%gather3A_1926] in [0] : vector<16xf32>, vector<16xi32> -> vector<16xf32>
      %add3A_1928 = arith.addf %add3A_1921, %gather3A_1927 : vector<16xf32>
      %eq3A_1929 = arith.constant 6 : i32
      %eq3A_1930 = vector.broadcast %eq3A_1929 : i32 to vector<16xi32>
      %eq3A_1931 = arith.cmpi eq, %iota3A, %eq3A_1930 : vector<16xi32>
      %select_n3A_1932 = arith.select %eq3A_1931, %add3A_1928, %select_n3A_1656 : vector<16xi1>, vector<16xf32>
      %swap3A_1933 = arith.constant 0 : index
      %swap3A_1934 = tpu.vector_load %arg7[%swap3A_1933] {strides = array<i32>} : memref<16xi32, #tpu.memory_space<vmem>>, vector<16xi32>,
      %swap3A_1935 = vector.shape_cast %swap3A_1934 : vector<16xi32> to vector<16xi32>
      %swap3A_1936 = vector.shape_cast %select_n3A_1730 : vector<16xi32> to vector<16xi32>
      tpu.vector_store %arg7[%swap3A_1933], %swap3A_1936 {strides = array<i32>} : memref<16xi32, #tpu.memory_space<vmem>>, vector<16xi32>,
      %lt3A = arith.constant 7 : i32
      %lt3A_1937 = vector.broadcast %lt3A : i32 to vector<16xi32>
      %lt3A_1938 = arith.cmpi slt, %iota3A, %lt3A_1937 : vector<16xi32>
      %jit3A_1939 = arith.constant 0xFF800000 : f32
      %broadcast_in_dim3A_1940 = vector.broadcast %jit3A_1939 : f32 to vector<16xf32>
      %select_n3A_1941 = arith.select %lt3A_1938, %select_n3A_1812, %broadcast_in_dim3A_1940 : vector<16xi1>, vector<16xf32>
      %xor3A_1942 = arith.constant 1 : i32
      %xor3A_1943 = vector.broadcast %xor3A_1942 : i32 to vector<16xi32>
      %xor3A_1944 = arith.xori %iota3A, %xor3A_1943 : vector<16xi32>
      %broadcast_in_dim3A_1945 = vector.shape_cast %xor3A_1944 : vector<16xi32> to vector<16x1xi32>
      %gather3A_1946 = vector.shape_cast %broadcast_in_dim3A_1945 : vector<16x1xi32> to vector<16xi32>
      %gather3A_1947 = tpu.dynamic_gather %select_n3A_1941[%gather3A_1946] in [0] : vector<16xf32>, vector<16xi32> -> vector<16xf32>
      %max3A_1948 = arith.maximumf %select_n3A_1941, %gather3A_1947 : vector<16xf32>
      %xor3A_1949 = arith.constant 2 : i32
      %xor3A_1950 = vector.broadcast %xor3A_1949 : i32 to vector<16xi32>
      %xor3A_1951 = arith.xori %iota3A, %xor3A_1950 : vector<16xi32>
      %broadcast_in_dim3A_1952 = vector.shape_cast %xor3A_1951 : vector<16xi32> to vector<16x1xi32>
      %gather3A_1953 = vector.shape_cast %broadcast_in_dim3A_1952 : vector<16x1xi32> to vector<16xi32>
      %gather3A_1954 = tpu.dynamic_gather %max3A_1948[%gather3A_1953] in [0] : vector<16xf32>, vector<16xi32> -> vector<16xf32>
      %max3A_1955 = arith.maximumf %max3A_1948, %gather3A_1954 : vector<16xf32>
      %xor3A_1956 = arith.constant 4 : i32
      %xor3A_1957 = vector.broadcast %xor3A_1956 : i32 to vector<16xi32>
      %xor3A_1958 = arith.xori %iota3A, %xor3A_1957 : vector<16xi32>
      %broadcast_in_dim3A_1959 = vector.shape_cast %xor3A_1958 : vector<16xi32> to vector<16x1xi32>
      %gather3A_1960 = vector.shape_cast %broadcast_in_dim3A_1959 : vector<16x1xi32> to vector<16xi32>
      %gather3A_1961 = tpu.dynamic_gather %max3A_1955[%gather3A_1960] in [0] : vector<16xf32>, vector<16xi32> -> vector<16xf32>
      %max3A_1962 = arith.maximumf %max3A_1955, %gather3A_1961 : vector<16xf32>
      %xor3A_1963 = arith.constant 8 : i32
      %xor3A_1964 = vector.broadcast %xor3A_1963 : i32 to vector<16xi32>
      %xor3A_1965 = arith.xori %iota3A, %xor3A_1964 : vector<16xi32>
      %broadcast_in_dim3A_1966 = vector.shape_cast %xor3A_1965 : vector<16xi32> to vector<16x1xi32>
      %gather3A_1967 = vector.shape_cast %broadcast_in_dim3A_1966 : vector<16x1xi32> to vector<16xi32>
      %gather3A_1968 = tpu.dynamic_gather %max3A_1962[%gather3A_1967] in [0] : vector<16xf32>, vector<16xi32> -> vector<16xf32>
      %max3A_1969 = arith.maximumf %max3A_1962, %gather3A_1968 : vector<16xf32>
      %sub3A_1970 = arith.subf %select_n3A_1941, %max3A_1969 : vector<16xf32>
      %exp3A = math.exp %sub3A_1970 : vector<16xf32>
      %jit3A_1971 = arith.constant 0.000000e+00 : f32
      %broadcast_in_dim3A_1972 = vector.broadcast %jit3A_1971 : f32 to vector<16xf32>
      %select_n3A_1973 = arith.select %lt3A_1938, %exp3A, %broadcast_in_dim3A_1972 : vector<16xi1>, vector<16xf32>
      %xor3A_1974 = arith.constant 1 : i32
      %xor3A_1975 = vector.broadcast %xor3A_1974 : i32 to vector<16xi32>
      %xor3A_1976 = arith.xori %iota3A, %xor3A_1975 : vector<16xi32>
      %broadcast_in_dim3A_1977 = vector.shape_cast %xor3A_1976 : vector<16xi32> to vector<16x1xi32>
      %gather3A_1978 = vector.shape_cast %broadcast_in_dim3A_1977 : vector<16x1xi32> to vector<16xi32>
      %gather3A_1979 = tpu.dynamic_gather %select_n3A_1973[%gather3A_1978] in [0] : vector<16xf32>, vector<16xi32> -> vector<16xf32>
      %add3A_1980 = arith.addf %select_n3A_1973, %gather3A_1979 : vector<16xf32>
      %xor3A_1981 = arith.constant 2 : i32
      %xor3A_1982 = vector.broadcast %xor3A_1981 : i32 to vector<16xi32>
      %xor3A_1983 = arith.xori %iota3A, %xor3A_1982 : vector<16xi32>
      %broadcast_in_dim3A_1984 = vector.shape_cast %xor3A_1983 : vector<16xi32> to vector<16x1xi32>
      %gather3A_1985 = vector.shape_cast %broadcast_in_dim3A_1984 : vector<16x1xi32> to vector<16xi32>
      %gather3A_1986 = tpu.dynamic_gather %add3A_1980[%gather3A_1985] in [0] : vector<16xf32>, vector<16xi32> -> vector<16xf32>
      %add3A_1987 = arith.addf %add3A_1980, %gather3A_1986 : vector<16xf32>
      %xor3A_1988 = arith.constant 4 : i32
      %xor3A_1989 = vector.broadcast %xor3A_1988 : i32 to vector<16xi32>
      %xor3A_1990 = arith.xori %iota3A, %xor3A_1989 : vector<16xi32>
      %broadcast_in_dim3A_1991 = vector.shape_cast %xor3A_1990 : vector<16xi32> to vector<16x1xi32>
      %gather3A_1992 = vector.shape_cast %broadcast_in_dim3A_1991 : vector<16x1xi32> to vector<16xi32>
      %gather3A_1993 = tpu.dynamic_gather %add3A_1987[%gather3A_1992] in [0] : vector<16xf32>, vector<16xi32> -> vector<16xf32>
      %add3A_1994 = arith.addf %add3A_1987, %gather3A_1993 : vector<16xf32>
      %xor3A_1995 = arith.constant 8 : i32
      %xor3A_1996 = vector.broadcast %xor3A_1995 : i32 to vector<16xi32>
      %xor3A_1997 = arith.xori %iota3A, %xor3A_1996 : vector<16xi32>
      %broadcast_in_dim3A_1998 = vector.shape_cast %xor3A_1997 : vector<16xi32> to vector<16x1xi32>
      %gather3A_1999 = vector.shape_cast %broadcast_in_dim3A_1998 : vector<16x1xi32> to vector<16xi32>
      %gather3A_2000 = tpu.dynamic_gather %add3A_1994[%gather3A_1999] in [0] : vector<16xf32>, vector<16xi32> -> vector<16xf32>
      %add3A_2001 = arith.addf %add3A_1994, %gather3A_2000 : vector<16xf32>
      %div3A_2002 = arith.divf %select_n3A_1973, %add3A_2001 : vector<16xf32>
      %swap3A_2003 = arith.constant 0 : i32
      %swap3A_2004 = arith.index_cast %swap3A_2003 : i32 to index
      %swap3A_2005 = arith.constant 0 : index
      %swap3A_2006 = tpu.vector_load %arg8[%swap3A_2004, %swap3A_2005] {strides = array<i32>} : memref<4x16xf32, #tpu.memory_space<vmem>>, vector<1x16xf32>,
      %swap3A_2007 = vector.shape_cast %swap3A_2006 : vector<1x16xf32> to vector<16xf32>
      %swap3A_2008 = vector.shape_cast %div3A_2002 : vector<16xf32> to vector<1x16xf32>
      tpu.vector_store %arg8[%swap3A_2004, %swap3A_2005], %swap3A_2008 {strides = array<i32>} : memref<4x16xf32, #tpu.memory_space<vmem>>, vector<1x16xf32>,
      %jit3A_2009 = arith.constant 0xFF800000 : f32
      %broadcast_in_dim3A_2010 = vector.broadcast %jit3A_2009 : f32 to vector<16xf32>
      %select_n3A_2011 = arith.select %lt3A_1938, %select_n3A_1852, %broadcast_in_dim3A_2010 : vector<16xi1>, vector<16xf32>
      %xor3A_2012 = arith.constant 1 : i32
      %xor3A_2013 = vector.broadcast %xor3A_2012 : i32 to vector<16xi32>
      %xor3A_2014 = arith.xori %iota3A, %xor3A_2013 : vector<16xi32>
      %broadcast_in_dim3A_2015 = vector.shape_cast %xor3A_2014 : vector<16xi32> to vector<16x1xi32>
      %gather3A_2016 = vector.shape_cast %broadcast_in_dim3A_2015 : vector<16x1xi32> to vector<16xi32>
      %gather3A_2017 = tpu.dynamic_gather %select_n3A_2011[%gather3A_2016] in [0] : vector<16xf32>, vector<16xi32> -> vector<16xf32>
      %max3A_2018 = arith.maximumf %select_n3A_2011, %gather3A_2017 : vector<16xf32>
      %xor3A_2019 = arith.constant 2 : i32
      %xor3A_2020 = vector.broadcast %xor3A_2019 : i32 to vector<16xi32>
      %xor3A_2021 = arith.xori %iota3A, %xor3A_2020 : vector<16xi32>
      %broadcast_in_dim3A_2022 = vector.shape_cast %xor3A_2021 : vector<16xi32> to vector<16x1xi32>
      %gather3A_2023 = vector.shape_cast %broadcast_in_dim3A_2022 : vector<16x1xi32> to vector<16xi32>
      %gather3A_2024 = tpu.dynamic_gather %max3A_2018[%gather3A_2023] in [0] : vector<16xf32>, vector<16xi32> -> vector<16xf32>
      %max3A_2025 = arith.maximumf %max3A_2018, %gather3A_2024 : vector<16xf32>
      %xor3A_2026 = arith.constant 4 : i32
      %xor3A_2027 = vector.broadcast %xor3A_2026 : i32 to vector<16xi32>
      %xor3A_2028 = arith.xori %iota3A, %xor3A_2027 : vector<16xi32>
      %broadcast_in_dim3A_2029 = vector.shape_cast %xor3A_2028 : vector<16xi32> to vector<16x1xi32>
      %gather3A_2030 = vector.shape_cast %broadcast_in_dim3A_2029 : vector<16x1xi32> to vector<16xi32>
      %gather3A_2031 = tpu.dynamic_gather %max3A_2025[%gather3A_2030] in [0] : vector<16xf32>, vector<16xi32> -> vector<16xf32>
      %max3A_2032 = arith.maximumf %max3A_2025, %gather3A_2031 : vector<16xf32>
      %xor3A_2033 = arith.constant 8 : i32
      %xor3A_2034 = vector.broadcast %xor3A_2033 : i32 to vector<16xi32>
      %xor3A_2035 = arith.xori %iota3A, %xor3A_2034 : vector<16xi32>
      %broadcast_in_dim3A_2036 = vector.shape_cast %xor3A_2035 : vector<16xi32> to vector<16x1xi32>
      %gather3A_2037 = vector.shape_cast %broadcast_in_dim3A_2036 : vector<16x1xi32> to vector<16xi32>
      %gather3A_2038 = tpu.dynamic_gather %max3A_2032[%gather3A_2037] in [0] : vector<16xf32>, vector<16xi32> -> vector<16xf32>
      %max3A_2039 = arith.maximumf %max3A_2032, %gather3A_2038 : vector<16xf32>
      %sub3A_2040 = arith.subf %select_n3A_2011, %max3A_2039 : vector<16xf32>
      %exp3A_2041 = math.exp %sub3A_2040 : vector<16xf32>
      %jit3A_2042 = arith.constant 0.000000e+00 : f32
      %broadcast_in_dim3A_2043 = vector.broadcast %jit3A_2042 : f32 to vector<16xf32>
      %select_n3A_2044 = arith.select %lt3A_1938, %exp3A_2041, %broadcast_in_dim3A_2043 : vector<16xi1>, vector<16xf32>
      %xor3A_2045 = arith.constant 1 : i32
      %xor3A_2046 = vector.broadcast %xor3A_2045 : i32 to vector<16xi32>
      %xor3A_2047 = arith.xori %iota3A, %xor3A_2046 : vector<16xi32>
      %broadcast_in_dim3A_2048 = vector.shape_cast %xor3A_2047 : vector<16xi32> to vector<16x1xi32>
      %gather3A_2049 = vector.shape_cast %broadcast_in_dim3A_2048 : vector<16x1xi32> to vector<16xi32>
      %gather3A_2050 = tpu.dynamic_gather %select_n3A_2044[%gather3A_2049] in [0] : vector<16xf32>, vector<16xi32> -> vector<16xf32>
      %add3A_2051 = arith.addf %select_n3A_2044, %gather3A_2050 : vector<16xf32>
      %xor3A_2052 = arith.constant 2 : i32
      %xor3A_2053 = vector.broadcast %xor3A_2052 : i32 to vector<16xi32>
      %xor3A_2054 = arith.xori %iota3A, %xor3A_2053 : vector<16xi32>
      %broadcast_in_dim3A_2055 = vector.shape_cast %xor3A_2054 : vector<16xi32> to vector<16x1xi32>
      %gather3A_2056 = vector.shape_cast %broadcast_in_dim3A_2055 : vector<16x1xi32> to vector<16xi32>
      %gather3A_2057 = tpu.dynamic_gather %add3A_2051[%gather3A_2056] in [0] : vector<16xf32>, vector<16xi32> -> vector<16xf32>
      %add3A_2058 = arith.addf %add3A_2051, %gather3A_2057 : vector<16xf32>
      %xor3A_2059 = arith.constant 4 : i32
      %xor3A_2060 = vector.broadcast %xor3A_2059 : i32 to vector<16xi32>
      %xor3A_2061 = arith.xori %iota3A, %xor3A_2060 : vector<16xi32>
      %broadcast_in_dim3A_2062 = vector.shape_cast %xor3A_2061 : vector<16xi32> to vector<16x1xi32>
      %gather3A_2063 = vector.shape_cast %broadcast_in_dim3A_2062 : vector<16x1xi32> to vector<16xi32>
      %gather3A_2064 = tpu.dynamic_gather %add3A_2058[%gather3A_2063] in [0] : vector<16xf32>, vector<16xi32> -> vector<16xf32>
      %add3A_2065 = arith.addf %add3A_2058, %gather3A_2064 : vector<16xf32>
      %xor3A_2066 = arith.constant 8 : i32
      %xor3A_2067 = vector.broadcast %xor3A_2066 : i32 to vector<16xi32>
      %xor3A_2068 = arith.xori %iota3A, %xor3A_2067 : vector<16xi32>
      %broadcast_in_dim3A_2069 = vector.shape_cast %xor3A_2068 : vector<16xi32> to vector<16x1xi32>
      %gather3A_2070 = vector.shape_cast %broadcast_in_dim3A_2069 : vector<16x1xi32> to vector<16xi32>
      %gather3A_2071 = tpu.dynamic_gather %add3A_2065[%gather3A_2070] in [0] : vector<16xf32>, vector<16xi32> -> vector<16xf32>
      %add3A_2072 = arith.addf %add3A_2065, %gather3A_2071 : vector<16xf32>
      %div3A_2073 = arith.divf %select_n3A_2044, %add3A_2072 : vector<16xf32>
      %swap3A_2074 = arith.constant 1 : i32
      %swap3A_2075 = arith.index_cast %swap3A_2074 : i32 to index
      %swap3A_2076 = arith.constant 0 : index
      %swap3A_2077 = tpu.vector_load %arg8[%swap3A_2075, %swap3A_2076] {strides = array<i32>} : memref<4x16xf32, #tpu.memory_space<vmem>>, vector<1x16xf32>,
      %swap3A_2078 = vector.shape_cast %swap3A_2077 : vector<1x16xf32> to vector<16xf32>
      %swap3A_2079 = vector.shape_cast %div3A_2073 : vector<16xf32> to vector<1x16xf32>
      tpu.vector_store %arg8[%swap3A_2075, %swap3A_2076], %swap3A_2079 {strides = array<i32>} : memref<4x16xf32, #tpu.memory_space<vmem>>, vector<1x16xf32>,
      %jit3A_2080 = arith.constant 0xFF800000 : f32
      %broadcast_in_dim3A_2081 = vector.broadcast %jit3A_2080 : f32 to vector<16xf32>
      %select_n3A_2082 = arith.select %lt3A_1938, %select_n3A_1892, %broadcast_in_dim3A_2081 : vector<16xi1>, vector<16xf32>
      %xor3A_2083 = arith.constant 1 : i32
      %xor3A_2084 = vector.broadcast %xor3A_2083 : i32 to vector<16xi32>
      %xor3A_2085 = arith.xori %iota3A, %xor3A_2084 : vector<16xi32>
      %broadcast_in_dim3A_2086 = vector.shape_cast %xor3A_2085 : vector<16xi32> to vector<16x1xi32>
      %gather3A_2087 = vector.shape_cast %broadcast_in_dim3A_2086 : vector<16x1xi32> to vector<16xi32>
      %gather3A_2088 = tpu.dynamic_gather %select_n3A_2082[%gather3A_2087] in [0] : vector<16xf32>, vector<16xi32> -> vector<16xf32>
      %max3A_2089 = arith.maximumf %select_n3A_2082, %gather3A_2088 : vector<16xf32>
      %xor3A_2090 = arith.constant 2 : i32
      %xor3A_2091 = vector.broadcast %xor3A_2090 : i32 to vector<16xi32>
      %xor3A_2092 = arith.xori %iota3A, %xor3A_2091 : vector<16xi32>
      %broadcast_in_dim3A_2093 = vector.shape_cast %xor3A_2092 : vector<16xi32> to vector<16x1xi32>
      %gather3A_2094 = vector.shape_cast %broadcast_in_dim3A_2093 : vector<16x1xi32> to vector<16xi32>
      %gather3A_2095 = tpu.dynamic_gather %max3A_2089[%gather3A_2094] in [0] : vector<16xf32>, vector<16xi32> -> vector<16xf32>
      %max3A_2096 = arith.maximumf %max3A_2089, %gather3A_2095 : vector<16xf32>
      %xor3A_2097 = arith.constant 4 : i32
      %xor3A_2098 = vector.broadcast %xor3A_2097 : i32 to vector<16xi32>
      %xor3A_2099 = arith.xori %iota3A, %xor3A_2098 : vector<16xi32>
      %broadcast_in_dim3A_2100 = vector.shape_cast %xor3A_2099 : vector<16xi32> to vector<16x1xi32>
      %gather3A_2101 = vector.shape_cast %broadcast_in_dim3A_2100 : vector<16x1xi32> to vector<16xi32>
      %gather3A_2102 = tpu.dynamic_gather %max3A_2096[%gather3A_2101] in [0] : vector<16xf32>, vector<16xi32> -> vector<16xf32>
      %max3A_2103 = arith.maximumf %max3A_2096, %gather3A_2102 : vector<16xf32>
      %xor3A_2104 = arith.constant 8 : i32
      %xor3A_2105 = vector.broadcast %xor3A_2104 : i32 to vector<16xi32>
      %xor3A_2106 = arith.xori %iota3A, %xor3A_2105 : vector<16xi32>
      %broadcast_in_dim3A_2107 = vector.shape_cast %xor3A_2106 : vector<16xi32> to vector<16x1xi32>
      %gather3A_2108 = vector.shape_cast %broadcast_in_dim3A_2107 : vector<16x1xi32> to vector<16xi32>
      %gather3A_2109 = tpu.dynamic_gather %max3A_2103[%gather3A_2108] in [0] : vector<16xf32>, vector<16xi32> -> vector<16xf32>
      %max3A_2110 = arith.maximumf %max3A_2103, %gather3A_2109 : vector<16xf32>
      %sub3A_2111 = arith.subf %select_n3A_2082, %max3A_2110 : vector<16xf32>
      %exp3A_2112 = math.exp %sub3A_2111 : vector<16xf32>
      %jit3A_2113 = arith.constant 0.000000e+00 : f32
      %broadcast_in_dim3A_2114 = vector.broadcast %jit3A_2113 : f32 to vector<16xf32>
      %select_n3A_2115 = arith.select %lt3A_1938, %exp3A_2112, %broadcast_in_dim3A_2114 : vector<16xi1>, vector<16xf32>
      %xor3A_2116 = arith.constant 1 : i32
      %xor3A_2117 = vector.broadcast %xor3A_2116 : i32 to vector<16xi32>
      %xor3A_2118 = arith.xori %iota3A, %xor3A_2117 : vector<16xi32>
      %broadcast_in_dim3A_2119 = vector.shape_cast %xor3A_2118 : vector<16xi32> to vector<16x1xi32>
      %gather3A_2120 = vector.shape_cast %broadcast_in_dim3A_2119 : vector<16x1xi32> to vector<16xi32>
      %gather3A_2121 = tpu.dynamic_gather %select_n3A_2115[%gather3A_2120] in [0] : vector<16xf32>, vector<16xi32> -> vector<16xf32>
      %add3A_2122 = arith.addf %select_n3A_2115, %gather3A_2121 : vector<16xf32>
      %xor3A_2123 = arith.constant 2 : i32
      %xor3A_2124 = vector.broadcast %xor3A_2123 : i32 to vector<16xi32>
      %xor3A_2125 = arith.xori %iota3A, %xor3A_2124 : vector<16xi32>
      %broadcast_in_dim3A_2126 = vector.shape_cast %xor3A_2125 : vector<16xi32> to vector<16x1xi32>
      %gather3A_2127 = vector.shape_cast %broadcast_in_dim3A_2126 : vector<16x1xi32> to vector<16xi32>
      %gather3A_2128 = tpu.dynamic_gather %add3A_2122[%gather3A_2127] in [0] : vector<16xf32>, vector<16xi32> -> vector<16xf32>
      %add3A_2129 = arith.addf %add3A_2122, %gather3A_2128 : vector<16xf32>
      %xor3A_2130 = arith.constant 4 : i32
      %xor3A_2131 = vector.broadcast %xor3A_2130 : i32 to vector<16xi32>
      %xor3A_2132 = arith.xori %iota3A, %xor3A_2131 : vector<16xi32>
      %broadcast_in_dim3A_2133 = vector.shape_cast %xor3A_2132 : vector<16xi32> to vector<16x1xi32>
      %gather3A_2134 = vector.shape_cast %broadcast_in_dim3A_2133 : vector<16x1xi32> to vector<16xi32>
      %gather3A_2135 = tpu.dynamic_gather %add3A_2129[%gather3A_2134] in [0] : vector<16xf32>, vector<16xi32> -> vector<16xf32>
      %add3A_2136 = arith.addf %add3A_2129, %gather3A_2135 : vector<16xf32>
      %xor3A_2137 = arith.constant 8 : i32
      %xor3A_2138 = vector.broadcast %xor3A_2137 : i32 to vector<16xi32>
      %xor3A_2139 = arith.xori %iota3A, %xor3A_2138 : vector<16xi32>
      %broadcast_in_dim3A_2140 = vector.shape_cast %xor3A_2139 : vector<16xi32> to vector<16x1xi32>
      %gather3A_2141 = vector.shape_cast %broadcast_in_dim3A_2140 : vector<16x1xi32> to vector<16xi32>
      %gather3A_2142 = tpu.dynamic_gather %add3A_2136[%gather3A_2141] in [0] : vector<16xf32>, vector<16xi32> -> vector<16xf32>
      %add3A_2143 = arith.addf %add3A_2136, %gather3A_2142 : vector<16xf32>
      %div3A_2144 = arith.divf %select_n3A_2115, %add3A_2143 : vector<16xf32>
      %swap3A_2145 = arith.constant 2 : i32
      %swap3A_2146 = arith.index_cast %swap3A_2145 : i32 to index
      %swap3A_2147 = arith.constant 0 : index
      %swap3A_2148 = tpu.vector_load %arg8[%swap3A_2146, %swap3A_2147] {strides = array<i32>} : memref<4x16xf32, #tpu.memory_space<vmem>>, vector<1x16xf32>,
      %swap3A_2149 = vector.shape_cast %swap3A_2148 : vector<1x16xf32> to vector<16xf32>
      %swap3A_2150 = vector.shape_cast %div3A_2144 : vector<16xf32> to vector<1x16xf32>
      tpu.vector_store %arg8[%swap3A_2146, %swap3A_2147], %swap3A_2150 {strides = array<i32>} : memref<4x16xf32, #tpu.memory_space<vmem>>, vector<1x16xf32>,
      %jit3A_2151 = arith.constant 0xFF800000 : f32
      %broadcast_in_dim3A_2152 = vector.broadcast %jit3A_2151 : f32 to vector<16xf32>
      %select_n3A_2153 = arith.select %lt3A_1938, %select_n3A_1932, %broadcast_in_dim3A_2152 : vector<16xi1>, vector<16xf32>
      %xor3A_2154 = arith.constant 1 : i32
      %xor3A_2155 = vector.broadcast %xor3A_2154 : i32 to vector<16xi32>
      %xor3A_2156 = arith.xori %iota3A, %xor3A_2155 : vector<16xi32>
      %broadcast_in_dim3A_2157 = vector.shape_cast %xor3A_2156 : vector<16xi32> to vector<16x1xi32>
      %gather3A_2158 = vector.shape_cast %broadcast_in_dim3A_2157 : vector<16x1xi32> to vector<16xi32>
      %gather3A_2159 = tpu.dynamic_gather %select_n3A_2153[%gather3A_2158] in [0] : vector<16xf32>, vector<16xi32> -> vector<16xf32>
      %max3A_2160 = arith.maximumf %select_n3A_2153, %gather3A_2159 : vector<16xf32>
      %xor3A_2161 = arith.constant 2 : i32
      %xor3A_2162 = vector.broadcast %xor3A_2161 : i32 to vector<16xi32>
      %xor3A_2163 = arith.xori %iota3A, %xor3A_2162 : vector<16xi32>
      %broadcast_in_dim3A_2164 = vector.shape_cast %xor3A_2163 : vector<16xi32> to vector<16x1xi32>
      %gather3A_2165 = vector.shape_cast %broadcast_in_dim3A_2164 : vector<16x1xi32> to vector<16xi32>
      %gather3A_2166 = tpu.dynamic_gather %max3A_2160[%gather3A_2165] in [0] : vector<16xf32>, vector<16xi32> -> vector<16xf32>
      %max3A_2167 = arith.maximumf %max3A_2160, %gather3A_2166 : vector<16xf32>
      %xor3A_2168 = arith.constant 4 : i32
      %xor3A_2169 = vector.broadcast %xor3A_2168 : i32 to vector<16xi32>
      %xor3A_2170 = arith.xori %iota3A, %xor3A_2169 : vector<16xi32>
      %broadcast_in_dim3A_2171 = vector.shape_cast %xor3A_2170 : vector<16xi32> to vector<16x1xi32>
      %gather3A_2172 = vector.shape_cast %broadcast_in_dim3A_2171 : vector<16x1xi32> to vector<16xi32>
      %gather3A_2173 = tpu.dynamic_gather %max3A_2167[%gather3A_2172] in [0] : vector<16xf32>, vector<16xi32> -> vector<16xf32>
      %max3A_2174 = arith.maximumf %max3A_2167, %gather3A_2173 : vector<16xf32>
      %xor3A_2175 = arith.constant 8 : i32
      %xor3A_2176 = vector.broadcast %xor3A_2175 : i32 to vector<16xi32>
      %xor3A_2177 = arith.xori %iota3A, %xor3A_2176 : vector<16xi32>
      %broadcast_in_dim3A_2178 = vector.shape_cast %xor3A_2177 : vector<16xi32> to vector<16x1xi32>
      %gather3A_2179 = vector.shape_cast %broadcast_in_dim3A_2178 : vector<16x1xi32> to vector<16xi32>
      %gather3A_2180 = tpu.dynamic_gather %max3A_2174[%gather3A_2179] in [0] : vector<16xf32>, vector<16xi32> -> vector<16xf32>
      %max3A_2181 = arith.maximumf %max3A_2174, %gather3A_2180 : vector<16xf32>
      %sub3A_2182 = arith.subf %select_n3A_2153, %max3A_2181 : vector<16xf32>
      %exp3A_2183 = math.exp %sub3A_2182 : vector<16xf32>
      %jit3A_2184 = arith.constant 0.000000e+00 : f32
      %broadcast_in_dim3A_2185 = vector.broadcast %jit3A_2184 : f32 to vector<16xf32>
      %select_n3A_2186 = arith.select %lt3A_1938, %exp3A_2183, %broadcast_in_dim3A_2185 : vector<16xi1>, vector<16xf32>
      %xor3A_2187 = arith.constant 1 : i32
      %xor3A_2188 = vector.broadcast %xor3A_2187 : i32 to vector<16xi32>
      %xor3A_2189 = arith.xori %iota3A, %xor3A_2188 : vector<16xi32>
      %broadcast_in_dim3A_2190 = vector.shape_cast %xor3A_2189 : vector<16xi32> to vector<16x1xi32>
      %gather3A_2191 = vector.shape_cast %broadcast_in_dim3A_2190 : vector<16x1xi32> to vector<16xi32>
      %gather3A_2192 = tpu.dynamic_gather %select_n3A_2186[%gather3A_2191] in [0] : vector<16xf32>, vector<16xi32> -> vector<16xf32>
      %add3A_2193 = arith.addf %select_n3A_2186, %gather3A_2192 : vector<16xf32>
      %xor3A_2194 = arith.constant 2 : i32
      %xor3A_2195 = vector.broadcast %xor3A_2194 : i32 to vector<16xi32>
      %xor3A_2196 = arith.xori %iota3A, %xor3A_2195 : vector<16xi32>
      %broadcast_in_dim3A_2197 = vector.shape_cast %xor3A_2196 : vector<16xi32> to vector<16x1xi32>
      %gather3A_2198 = vector.shape_cast %broadcast_in_dim3A_2197 : vector<16x1xi32> to vector<16xi32>
      %gather3A_2199 = tpu.dynamic_gather %add3A_2193[%gather3A_2198] in [0] : vector<16xf32>, vector<16xi32> -> vector<16xf32>
      %add3A_2200 = arith.addf %add3A_2193, %gather3A_2199 : vector<16xf32>
      %xor3A_2201 = arith.constant 4 : i32
      %xor3A_2202 = vector.broadcast %xor3A_2201 : i32 to vector<16xi32>
      %xor3A_2203 = arith.xori %iota3A, %xor3A_2202 : vector<16xi32>
      %broadcast_in_dim3A_2204 = vector.shape_cast %xor3A_2203 : vector<16xi32> to vector<16x1xi32>
      %gather3A_2205 = vector.shape_cast %broadcast_in_dim3A_2204 : vector<16x1xi32> to vector<16xi32>
      %gather3A_2206 = tpu.dynamic_gather %add3A_2200[%gather3A_2205] in [0] : vector<16xf32>, vector<16xi32> -> vector<16xf32>
      %add3A_2207 = arith.addf %add3A_2200, %gather3A_2206 : vector<16xf32>
      %xor3A_2208 = arith.constant 8 : i32
      %xor3A_2209 = vector.broadcast %xor3A_2208 : i32 to vector<16xi32>
      %xor3A_2210 = arith.xori %iota3A, %xor3A_2209 : vector<16xi32>
      %broadcast_in_dim3A_2211 = vector.shape_cast %xor3A_2210 : vector<16xi32> to vector<16x1xi32>
      %gather3A_2212 = vector.shape_cast %broadcast_in_dim3A_2211 : vector<16x1xi32> to vector<16xi32>
      %gather3A_2213 = tpu.dynamic_gather %add3A_2207[%gather3A_2212] in [0] : vector<16xf32>, vector<16xi32> -> vector<16xf32>
      %add3A_2214 = arith.addf %add3A_2207, %gather3A_2213 : vector<16xf32>
      %div3A_2215 = arith.divf %select_n3A_2186, %add3A_2214 : vector<16xf32>
      %swap3A_2216 = arith.constant 3 : i32
      %swap3A_2217 = arith.index_cast %swap3A_2216 : i32 to index
      %swap3A_2218 = arith.constant 0 : index
      %swap3A_2219 = tpu.vector_load %arg8[%swap3A_2217, %swap3A_2218] {strides = array<i32>} : memref<4x16xf32, #tpu.memory_space<vmem>>, vector<1x16xf32>,
      %swap3A_2220 = vector.shape_cast %swap3A_2219 : vector<1x16xf32> to vector<16xf32>
      %swap3A_2221 = vector.shape_cast %div3A_2215 : vector<16xf32> to vector<1x16xf32>
      tpu.vector_store %arg8[%swap3A_2217, %swap3A_2218], %swap3A_2221 {strides = array<i32>} : memref<4x16xf32, #tpu.memory_space<vmem>>, vector<1x16xf32>,
      "tpu.region"() ({
        %run_scoped3A = tpu.sem_alloc : memref<!tpu.dma_semaphore, #tpu.memory_space<semaphore_mem>>
        tpu.enqueue_dma source(%arg7 : memref<16xi32, #tpu.memory_space<vmem>>) target(%arg3 : memref<16xi32, #tpu.memory_space<hbm>>) target_semaphore(%run_scoped3A : memref<!tpu.dma_semaphore, #tpu.memory_space<semaphore_mem>>)
        tpu.wait_dma2 semaphore(%run_scoped3A : memref<!tpu.dma_semaphore, #tpu.memory_space<semaphore_mem>>) src(%arg7 : memref<16xi32, #tpu.memory_space<vmem>>) dst(%arg3 : memref<16xi32, #tpu.memory_space<hbm>>)
        tpu.yield
      }) : () -> ()
      "tpu.region"() ({
        %run_scoped3A = tpu.sem_alloc : memref<!tpu.dma_semaphore, #tpu.memory_space<semaphore_mem>>
        tpu.enqueue_dma source(%arg8 : memref<4x16xf32, #tpu.memory_space<vmem>>) target(%arg4 : memref<4x16xf32, #tpu.memory_space<hbm>>) target_semaphore(%run_scoped3A : memref<!tpu.dma_semaphore, #tpu.memory_space<semaphore_mem>>)
        tpu.wait_dma2 semaphore(%run_scoped3A : memref<!tpu.dma_semaphore, #tpu.memory_space<semaphore_mem>>) src(%arg8 : memref<4x16xf32, #tpu.memory_space<vmem>>) dst(%arg4 : memref<4x16xf32, #tpu.memory_space<hbm>>)
        tpu.yield
      }) : () -> ()
    } else {
    }
    return
  }
}

module attributes {stable_mosaic.version = 14 : i64} {
  func.func @_proj_body(%arg0: i32, %arg1: memref<512x1024xf32, #tpu.memory_space<vmem>>, %arg2: memref<512x1024xf32, #tpu.memory_space<vmem>>, %arg3: memref<512x1024xf32, #tpu.memory_space<vmem>>, %arg4: memref<1024x1024xbf16, #tpu.memory_space<vmem>>, %arg5: memref<1024x1024xbf16, #tpu.memory_space<vmem>>, %arg6: memref<1024x1024xbf16, #tpu.memory_space<vmem>>, %arg7: memref<1x1024xf32, #tpu.memory_space<vmem>>, %arg8: memref<512x1024xbf16, #tpu.memory_space<vmem>>, %arg9: memref<512x1024xbf16, #tpu.memory_space<vmem>>, %arg10: memref<512x1024xbf16, #tpu.memory_space<vmem>>, %arg11: memref<512x1024xbf16, #tpu.memory_space<vmem>>, %arg12: memref<512x1024xbf16, #tpu.memory_space<vmem>>) attributes {dimension_semantics = [#tpu.dimension_semantics<arbitrary>], iteration_bounds = array<i64: 16>, scalar_prefetch = 0 : i64, scratch_operands = 0 : i64, tpu.core_type = #tpu.core_type<tc>, window_params = [{transform_indices = @transform_0, window_bounds = array<i64: 512, 1024>}, {transform_indices = @transform_1, window_bounds = array<i64: 512, 1024>}, {transform_indices = @transform_2, window_bounds = array<i64: 512, 1024>}, {pipeline_mode = #tpu.pipeline_mode<synchronous>, transform_indices = @transform_3, window_bounds = array<i64: 1024, 1024>}, {pipeline_mode = #tpu.pipeline_mode<synchronous>, transform_indices = @transform_4, window_bounds = array<i64: 1024, 1024>}, {pipeline_mode = #tpu.pipeline_mode<synchronous>, transform_indices = @transform_5, window_bounds = array<i64: 1024, 1024>}, {pipeline_mode = #tpu.pipeline_mode<synchronous>, transform_indices = @transform_6, window_bounds = array<i64: 1, 1024>}, {transform_indices = @transform_7, window_bounds = array<i64: 512, 1024>}, {transform_indices = @transform_8, window_bounds = array<i64: 512, 1024>}, {transform_indices = @transform_9, window_bounds = array<i64: 512, 1024>}, {transform_indices = @transform_10, window_bounds = array<i64: 512, 1024>}, {transform_indices = @transform_11, window_bounds = array<i64: 512, 1024>}]} {
    %get3A = arith.constant 0 : index
    %get3A_0 = arith.constant 0 : index
    %get3A_1 = vector.load %arg1[%get3A, %get3A_0] : memref<512x1024xf32, #tpu.memory_space<vmem>>, vector<512x1024xf32>
    %convert_element_type3A = arith.truncf %get3A_1 : vector<512x1024xf32> to vector<512x1024xbf16>
    %convert_element_type3A_2 = arith.extf %convert_element_type3A : vector<512x1024xbf16> to vector<512x1024xf32>
    %sub3A = arith.subf %get3A_1, %convert_element_type3A_2 : vector<512x1024xf32>
    %convert_element_type3A_3 = arith.truncf %sub3A : vector<512x1024xf32> to vector<512x1024xbf16>
    %get3A_4 = arith.constant 0 : index
    %get3A_5 = arith.constant 0 : index
    %get3A_6 = vector.load %arg4[%get3A_4, %get3A_5] : memref<1024x1024xbf16, #tpu.memory_space<vmem>>, vector<1024x1024xbf16>
    %get3A_7 = arith.constant 0 : index
    %get3A_8 = arith.constant 0 : index
    %get3A_9 = vector.load %arg5[%get3A_7, %get3A_8] : memref<1024x1024xbf16, #tpu.memory_space<vmem>>, vector<1024x1024xbf16>
    %dot_general3A = arith.constant dense<0.000000e+00> : vector<512x1024xf32>
    %dot_general3A_10 = tpu.matmul %convert_element_type3A, %get3A_6, %dot_general3A {dimension_numbers = #tpu.dot_dimension_numbers<[1], [0], [0], [1], [0, 0, 1, 1], [], []>, transpose_lhs_hint = false} : vector<512x1024xbf16>, vector<1024x1024xbf16>, vector<512x1024xf32> -> vector<512x1024xf32>
    %dot_general3A_11 = arith.constant dense<0.000000e+00> : vector<512x1024xf32>
    %dot_general3A_12 = tpu.matmul %convert_element_type3A, %get3A_9, %dot_general3A_11 {dimension_numbers = #tpu.dot_dimension_numbers<[1], [0], [0], [1], [0, 0, 1, 1], [], []>, transpose_lhs_hint = false} : vector<512x1024xbf16>, vector<1024x1024xbf16>, vector<512x1024xf32> -> vector<512x1024xf32>
    %add3A = arith.addf %dot_general3A_10, %dot_general3A_12 : vector<512x1024xf32>
    %dot_general3A_13 = arith.constant dense<0.000000e+00> : vector<512x1024xf32>
    %dot_general3A_14 = tpu.matmul %convert_element_type3A_3, %get3A_6, %dot_general3A_13 {dimension_numbers = #tpu.dot_dimension_numbers<[1], [0], [0], [1], [0, 0, 1, 1], [], []>, transpose_lhs_hint = false} : vector<512x1024xbf16>, vector<1024x1024xbf16>, vector<512x1024xf32> -> vector<512x1024xf32>
    %add3A_15 = arith.addf %add3A, %dot_general3A_14 : vector<512x1024xf32>
    %convert_element_type3A_16 = arith.truncf %add3A_15 : vector<512x1024xf32> to vector<512x1024xbf16>
    %convert_element_type3A_17 = arith.extf %convert_element_type3A_16 : vector<512x1024xbf16> to vector<512x1024xf32>
    %sub3A_18 = arith.subf %add3A_15, %convert_element_type3A_17 : vector<512x1024xf32>
    %convert_element_type3A_19 = arith.truncf %sub3A_18 : vector<512x1024xf32> to vector<512x1024xbf16>
    %swap3A = arith.constant 0 : index
    %swap3A_20 = arith.constant 0 : index
    %swap3A_21 = vector.load %arg8[%swap3A, %swap3A_20] : memref<512x1024xbf16, #tpu.memory_space<vmem>>, vector<512x1024xbf16>
    tpu.vector_store %arg8[%swap3A, %swap3A_20], %convert_element_type3A_16 {strides = array<i32>} : memref<512x1024xbf16, #tpu.memory_space<vmem>>, vector<512x1024xbf16>,
    %swap3A_22 = arith.constant 0 : index
    %swap3A_23 = arith.constant 0 : index
    %swap3A_24 = vector.load %arg9[%swap3A_22, %swap3A_23] : memref<512x1024xbf16, #tpu.memory_space<vmem>>, vector<512x1024xbf16>
    tpu.vector_store %arg9[%swap3A_22, %swap3A_23], %convert_element_type3A_19 {strides = array<i32>} : memref<512x1024xbf16, #tpu.memory_space<vmem>>, vector<512x1024xbf16>,
    %get3A_25 = arith.constant 0 : index
    %get3A_26 = arith.constant 0 : index
    %get3A_27 = vector.load %arg2[%get3A_25, %get3A_26] : memref<512x1024xf32, #tpu.memory_space<vmem>>, vector<512x1024xf32>
    %convert_element_type3A_28 = arith.truncf %get3A_27 : vector<512x1024xf32> to vector<512x1024xbf16>
    %convert_element_type3A_29 = arith.extf %convert_element_type3A_28 : vector<512x1024xbf16> to vector<512x1024xf32>
    %sub3A_30 = arith.subf %get3A_27, %convert_element_type3A_29 : vector<512x1024xf32>
    %convert_element_type3A_31 = arith.truncf %sub3A_30 : vector<512x1024xf32> to vector<512x1024xbf16>
    %swap3A_32 = arith.constant 0 : index
    %swap3A_33 = arith.constant 0 : index
    %swap3A_34 = vector.load %arg10[%swap3A_32, %swap3A_33] : memref<512x1024xbf16, #tpu.memory_space<vmem>>, vector<512x1024xbf16>
    tpu.vector_store %arg10[%swap3A_32, %swap3A_33], %convert_element_type3A_28 {strides = array<i32>} : memref<512x1024xbf16, #tpu.memory_space<vmem>>, vector<512x1024xbf16>,
    %swap3A_35 = arith.constant 0 : index
    %swap3A_36 = arith.constant 0 : index
    %swap3A_37 = vector.load %arg11[%swap3A_35, %swap3A_36] : memref<512x1024xbf16, #tpu.memory_space<vmem>>, vector<512x1024xbf16>
    tpu.vector_store %arg11[%swap3A_35, %swap3A_36], %convert_element_type3A_31 {strides = array<i32>} : memref<512x1024xbf16, #tpu.memory_space<vmem>>, vector<512x1024xbf16>,
    %get3A_38 = arith.constant 0 : index
    %get3A_39 = arith.constant 0 : index
    %get3A_40 = vector.load %arg3[%get3A_38, %get3A_39] : memref<512x1024xf32, #tpu.memory_space<vmem>>, vector<512x1024xf32>
    %convert_element_type3A_41 = arith.truncf %get3A_40 : vector<512x1024xf32> to vector<512x1024xbf16>
    %get3A_42 = arith.constant 0 : index
    %get3A_43 = arith.constant 0 : index
    %get3A_44 = vector.load %arg6[%get3A_42, %get3A_43] : memref<1024x1024xbf16, #tpu.memory_space<vmem>>, vector<1024x1024xbf16>
    %dot_general3A_45 = arith.constant dense<0.000000e+00> : vector<512x1024xf32>
    %dot_general3A_46 = tpu.matmul %convert_element_type3A_41, %get3A_44, %dot_general3A_45 {dimension_numbers = #tpu.dot_dimension_numbers<[1], [0], [0], [1], [0, 0, 1, 1], [], []>, transpose_lhs_hint = false} : vector<512x1024xbf16>, vector<1024x1024xbf16>, vector<512x1024xf32> -> vector<512x1024xf32>
    %get3A_47 = arith.constant 0 : index
    %get3A_48 = arith.constant 0 : index
    %get3A_49 = vector.load %arg7[%get3A_47, %get3A_48] : memref<1x1024xf32, #tpu.memory_space<vmem>>, vector<1x1024xf32>
    %add3A_50 = vector.broadcast %get3A_49 : vector<1x1024xf32> to vector<512x1024xf32>
    %add3A_51 = arith.addf %dot_general3A_46, %add3A_50 : vector<512x1024xf32>
    %convert_element_type3A_52 = arith.truncf %add3A_51 : vector<512x1024xf32> to vector<512x1024xbf16>
    %swap3A_53 = arith.constant 0 : index
    %swap3A_54 = arith.constant 0 : index
    %swap3A_55 = vector.load %arg12[%swap3A_53, %swap3A_54] : memref<512x1024xbf16, #tpu.memory_space<vmem>>, vector<512x1024xbf16>
    tpu.vector_store %arg12[%swap3A_53, %swap3A_54], %convert_element_type3A_52 {strides = array<i32>} : memref<512x1024xbf16, #tpu.memory_space<vmem>>, vector<512x1024xbf16>,
    return
  }
  func.func @transform_0(%arg0: i32) -> (i32, i32) {
    %c0_i32 = arith.constant 0 : i32
    %c0_i32_0 = arith.constant 0 : i32
    return %arg0, %c0_i32 : i32, i32
  }
  func.func @transform_1(%arg0: i32) -> (i32, i32) {
    %c0_i32 = arith.constant 0 : i32
    %c0_i32_0 = arith.constant 0 : i32
    return %arg0, %c0_i32 : i32, i32
  }
  func.func @transform_2(%arg0: i32) -> (i32, i32) {
    %c0_i32 = arith.constant 0 : i32
    %c0_i32_0 = arith.constant 0 : i32
    return %arg0, %c0_i32 : i32, i32
  }
  func.func @transform_3(%arg0: i32) -> (i32, i32) {
    %c0_i32 = arith.constant 0 : i32
    %c0_i32_0 = arith.constant 0 : i32
    %c0_i32_1 = arith.constant 0 : i32
    return %c0_i32, %c0_i32_0 : i32, i32
  }
  func.func @transform_4(%arg0: i32) -> (i32, i32) {
    %c0_i32 = arith.constant 0 : i32
    %c0_i32_0 = arith.constant 0 : i32
    %c0_i32_1 = arith.constant 0 : i32
    return %c0_i32, %c0_i32_0 : i32, i32
  }
  func.func @transform_5(%arg0: i32) -> (i32, i32) {
    %c0_i32 = arith.constant 0 : i32
    %c0_i32_0 = arith.constant 0 : i32
    %c0_i32_1 = arith.constant 0 : i32
    return %c0_i32, %c0_i32_0 : i32, i32
  }
  func.func @transform_6(%arg0: i32) -> (i32, i32) {
    %c0_i32 = arith.constant 0 : i32
    %c0_i32_0 = arith.constant 0 : i32
    %c0_i32_1 = arith.constant 0 : i32
    return %c0_i32, %c0_i32_0 : i32, i32
  }
  func.func @transform_7(%arg0: i32) -> (i32, i32) {
    %c0_i32 = arith.constant 0 : i32
    %c0_i32_0 = arith.constant 0 : i32
    return %arg0, %c0_i32 : i32, i32
  }
  func.func @transform_8(%arg0: i32) -> (i32, i32) {
    %c0_i32 = arith.constant 0 : i32
    %c0_i32_0 = arith.constant 0 : i32
    return %arg0, %c0_i32 : i32, i32
  }
  func.func @transform_9(%arg0: i32) -> (i32, i32) {
    %c0_i32 = arith.constant 0 : i32
    %c0_i32_0 = arith.constant 0 : i32
    return %arg0, %c0_i32 : i32, i32
  }
  func.func @transform_10(%arg0: i32) -> (i32, i32) {
    %c0_i32 = arith.constant 0 : i32
    %c0_i32_0 = arith.constant 0 : i32
    return %arg0, %c0_i32 : i32, i32
  }
  func.func @transform_11(%arg0: i32) -> (i32, i32) {
    %c0_i32 = arith.constant 0 : i32
    %c0_i32_0 = arith.constant 0 : i32
    return %arg0, %c0_i32 : i32, i32
  }
}

module attributes {stable_mosaic.version = 14 : i64} {
  func.func @_prep_body(%arg0: memref<1024x1024xf32, #tpu.memory_space<vmem>>, %arg1: memref<1024x1024xf32, #tpu.memory_space<vmem>>, %arg2: memref<1024x1024xf32, #tpu.memory_space<vmem>>, %arg3: memref<1024x1024xf32, #tpu.memory_space<vmem>>, %arg4: memref<1x1024xf32, #tpu.memory_space<vmem>>, %arg5: memref<1x1024xf32, #tpu.memory_space<vmem>>, %arg6: memref<1024x1024xbf16, #tpu.memory_space<vmem>>, %arg7: memref<1024x1024xbf16, #tpu.memory_space<vmem>>, %arg8: memref<1024x1024xbf16, #tpu.memory_space<vmem>>, %arg9: memref<1x1024xf32, #tpu.memory_space<vmem>>) attributes {dimension_semantics = [], scalar_prefetch = 0 : i64, scratch_operands = 0 : i64, tpu.core_type = #tpu.core_type<tc>} {
    %get3A = arith.constant 0 : index
    %get3A_0 = arith.constant 0 : index
    %get3A_1 = vector.load %arg0[%get3A, %get3A_0] : memref<1024x1024xf32, #tpu.memory_space<vmem>>, vector<1024x1024xf32>
    %convert_element_type3A = arith.truncf %get3A_1 : vector<1024x1024xf32> to vector<1024x1024xbf16>
    %convert_element_type3A_2 = arith.extf %convert_element_type3A : vector<1024x1024xbf16> to vector<1024x1024xf32>
    %sub3A = arith.subf %get3A_1, %convert_element_type3A_2 : vector<1024x1024xf32>
    %convert_element_type3A_3 = arith.truncf %sub3A : vector<1024x1024xf32> to vector<1024x1024xbf16>
    %get3A_4 = arith.constant 0 : index
    %get3A_5 = arith.constant 0 : index
    %get3A_6 = vector.load %arg1[%get3A_4, %get3A_5] : memref<1024x1024xf32, #tpu.memory_space<vmem>>, vector<1024x1024xf32>
    %convert_element_type3A_7 = arith.truncf %get3A_6 : vector<1024x1024xf32> to vector<1024x1024xbf16>
    %convert_element_type3A_8 = arith.extf %convert_element_type3A_7 : vector<1024x1024xbf16> to vector<1024x1024xf32>
    %sub3A_9 = arith.subf %get3A_6, %convert_element_type3A_8 : vector<1024x1024xf32>
    %convert_element_type3A_10 = arith.truncf %sub3A_9 : vector<1024x1024xf32> to vector<1024x1024xbf16>
    %dot_general3A = arith.constant dense<0.000000e+00> : vector<1024x1024xf32>
    %dot_general3A_11 = tpu.matmul %convert_element_type3A, %convert_element_type3A_7, %dot_general3A {dimension_numbers = #tpu.dot_dimension_numbers<[1], [1], [0], [0], [0, 0, 1, 0], [], []>, transpose_lhs_hint = false} : vector<1024x1024xbf16>, vector<1024x1024xbf16>, vector<1024x1024xf32> -> vector<1024x1024xf32>
    %dot_general3A_12 = arith.constant dense<0.000000e+00> : vector<1024x1024xf32>
    %dot_general3A_13 = tpu.matmul %convert_element_type3A, %convert_element_type3A_10, %dot_general3A_12 {dimension_numbers = #tpu.dot_dimension_numbers<[1], [1], [0], [0], [0, 0, 1, 0], [], []>, transpose_lhs_hint = false} : vector<1024x1024xbf16>, vector<1024x1024xbf16>, vector<1024x1024xf32> -> vector<1024x1024xf32>
    %add3A = arith.addf %dot_general3A_11, %dot_general3A_13 : vector<1024x1024xf32>
    %dot_general3A_14 = arith.constant dense<0.000000e+00> : vector<1024x1024xf32>
    %dot_general3A_15 = tpu.matmul %convert_element_type3A_3, %convert_element_type3A_7, %dot_general3A_14 {dimension_numbers = #tpu.dot_dimension_numbers<[1], [1], [0], [0], [0, 0, 1, 0], [], []>, transpose_lhs_hint = false} : vector<1024x1024xbf16>, vector<1024x1024xbf16>, vector<1024x1024xf32> -> vector<1024x1024xf32>
    %add3A_16 = arith.addf %add3A, %dot_general3A_15 : vector<1024x1024xf32>
    %convert_element_type3A_17 = arith.truncf %add3A_16 : vector<1024x1024xf32> to vector<1024x1024xbf16>
    %convert_element_type3A_18 = arith.extf %convert_element_type3A_17 : vector<1024x1024xbf16> to vector<1024x1024xf32>
    %sub3A_19 = arith.subf %add3A_16, %convert_element_type3A_18 : vector<1024x1024xf32>
    %convert_element_type3A_20 = arith.truncf %sub3A_19 : vector<1024x1024xf32> to vector<1024x1024xbf16>
    %swap3A = arith.constant 0 : index
    %swap3A_21 = arith.constant 0 : index
    %swap3A_22 = vector.load %arg6[%swap3A, %swap3A_21] : memref<1024x1024xbf16, #tpu.memory_space<vmem>>, vector<1024x1024xbf16>
    tpu.vector_store %arg6[%swap3A, %swap3A_21], %convert_element_type3A_17 {strides = array<i32>} : memref<1024x1024xbf16, #tpu.memory_space<vmem>>, vector<1024x1024xbf16>,
    %swap3A_23 = arith.constant 0 : index
    %swap3A_24 = arith.constant 0 : index
    %swap3A_25 = vector.load %arg7[%swap3A_23, %swap3A_24] : memref<1024x1024xbf16, #tpu.memory_space<vmem>>, vector<1024x1024xbf16>
    tpu.vector_store %arg7[%swap3A_23, %swap3A_24], %convert_element_type3A_20 {strides = array<i32>} : memref<1024x1024xbf16, #tpu.memory_space<vmem>>, vector<1024x1024xbf16>,
    %get3A_26 = arith.constant 0 : index
    %get3A_27 = arith.constant 0 : index
    %get3A_28 = vector.load %arg2[%get3A_26, %get3A_27] : memref<1024x1024xf32, #tpu.memory_space<vmem>>, vector<1024x1024xf32>
    %get3A_29 = arith.constant 0 : index
    %get3A_30 = arith.constant 0 : index
    %get3A_31 = vector.load %arg3[%get3A_29, %get3A_30] : memref<1024x1024xf32, #tpu.memory_space<vmem>>, vector<1024x1024xf32>
    %dot_general3A_32 = arith.constant dense<0.000000e+00> : vector<1024x1024xf32>
    %dot_general3A_33 = tpu.matmul %get3A_28, %get3A_31, %dot_general3A_32 {dimension_numbers = #tpu.dot_dimension_numbers<[1], [0], [0], [1], [0, 0, 1, 1], [], []>, transpose_lhs_hint = false} : vector<1024x1024xf32>, vector<1024x1024xf32>, vector<1024x1024xf32> -> vector<1024x1024xf32>
    %convert_element_type3A_34 = arith.truncf %dot_general3A_33 : vector<1024x1024xf32> to vector<1024x1024xbf16>
    %swap3A_35 = arith.constant 0 : index
    %swap3A_36 = arith.constant 0 : index
    %swap3A_37 = vector.load %arg8[%swap3A_35, %swap3A_36] : memref<1024x1024xbf16, #tpu.memory_space<vmem>>, vector<1024x1024xbf16>
    tpu.vector_store %arg8[%swap3A_35, %swap3A_36], %convert_element_type3A_34 {strides = array<i32>} : memref<1024x1024xbf16, #tpu.memory_space<vmem>>, vector<1024x1024xbf16>,
    %get3A_38 = arith.constant 0 : index
    %get3A_39 = arith.constant 0 : index
    %get3A_40 = vector.load %arg4[%get3A_38, %get3A_39] : memref<1x1024xf32, #tpu.memory_space<vmem>>, vector<1x1024xf32>
    %get3A_41 = arith.constant 0 : index
    %get3A_42 = arith.constant 0 : index
    %get3A_43 = vector.load %arg3[%get3A_41, %get3A_42] : memref<1024x1024xf32, #tpu.memory_space<vmem>>, vector<1024x1024xf32>
    %dot_general3A_44 = arith.constant dense<0.000000e+00> : vector<1x1024xf32>
    %dot_general3A_45 = tpu.matmul %get3A_40, %get3A_43, %dot_general3A_44 {dimension_numbers = #tpu.dot_dimension_numbers<[1], [0], [0], [1], [0, 0, 1, 1], [], []>, transpose_lhs_hint = false} : vector<1x1024xf32>, vector<1024x1024xf32>, vector<1x1024xf32> -> vector<1x1024xf32>
    %get3A_46 = arith.constant 0 : index
    %get3A_47 = arith.constant 0 : index
    %get3A_48 = vector.load %arg5[%get3A_46, %get3A_47] : memref<1x1024xf32, #tpu.memory_space<vmem>>, vector<1x1024xf32>
    %add3A_49 = arith.addf %dot_general3A_45, %get3A_48 : vector<1x1024xf32>
    %swap3A_50 = arith.constant 0 : index
    %swap3A_51 = arith.constant 0 : index
    %swap3A_52 = vector.load %arg9[%swap3A_50, %swap3A_51] : memref<1x1024xf32, #tpu.memory_space<vmem>>, vector<1x1024xf32>
    tpu.vector_store %arg9[%swap3A_50, %swap3A_51], %add3A_49 {strides = array<i32>} : memref<1x1024xf32, #tpu.memory_space<vmem>>, vector<1x1024xf32>,
    return
  }
}

module attributes {stable_mosaic.version = 14 : i64} {
  func.func @_corr_body(%arg0: i32, %arg1: i32, %arg2: memref<1x2048x1024xbf16, #tpu.memory_space<vmem>>, %arg3: memref<1x2048x1024xbf16, #tpu.memory_space<vmem>>, %arg4: memref<1x256x1024xbf16, #tpu.memory_space<vmem>>, %arg5: memref<1x256x1024xbf16, #tpu.memory_space<vmem>>, %arg6: memref<1x2048x1xf32, #tpu.memory_space<vmem>>) attributes {dimension_semantics = [#tpu.dimension_semantics<arbitrary>, #tpu.dimension_semantics<arbitrary>], iteration_bounds = array<i64: 4, 8>, scalar_prefetch = 0 : i64, scratch_operands = 0 : i64, tpu.core_type = #tpu.core_type<tc>, window_params = [{transform_indices = @transform_0, window_bounds = array<i64: 1, 2048, 1024>}, {transform_indices = @transform_1, window_bounds = array<i64: 1, 2048, 1024>}, {transform_indices = @transform_2, window_bounds = array<i64: 1, 256, 1024>}, {transform_indices = @transform_3, window_bounds = array<i64: 1, 256, 1024>}, {transform_indices = @transform_4, window_bounds = array<i64: 1, 2048, 1>}]} {
    %get3A = arith.constant 0 : index
    %get3A_0 = arith.constant 0 : index
    %get3A_1 = arith.constant 0 : index
    %get3A_2 = vector.load %arg2[%get3A, %get3A_0, %get3A_1] : memref<1x2048x1024xbf16, #tpu.memory_space<vmem>>, vector<1x2048x1024xbf16>
    %get3A_3 = vector.shape_cast %get3A_2 : vector<1x2048x1024xbf16> to vector<2048x1024xbf16>
    %get3A_4 = arith.constant 0 : index
    %get3A_5 = arith.constant 0 : index
    %get3A_6 = arith.constant 0 : index
    %get3A_7 = vector.load %arg3[%get3A_4, %get3A_5, %get3A_6] : memref<1x2048x1024xbf16, #tpu.memory_space<vmem>>, vector<1x2048x1024xbf16>
    %get3A_8 = vector.shape_cast %get3A_7 : vector<1x2048x1024xbf16> to vector<2048x1024xbf16>
    %get3A_9 = arith.constant 0 : index
    %get3A_10 = arith.constant 0 : index
    %get3A_11 = arith.constant 0 : index
    %get3A_12 = vector.load %arg4[%get3A_9, %get3A_10, %get3A_11] : memref<1x256x1024xbf16, #tpu.memory_space<vmem>>, vector<1x256x1024xbf16>
    %get3A_13 = vector.shape_cast %get3A_12 : vector<1x256x1024xbf16> to vector<256x1024xbf16>
    %get3A_14 = arith.constant 0 : index
    %get3A_15 = arith.constant 0 : index
    %get3A_16 = arith.constant 0 : index
    %get3A_17 = vector.load %arg5[%get3A_14, %get3A_15, %get3A_16] : memref<1x256x1024xbf16, #tpu.memory_space<vmem>>, vector<1x256x1024xbf16>
    %get3A_18 = vector.shape_cast %get3A_17 : vector<1x256x1024xbf16> to vector<256x1024xbf16>
    %dot_general3A = arith.constant dense<0.000000e+00> : vector<2048x256xf32>
    %dot_general3A_19 = tpu.matmul %get3A_3, %get3A_13, %dot_general3A {dimension_numbers = #tpu.dot_dimension_numbers<[1], [1], [0], [0], [0, 0, 1, 0], [], []>, transpose_lhs_hint = false} : vector<2048x1024xbf16>, vector<256x1024xbf16>, vector<2048x256xf32> -> vector<2048x256xf32>
    %dot_general3A_20 = arith.constant dense<0.000000e+00> : vector<2048x256xf32>
    %dot_general3A_21 = tpu.matmul %get3A_3, %get3A_18, %dot_general3A_20 {dimension_numbers = #tpu.dot_dimension_numbers<[1], [1], [0], [0], [0, 0, 1, 0], [], []>, transpose_lhs_hint = false} : vector<2048x1024xbf16>, vector<256x1024xbf16>, vector<2048x256xf32> -> vector<2048x256xf32>
    %add3A = arith.addf %dot_general3A_19, %dot_general3A_21 : vector<2048x256xf32>
    %dot_general3A_22 = arith.constant dense<0.000000e+00> : vector<2048x256xf32>
    %dot_general3A_23 = tpu.matmul %get3A_8, %get3A_13, %dot_general3A_22 {dimension_numbers = #tpu.dot_dimension_numbers<[1], [1], [0], [0], [0, 0, 1, 0], [], []>, transpose_lhs_hint = false} : vector<2048x1024xbf16>, vector<256x1024xbf16>, vector<2048x256xf32> -> vector<2048x256xf32>
    %add3A_24 = arith.addf %add3A, %dot_general3A_23 : vector<2048x256xf32>
    %iota3A = tpu.iota {dimensions = array<i32: 1>} : vector<2048x256xi32>
    %and3A = arith.constant 8 : i32
    %and3A_25 = vector.broadcast %and3A : i32 to vector<2048x256xi32>
    %and3A_26 = arith.andi %iota3A, %and3A_25 : vector<2048x256xi32>
    %ne3A = arith.constant 0 : i32
    %ne3A_27 = vector.broadcast %ne3A : i32 to vector<2048x256xi32>
    %ne3A_28 = arith.cmpi ne, %and3A_26, %ne3A_27 : vector<2048x256xi32>
    %slice3A = vector.extract_strided_slice %add3A_24 {offsets = [8, 0], sizes = [2040, 256], strides = [1, 1]} : vector<2048x256xf32> to vector<2040x256xf32>
    %slice3A_29 = vector.extract_strided_slice %add3A_24 {offsets = [0, 0], sizes = [8, 256], strides = [1, 1]} : vector<2048x256xf32> to vector<8x256xf32>
    %concatenate3A = tpu.concatenate %slice3A, %slice3A_29 in 0 : vector<2040x256xf32>, vector<8x256xf32> -> vector<2048x256xf32>
    %select_n3A = arith.select %ne3A_28, %concatenate3A, %add3A_24 : vector<2048x256xi1>, vector<2048x256xf32>
    %and3A_30 = arith.constant 16 : i32
    %and3A_31 = vector.broadcast %and3A_30 : i32 to vector<2048x256xi32>
    %and3A_32 = arith.andi %iota3A, %and3A_31 : vector<2048x256xi32>
    %ne3A_33 = arith.constant 0 : i32
    %ne3A_34 = vector.broadcast %ne3A_33 : i32 to vector<2048x256xi32>
    %ne3A_35 = arith.cmpi ne, %and3A_32, %ne3A_34 : vector<2048x256xi32>
    %slice3A_36 = vector.extract_strided_slice %select_n3A {offsets = [16, 0], sizes = [2032, 256], strides = [1, 1]} : vector<2048x256xf32> to vector<2032x256xf32>
    %slice3A_37 = vector.extract_strided_slice %select_n3A {offsets = [0, 0], sizes = [16, 256], strides = [1, 1]} : vector<2048x256xf32> to vector<16x256xf32>
    %concatenate3A_38 = tpu.concatenate %slice3A_36, %slice3A_37 in 0 : vector<2032x256xf32>, vector<16x256xf32> -> vector<2048x256xf32>
    %select_n3A_39 = arith.select %ne3A_35, %concatenate3A_38, %select_n3A : vector<2048x256xi1>, vector<2048x256xf32>
    %and3A_40 = arith.constant 32 : i32
    %and3A_41 = vector.broadcast %and3A_40 : i32 to vector<2048x256xi32>
    %and3A_42 = arith.andi %iota3A, %and3A_41 : vector<2048x256xi32>
    %ne3A_43 = arith.constant 0 : i32
    %ne3A_44 = vector.broadcast %ne3A_43 : i32 to vector<2048x256xi32>
    %ne3A_45 = arith.cmpi ne, %and3A_42, %ne3A_44 : vector<2048x256xi32>
    %slice3A_46 = vector.extract_strided_slice %select_n3A_39 {offsets = [32, 0], sizes = [2016, 256], strides = [1, 1]} : vector<2048x256xf32> to vector<2016x256xf32>
    %slice3A_47 = vector.extract_strided_slice %select_n3A_39 {offsets = [0, 0], sizes = [32, 256], strides = [1, 1]} : vector<2048x256xf32> to vector<32x256xf32>
    %concatenate3A_48 = tpu.concatenate %slice3A_46, %slice3A_47 in 0 : vector<2016x256xf32>, vector<32x256xf32> -> vector<2048x256xf32>
    %select_n3A_49 = arith.select %ne3A_45, %concatenate3A_48, %select_n3A_39 : vector<2048x256xi1>, vector<2048x256xf32>
    %and3A_50 = arith.constant 64 : i32
    %and3A_51 = vector.broadcast %and3A_50 : i32 to vector<2048x256xi32>
    %and3A_52 = arith.andi %iota3A, %and3A_51 : vector<2048x256xi32>
    %ne3A_53 = arith.constant 0 : i32
    %ne3A_54 = vector.broadcast %ne3A_53 : i32 to vector<2048x256xi32>
    %ne3A_55 = arith.cmpi ne, %and3A_52, %ne3A_54 : vector<2048x256xi32>
    %slice3A_56 = vector.extract_strided_slice %select_n3A_49 {offsets = [64, 0], sizes = [1984, 256], strides = [1, 1]} : vector<2048x256xf32> to vector<1984x256xf32>
    %slice3A_57 = vector.extract_strided_slice %select_n3A_49 {offsets = [0, 0], sizes = [64, 256], strides = [1, 1]} : vector<2048x256xf32> to vector<64x256xf32>
    %concatenate3A_58 = tpu.concatenate %slice3A_56, %slice3A_57 in 0 : vector<1984x256xf32>, vector<64x256xf32> -> vector<2048x256xf32>
    %select_n3A_59 = arith.select %ne3A_55, %concatenate3A_58, %select_n3A_49 : vector<2048x256xi1>, vector<2048x256xf32>
    %and3A_60 = arith.constant 128 : i32
    %and3A_61 = vector.broadcast %and3A_60 : i32 to vector<2048x256xi32>
    %and3A_62 = arith.andi %iota3A, %and3A_61 : vector<2048x256xi32>
    %ne3A_63 = arith.constant 0 : i32
    %ne3A_64 = vector.broadcast %ne3A_63 : i32 to vector<2048x256xi32>
    %ne3A_65 = arith.cmpi ne, %and3A_62, %ne3A_64 : vector<2048x256xi32>
    %slice3A_66 = vector.extract_strided_slice %select_n3A_59 {offsets = [128, 0], sizes = [1920, 256], strides = [1, 1]} : vector<2048x256xf32> to vector<1920x256xf32>
    %slice3A_67 = vector.extract_strided_slice %select_n3A_59 {offsets = [0, 0], sizes = [128, 256], strides = [1, 1]} : vector<2048x256xf32> to vector<128x256xf32>
    %concatenate3A_68 = tpu.concatenate %slice3A_66, %slice3A_67 in 0 : vector<1920x256xf32>, vector<128x256xf32> -> vector<2048x256xf32>
    %select_n3A_69 = arith.select %ne3A_65, %concatenate3A_68, %select_n3A_59 : vector<2048x256xi1>, vector<2048x256xf32>
    %iota3A_70 = tpu.iota {dimensions = array<i32: 0>} : vector<256x8xi32>
    %iota3A_71 = tpu.iota {dimensions = array<i32: 1>} : vector<256x8xi32>
    %jit3A = arith.constant 8 : i32
    %eq3A = arith.constant 0 : i32
    %eq3A_72 = arith.cmpi eq, %jit3A, %eq3A : i32
    %jit3A_73 = arith.constant 1 : i32
    %select_n3A_74 = arith.select %eq3A_72, %jit3A_73, %jit3A : i32
    %rem3A = vector.broadcast %select_n3A_74 : i32 to vector<256x8xi32>
    %rem3A_75 = arith.remsi %iota3A_70, %rem3A : vector<256x8xi32>
    %ne3A_76 = arith.constant 0 : i32
    %ne3A_77 = vector.broadcast %ne3A_76 : i32 to vector<256x8xi32>
    %ne3A_78 = arith.cmpi ne, %rem3A_75, %ne3A_77 : vector<256x8xi32>
    %lt3A = arith.constant 0 : i32
    %lt3A_79 = vector.broadcast %lt3A : i32 to vector<256x8xi32>
    %lt3A_80 = arith.cmpi slt, %rem3A_75, %lt3A_79 : vector<256x8xi32>
    %lt3A_81 = arith.constant 0 : i32
    %lt3A_82 = arith.cmpi slt, %select_n3A_74, %lt3A_81 : i32
    %ne3A_83 = vector.broadcast %lt3A_82 : i1 to vector<256x8xi1>
    %ne3A_84 = vector.broadcast %ne3A_83 : vector<256x8xi1> to vector<256x8xi1>
    %ne3A_85 = arith.xori %lt3A_80, %ne3A_84 : vector<256x8xi1>
    %and3A_86 = arith.andi %ne3A_85, %ne3A_78 : vector<256x8xi1>
    %add3A_87 = vector.broadcast %select_n3A_74 : i32 to vector<256x8xi32>
    %add3A_88 = arith.addi %rem3A_75, %add3A_87 : vector<256x8xi32>
    %select_n3A_89 = arith.select %and3A_86, %add3A_88, %rem3A_75 : vector<256x8xi1>, vector<256x8xi32>
    %eq3A_90 = arith.cmpi eq, %select_n3A_89, %iota3A_71 : vector<256x8xi32>
    %convert_element_type3A = arith.extui %eq3A_90 : vector<256x8xi1> to vector<256x8xi32>
    %convert_element_type3A_91 = arith.sitofp %convert_element_type3A : vector<256x8xi32> to vector<256x8xf32>
    %dot_general3A_92 = arith.constant dense<0.000000e+00> : vector<2048x8xf32>
    %dot_general3A_93 = tpu.matmul %select_n3A_69, %convert_element_type3A_91, %dot_general3A_92 {dimension_numbers = #tpu.dot_dimension_numbers<[1], [0], [0], [1], [0, 0, 1, 1], [], []>, transpose_lhs_hint = false} : vector<2048x256xf32>, vector<256x8xf32>, vector<2048x8xf32> -> vector<2048x8xf32>
    %iota3A_94 = tpu.iota {dimensions = array<i32: 1>} : vector<2048x8xi32>
    %and3A_95 = arith.constant 1 : i32
    %and3A_96 = vector.broadcast %and3A_95 : i32 to vector<2048x8xi32>
    %and3A_97 = arith.andi %iota3A_94, %and3A_96 : vector<2048x8xi32>
    %ne3A_98 = arith.constant 0 : i32
    %ne3A_99 = vector.broadcast %ne3A_98 : i32 to vector<2048x8xi32>
    %ne3A_100 = arith.cmpi ne, %and3A_97, %ne3A_99 : vector<2048x8xi32>
    %slice3A_101 = vector.extract_strided_slice %dot_general3A_93 {offsets = [1, 0], sizes = [2047, 8], strides = [1, 1]} : vector<2048x8xf32> to vector<2047x8xf32>
    %slice3A_102 = vector.extract_strided_slice %dot_general3A_93 {offsets = [0, 0], sizes = [1, 8], strides = [1, 1]} : vector<2048x8xf32> to vector<1x8xf32>
    %concatenate3A_103 = tpu.concatenate %slice3A_101, %slice3A_102 in 0 : vector<2047x8xf32>, vector<1x8xf32> -> vector<2048x8xf32>
    %select_n3A_104 = arith.select %ne3A_100, %concatenate3A_103, %dot_general3A_93 : vector<2048x8xi1>, vector<2048x8xf32>
    %and3A_105 = arith.constant 2 : i32
    %and3A_106 = vector.broadcast %and3A_105 : i32 to vector<2048x8xi32>
    %and3A_107 = arith.andi %iota3A_94, %and3A_106 : vector<2048x8xi32>
    %ne3A_108 = arith.constant 0 : i32
    %ne3A_109 = vector.broadcast %ne3A_108 : i32 to vector<2048x8xi32>
    %ne3A_110 = arith.cmpi ne, %and3A_107, %ne3A_109 : vector<2048x8xi32>
    %slice3A_111 = vector.extract_strided_slice %select_n3A_104 {offsets = [2, 0], sizes = [2046, 8], strides = [1, 1]} : vector<2048x8xf32> to vector<2046x8xf32>
    %slice3A_112 = vector.extract_strided_slice %select_n3A_104 {offsets = [0, 0], sizes = [2, 8], strides = [1, 1]} : vector<2048x8xf32> to vector<2x8xf32>
    %concatenate3A_113 = tpu.concatenate %slice3A_111, %slice3A_112 in 0 : vector<2046x8xf32>, vector<2x8xf32> -> vector<2048x8xf32>
    %select_n3A_114 = arith.select %ne3A_110, %concatenate3A_113, %select_n3A_104 : vector<2048x8xi1>, vector<2048x8xf32>
    %and3A_115 = arith.constant 4 : i32
    %and3A_116 = vector.broadcast %and3A_115 : i32 to vector<2048x8xi32>
    %and3A_117 = arith.andi %iota3A_94, %and3A_116 : vector<2048x8xi32>
    %ne3A_118 = arith.constant 0 : i32
    %ne3A_119 = vector.broadcast %ne3A_118 : i32 to vector<2048x8xi32>
    %ne3A_120 = arith.cmpi ne, %and3A_117, %ne3A_119 : vector<2048x8xi32>
    %slice3A_121 = vector.extract_strided_slice %select_n3A_114 {offsets = [4, 0], sizes = [2044, 8], strides = [1, 1]} : vector<2048x8xf32> to vector<2044x8xf32>
    %slice3A_122 = vector.extract_strided_slice %select_n3A_114 {offsets = [0, 0], sizes = [4, 8], strides = [1, 1]} : vector<2048x8xf32> to vector<4x8xf32>
    %concatenate3A_123 = tpu.concatenate %slice3A_121, %slice3A_122 in 0 : vector<2044x8xf32>, vector<4x8xf32> -> vector<2048x8xf32>
    %select_n3A_124 = arith.select %ne3A_120, %concatenate3A_123, %select_n3A_114 : vector<2048x8xi1>, vector<2048x8xf32>
    %reduce_sum3A = arith.constant dense<0.000000e+00> : vector<2048xf32>
    %reduce_sum3A_125 = vector.multi_reduction <add>, %select_n3A_124, %reduce_sum3A [1] : vector<2048x8xf32> to vector<2048xf32>
    %broadcast_in_dim3A = vector.shape_cast %reduce_sum3A_125 : vector<2048xf32> to vector<2048x1xf32>
    %mul3A = arith.constant 256 : i32
    %mul3A_126 = arith.muli %arg1, %mul3A : i32
    %sub3A = arith.constant 2048 : i32
    %sub3A_127 = arith.subi %sub3A, %mul3A_126 : i32
    %roll3A = tpu.dynamic_rotate %broadcast_in_dim3A by %sub3A_127 dim 0 : vector<2048x1xf32>, i32 -> vector<2048x1xf32>
    %mul3A_128 = arith.constant 9.765625E-4 : f32
    %mul3A_129 = vector.broadcast %mul3A_128 : f32 to vector<2048x1xf32>
    %mul3A_130 = arith.mulf %roll3A, %mul3A_129 : vector<2048x1xf32>
    %eq3A_131 = arith.constant 0 : i32
    %eq3A_132 = arith.cmpi eq, %arg1, %eq3A_131 : i32
    %convert_element_type3A_133 = arith.extui %eq3A_132 : i1 to i32
    %cond3A = arith.constant 0 : i32
    %cond3A_134 = arith.cmpi ne, %convert_element_type3A_133, %cond3A : i32
    scf.if %cond3A_134 {
      %swap3A = arith.constant 0 : index
      %swap3A_139 = arith.constant 0 : index
      %swap3A_140 = arith.constant 0 : index
      %swap3A_141 = vector.load %arg6[%swap3A, %swap3A_139, %swap3A_140] : memref<1x2048x1xf32, #tpu.memory_space<vmem>>, vector<1x2048x1xf32>
      %swap3A_142 = vector.shape_cast %swap3A_141 : vector<1x2048x1xf32> to vector<2048x1xf32>
      %swap3A_143 = vector.shape_cast %mul3A_130 : vector<2048x1xf32> to vector<1x2048x1xf32>
      tpu.vector_store %arg6[%swap3A, %swap3A_139, %swap3A_140], %swap3A_143 {strides = array<i32>} : memref<1x2048x1xf32, #tpu.memory_space<vmem>>, vector<1x2048x1xf32>,
    } else {
    }
    %gt3A = arith.constant 0 : i32
    %gt3A_135 = arith.cmpi sgt, %arg1, %gt3A : i32
    %convert_element_type3A_136 = arith.extui %gt3A_135 : i1 to i32
    %cond3A_137 = arith.constant 0 : i32
    %cond3A_138 = arith.cmpi ne, %convert_element_type3A_136, %cond3A_137 : i32
    scf.if %cond3A_138 {
      %get3A_139 = arith.constant 0 : index
      %get3A_140 = arith.constant 0 : index
      %get3A_141 = arith.constant 0 : index
      %get3A_142 = vector.load %arg6[%get3A_139, %get3A_140, %get3A_141] : memref<1x2048x1xf32, #tpu.memory_space<vmem>>, vector<1x2048x1xf32>
      %get3A_143 = vector.shape_cast %get3A_142 : vector<1x2048x1xf32> to vector<2048x1xf32>
      %add3A_144 = arith.addf %get3A_143, %mul3A_130 : vector<2048x1xf32>
      %swap3A = arith.constant 0 : index
      %swap3A_145 = arith.constant 0 : index
      %swap3A_146 = arith.constant 0 : index
      %swap3A_147 = vector.load %arg6[%swap3A, %swap3A_145, %swap3A_146] : memref<1x2048x1xf32, #tpu.memory_space<vmem>>, vector<1x2048x1xf32>
      %swap3A_148 = vector.shape_cast %swap3A_147 : vector<1x2048x1xf32> to vector<2048x1xf32>
      %swap3A_149 = vector.shape_cast %add3A_144 : vector<2048x1xf32> to vector<1x2048x1xf32>
      tpu.vector_store %arg6[%swap3A, %swap3A_145, %swap3A_146], %swap3A_149 {strides = array<i32>} : memref<1x2048x1xf32, #tpu.memory_space<vmem>>, vector<1x2048x1xf32>,
    } else {
    }
    return
  }
  func.func @transform_0(%arg0: i32, %arg1: i32) -> (i32, i32, i32) {
    %c0_i32 = arith.constant 0 : i32
    %c0_i32_0 = arith.constant 0 : i32
    %c0_i32_1 = arith.constant 0 : i32
    return %arg0, %c0_i32, %c0_i32_0 : i32, i32, i32
  }
  func.func @transform_1(%arg0: i32, %arg1: i32) -> (i32, i32, i32) {
    %c0_i32 = arith.constant 0 : i32
    %c0_i32_0 = arith.constant 0 : i32
    %c0_i32_1 = arith.constant 0 : i32
    return %arg0, %c0_i32, %c0_i32_0 : i32, i32, i32
  }
  func.func @transform_2(%arg0: i32, %arg1: i32) -> (i32, i32, i32) {
    %c0_i32 = arith.constant 0 : i32
    %c0_i32_0 = arith.constant 0 : i32
    return %arg0, %arg1, %c0_i32 : i32, i32, i32
  }
  func.func @transform_3(%arg0: i32, %arg1: i32) -> (i32, i32, i32) {
    %c0_i32 = arith.constant 0 : i32
    %c0_i32_0 = arith.constant 0 : i32
    return %arg0, %arg1, %c0_i32 : i32, i32, i32
  }
  func.func @transform_4(%arg0: i32, %arg1: i32) -> (i32, i32, i32) {
    %c0_i32 = arith.constant 0 : i32
    %c0_i32_0 = arith.constant 0 : i32
    %c0_i32_1 = arith.constant 0 : i32
    return %arg0, %c0_i32, %c0_i32_0 : i32, i32, i32
  }
}

module attributes {stable_mosaic.version = 14 : i64} {
  func.func @_agg_body(%arg0: i32, %arg1: memref<1x16xi32, #tpu.memory_space<smem>>, %arg2: memref<4x16xf32, #tpu.memory_space<smem>>, %arg3: memref<1x2048x1024xbf16, #tpu.memory_space<vmem>>, %arg4: memref<1x2048x1024xf32, #tpu.memory_space<vmem>>) attributes {dimension_semantics = [#tpu.dimension_semantics<arbitrary>], iteration_bounds = array<i64: 4>, scalar_prefetch = 0 : i64, scratch_operands = 0 : i64, tpu.core_type = #tpu.core_type<tc>, window_params = [{transform_indices = @transform_0, window_bounds = array<i64: 1, 16>}, {transform_indices = @transform_1, window_bounds = array<i64: 4, 16>}, {transform_indices = @transform_2, window_bounds = array<i64: 1, 2048, 1024>}, {transform_indices = @transform_3, window_bounds = array<i64: 1, 2048, 1024>}]} {
    %get3A = arith.constant 0 : index
    %get3A_0 = arith.constant 0 : index
    %get3A_1 = arith.constant 0 : index
    %get3A_2 = vector.load %arg3[%get3A, %get3A_0, %get3A_1] : memref<1x2048x1024xbf16, #tpu.memory_space<vmem>>, vector<1x2048x1024xbf16>
    %get3A_3 = vector.shape_cast %get3A_2 : vector<1x2048x1024xbf16> to vector<2048x1024xbf16>
    %get3A_4 = arith.index_cast %arg0 : i32 to index
    %get3A_5 = arith.constant 0 : index
    %get3A_6 = memref.load %arg2[%get3A_4, %get3A_5] : memref<4x16xf32, #tpu.memory_space<smem>>
    %get3A_7 = arith.constant 0 : index
    %get3A_8 = arith.constant 0 : index
    %get3A_9 = memref.load %arg1[%get3A_7, %get3A_8] : memref<1x16xi32, #tpu.memory_space<smem>>
    %sub3A = arith.constant 2048 : i32
    %sub3A_10 = arith.subi %sub3A, %get3A_9 : i32
    %roll3A = tpu.dynamic_rotate %get3A_3 by %sub3A_10 dim 0 : vector<2048x1024xbf16>, i32 -> vector<2048x1024xbf16>
    %convert_element_type3A = arith.extf %roll3A : vector<2048x1024xbf16> to vector<2048x1024xf32>
    %mul3A = vector.broadcast %get3A_6 : f32 to vector<2048x1024xf32>
    %mul3A_11 = arith.mulf %mul3A, %convert_element_type3A : vector<2048x1024xf32>
    %swap3A = arith.constant 0 : index
    %swap3A_12 = arith.constant 0 : index
    %swap3A_13 = arith.constant 0 : index
    %swap3A_14 = vector.load %arg4[%swap3A, %swap3A_12, %swap3A_13] : memref<1x2048x1024xf32, #tpu.memory_space<vmem>>, vector<1x2048x1024xf32>
    %swap3A_15 = vector.shape_cast %swap3A_14 : vector<1x2048x1024xf32> to vector<2048x1024xf32>
    %swap3A_16 = vector.shape_cast %mul3A_11 : vector<2048x1024xf32> to vector<1x2048x1024xf32>
    tpu.vector_store %arg4[%swap3A, %swap3A_12, %swap3A_13], %swap3A_16 {strides = array<i32>} : memref<1x2048x1024xf32, #tpu.memory_space<vmem>>, vector<1x2048x1024xf32>,
    %get3A_17 = arith.constant 0 : index
    %get3A_18 = arith.constant 0 : index
    %get3A_19 = arith.constant 0 : index
    %get3A_20 = vector.load %arg4[%get3A_17, %get3A_18, %get3A_19] : memref<1x2048x1024xf32, #tpu.memory_space<vmem>>, vector<1x2048x1024xf32>
    %get3A_21 = vector.shape_cast %get3A_20 : vector<1x2048x1024xf32> to vector<2048x1024xf32>
    %get3A_22 = arith.index_cast %arg0 : i32 to index
    %get3A_23 = arith.constant 1 : index
    %get3A_24 = memref.load %arg2[%get3A_22, %get3A_23] : memref<4x16xf32, #tpu.memory_space<smem>>
    %get3A_25 = arith.constant 0 : index
    %get3A_26 = arith.constant 1 : index
    %get3A_27 = memref.load %arg1[%get3A_25, %get3A_26] : memref<1x16xi32, #tpu.memory_space<smem>>
    %sub3A_28 = arith.constant 2048 : i32
    %sub3A_29 = arith.subi %sub3A_28, %get3A_27 : i32
    %roll3A_30 = tpu.dynamic_rotate %get3A_3 by %sub3A_29 dim 0 : vector<2048x1024xbf16>, i32 -> vector<2048x1024xbf16>
    %convert_element_type3A_31 = arith.extf %roll3A_30 : vector<2048x1024xbf16> to vector<2048x1024xf32>
    %mul3A_32 = vector.broadcast %get3A_24 : f32 to vector<2048x1024xf32>
    %mul3A_33 = arith.mulf %mul3A_32, %convert_element_type3A_31 : vector<2048x1024xf32>
    %add3A = arith.addf %get3A_21, %mul3A_33 : vector<2048x1024xf32>
    %swap3A_34 = arith.constant 0 : index
    %swap3A_35 = arith.constant 0 : index
    %swap3A_36 = arith.constant 0 : index
    %swap3A_37 = vector.load %arg4[%swap3A_34, %swap3A_35, %swap3A_36] : memref<1x2048x1024xf32, #tpu.memory_space<vmem>>, vector<1x2048x1024xf32>
    %swap3A_38 = vector.shape_cast %swap3A_37 : vector<1x2048x1024xf32> to vector<2048x1024xf32>
    %swap3A_39 = vector.shape_cast %add3A : vector<2048x1024xf32> to vector<1x2048x1024xf32>
    tpu.vector_store %arg4[%swap3A_34, %swap3A_35, %swap3A_36], %swap3A_39 {strides = array<i32>} : memref<1x2048x1024xf32, #tpu.memory_space<vmem>>, vector<1x2048x1024xf32>,
    %get3A_40 = arith.constant 0 : index
    %get3A_41 = arith.constant 0 : index
    %get3A_42 = arith.constant 0 : index
    %get3A_43 = vector.load %arg4[%get3A_40, %get3A_41, %get3A_42] : memref<1x2048x1024xf32, #tpu.memory_space<vmem>>, vector<1x2048x1024xf32>
    %get3A_44 = vector.shape_cast %get3A_43 : vector<1x2048x1024xf32> to vector<2048x1024xf32>
    %get3A_45 = arith.index_cast %arg0 : i32 to index
    %get3A_46 = arith.constant 2 : index
    %get3A_47 = memref.load %arg2[%get3A_45, %get3A_46] : memref<4x16xf32, #tpu.memory_space<smem>>
    %get3A_48 = arith.constant 0 : index
    %get3A_49 = arith.constant 2 : index
    %get3A_50 = memref.load %arg1[%get3A_48, %get3A_49] : memref<1x16xi32, #tpu.memory_space<smem>>
    %sub3A_51 = arith.constant 2048 : i32
    %sub3A_52 = arith.subi %sub3A_51, %get3A_50 : i32
    %roll3A_53 = tpu.dynamic_rotate %get3A_3 by %sub3A_52 dim 0 : vector<2048x1024xbf16>, i32 -> vector<2048x1024xbf16>
    %convert_element_type3A_54 = arith.extf %roll3A_53 : vector<2048x1024xbf16> to vector<2048x1024xf32>
    %mul3A_55 = vector.broadcast %get3A_47 : f32 to vector<2048x1024xf32>
    %mul3A_56 = arith.mulf %mul3A_55, %convert_element_type3A_54 : vector<2048x1024xf32>
    %add3A_57 = arith.addf %get3A_44, %mul3A_56 : vector<2048x1024xf32>
    %swap3A_58 = arith.constant 0 : index
    %swap3A_59 = arith.constant 0 : index
    %swap3A_60 = arith.constant 0 : index
    %swap3A_61 = vector.load %arg4[%swap3A_58, %swap3A_59, %swap3A_60] : memref<1x2048x1024xf32, #tpu.memory_space<vmem>>, vector<1x2048x1024xf32>
    %swap3A_62 = vector.shape_cast %swap3A_61 : vector<1x2048x1024xf32> to vector<2048x1024xf32>
    %swap3A_63 = vector.shape_cast %add3A_57 : vector<2048x1024xf32> to vector<1x2048x1024xf32>
    tpu.vector_store %arg4[%swap3A_58, %swap3A_59, %swap3A_60], %swap3A_63 {strides = array<i32>} : memref<1x2048x1024xf32, #tpu.memory_space<vmem>>, vector<1x2048x1024xf32>,
    %get3A_64 = arith.constant 0 : index
    %get3A_65 = arith.constant 0 : index
    %get3A_66 = arith.constant 0 : index
    %get3A_67 = vector.load %arg4[%get3A_64, %get3A_65, %get3A_66] : memref<1x2048x1024xf32, #tpu.memory_space<vmem>>, vector<1x2048x1024xf32>
    %get3A_68 = vector.shape_cast %get3A_67 : vector<1x2048x1024xf32> to vector<2048x1024xf32>
    %get3A_69 = arith.index_cast %arg0 : i32 to index
    %get3A_70 = arith.constant 3 : index
    %get3A_71 = memref.load %arg2[%get3A_69, %get3A_70] : memref<4x16xf32, #tpu.memory_space<smem>>
    %get3A_72 = arith.constant 0 : index
    %get3A_73 = arith.constant 3 : index
    %get3A_74 = memref.load %arg1[%get3A_72, %get3A_73] : memref<1x16xi32, #tpu.memory_space<smem>>
    %sub3A_75 = arith.constant 2048 : i32
    %sub3A_76 = arith.subi %sub3A_75, %get3A_74 : i32
    %roll3A_77 = tpu.dynamic_rotate %get3A_3 by %sub3A_76 dim 0 : vector<2048x1024xbf16>, i32 -> vector<2048x1024xbf16>
    %convert_element_type3A_78 = arith.extf %roll3A_77 : vector<2048x1024xbf16> to vector<2048x1024xf32>
    %mul3A_79 = vector.broadcast %get3A_71 : f32 to vector<2048x1024xf32>
    %mul3A_80 = arith.mulf %mul3A_79, %convert_element_type3A_78 : vector<2048x1024xf32>
    %add3A_81 = arith.addf %get3A_68, %mul3A_80 : vector<2048x1024xf32>
    %swap3A_82 = arith.constant 0 : index
    %swap3A_83 = arith.constant 0 : index
    %swap3A_84 = arith.constant 0 : index
    %swap3A_85 = vector.load %arg4[%swap3A_82, %swap3A_83, %swap3A_84] : memref<1x2048x1024xf32, #tpu.memory_space<vmem>>, vector<1x2048x1024xf32>
    %swap3A_86 = vector.shape_cast %swap3A_85 : vector<1x2048x1024xf32> to vector<2048x1024xf32>
    %swap3A_87 = vector.shape_cast %add3A_81 : vector<2048x1024xf32> to vector<1x2048x1024xf32>
    tpu.vector_store %arg4[%swap3A_82, %swap3A_83, %swap3A_84], %swap3A_87 {strides = array<i32>} : memref<1x2048x1024xf32, #tpu.memory_space<vmem>>, vector<1x2048x1024xf32>,
    %get3A_88 = arith.constant 0 : index
    %get3A_89 = arith.constant 0 : index
    %get3A_90 = arith.constant 0 : index
    %get3A_91 = vector.load %arg4[%get3A_88, %get3A_89, %get3A_90] : memref<1x2048x1024xf32, #tpu.memory_space<vmem>>, vector<1x2048x1024xf32>
    %get3A_92 = vector.shape_cast %get3A_91 : vector<1x2048x1024xf32> to vector<2048x1024xf32>
    %get3A_93 = arith.index_cast %arg0 : i32 to index
    %get3A_94 = arith.constant 4 : index
    %get3A_95 = memref.load %arg2[%get3A_93, %get3A_94] : memref<4x16xf32, #tpu.memory_space<smem>>
    %get3A_96 = arith.constant 0 : index
    %get3A_97 = arith.constant 4 : index
    %get3A_98 = memref.load %arg1[%get3A_96, %get3A_97] : memref<1x16xi32, #tpu.memory_space<smem>>
    %sub3A_99 = arith.constant 2048 : i32
    %sub3A_100 = arith.subi %sub3A_99, %get3A_98 : i32
    %roll3A_101 = tpu.dynamic_rotate %get3A_3 by %sub3A_100 dim 0 : vector<2048x1024xbf16>, i32 -> vector<2048x1024xbf16>
    %convert_element_type3A_102 = arith.extf %roll3A_101 : vector<2048x1024xbf16> to vector<2048x1024xf32>
    %mul3A_103 = vector.broadcast %get3A_95 : f32 to vector<2048x1024xf32>
    %mul3A_104 = arith.mulf %mul3A_103, %convert_element_type3A_102 : vector<2048x1024xf32>
    %add3A_105 = arith.addf %get3A_92, %mul3A_104 : vector<2048x1024xf32>
    %swap3A_106 = arith.constant 0 : index
    %swap3A_107 = arith.constant 0 : index
    %swap3A_108 = arith.constant 0 : index
    %swap3A_109 = vector.load %arg4[%swap3A_106, %swap3A_107, %swap3A_108] : memref<1x2048x1024xf32, #tpu.memory_space<vmem>>, vector<1x2048x1024xf32>
    %swap3A_110 = vector.shape_cast %swap3A_109 : vector<1x2048x1024xf32> to vector<2048x1024xf32>
    %swap3A_111 = vector.shape_cast %add3A_105 : vector<2048x1024xf32> to vector<1x2048x1024xf32>
    tpu.vector_store %arg4[%swap3A_106, %swap3A_107, %swap3A_108], %swap3A_111 {strides = array<i32>} : memref<1x2048x1024xf32, #tpu.memory_space<vmem>>, vector<1x2048x1024xf32>,
    %get3A_112 = arith.constant 0 : index
    %get3A_113 = arith.constant 0 : index
    %get3A_114 = arith.constant 0 : index
    %get3A_115 = vector.load %arg4[%get3A_112, %get3A_113, %get3A_114] : memref<1x2048x1024xf32, #tpu.memory_space<vmem>>, vector<1x2048x1024xf32>
    %get3A_116 = vector.shape_cast %get3A_115 : vector<1x2048x1024xf32> to vector<2048x1024xf32>
    %get3A_117 = arith.index_cast %arg0 : i32 to index
    %get3A_118 = arith.constant 5 : index
    %get3A_119 = memref.load %arg2[%get3A_117, %get3A_118] : memref<4x16xf32, #tpu.memory_space<smem>>
    %get3A_120 = arith.constant 0 : index
    %get3A_121 = arith.constant 5 : index
    %get3A_122 = memref.load %arg1[%get3A_120, %get3A_121] : memref<1x16xi32, #tpu.memory_space<smem>>
    %sub3A_123 = arith.constant 2048 : i32
    %sub3A_124 = arith.subi %sub3A_123, %get3A_122 : i32
    %roll3A_125 = tpu.dynamic_rotate %get3A_3 by %sub3A_124 dim 0 : vector<2048x1024xbf16>, i32 -> vector<2048x1024xbf16>
    %convert_element_type3A_126 = arith.extf %roll3A_125 : vector<2048x1024xbf16> to vector<2048x1024xf32>
    %mul3A_127 = vector.broadcast %get3A_119 : f32 to vector<2048x1024xf32>
    %mul3A_128 = arith.mulf %mul3A_127, %convert_element_type3A_126 : vector<2048x1024xf32>
    %add3A_129 = arith.addf %get3A_116, %mul3A_128 : vector<2048x1024xf32>
    %swap3A_130 = arith.constant 0 : index
    %swap3A_131 = arith.constant 0 : index
    %swap3A_132 = arith.constant 0 : index
    %swap3A_133 = vector.load %arg4[%swap3A_130, %swap3A_131, %swap3A_132] : memref<1x2048x1024xf32, #tpu.memory_space<vmem>>, vector<1x2048x1024xf32>
    %swap3A_134 = vector.shape_cast %swap3A_133 : vector<1x2048x1024xf32> to vector<2048x1024xf32>
    %swap3A_135 = vector.shape_cast %add3A_129 : vector<2048x1024xf32> to vector<1x2048x1024xf32>
    tpu.vector_store %arg4[%swap3A_130, %swap3A_131, %swap3A_132], %swap3A_135 {strides = array<i32>} : memref<1x2048x1024xf32, #tpu.memory_space<vmem>>, vector<1x2048x1024xf32>,
    %get3A_136 = arith.constant 0 : index
    %get3A_137 = arith.constant 0 : index
    %get3A_138 = arith.constant 0 : index
    %get3A_139 = vector.load %arg4[%get3A_136, %get3A_137, %get3A_138] : memref<1x2048x1024xf32, #tpu.memory_space<vmem>>, vector<1x2048x1024xf32>
    %get3A_140 = vector.shape_cast %get3A_139 : vector<1x2048x1024xf32> to vector<2048x1024xf32>
    %get3A_141 = arith.index_cast %arg0 : i32 to index
    %get3A_142 = arith.constant 6 : index
    %get3A_143 = memref.load %arg2[%get3A_141, %get3A_142] : memref<4x16xf32, #tpu.memory_space<smem>>
    %get3A_144 = arith.constant 0 : index
    %get3A_145 = arith.constant 6 : index
    %get3A_146 = memref.load %arg1[%get3A_144, %get3A_145] : memref<1x16xi32, #tpu.memory_space<smem>>
    %sub3A_147 = arith.constant 2048 : i32
    %sub3A_148 = arith.subi %sub3A_147, %get3A_146 : i32
    %roll3A_149 = tpu.dynamic_rotate %get3A_3 by %sub3A_148 dim 0 : vector<2048x1024xbf16>, i32 -> vector<2048x1024xbf16>
    %convert_element_type3A_150 = arith.extf %roll3A_149 : vector<2048x1024xbf16> to vector<2048x1024xf32>
    %mul3A_151 = vector.broadcast %get3A_143 : f32 to vector<2048x1024xf32>
    %mul3A_152 = arith.mulf %mul3A_151, %convert_element_type3A_150 : vector<2048x1024xf32>
    %add3A_153 = arith.addf %get3A_140, %mul3A_152 : vector<2048x1024xf32>
    %swap3A_154 = arith.constant 0 : index
    %swap3A_155 = arith.constant 0 : index
    %swap3A_156 = arith.constant 0 : index
    %swap3A_157 = vector.load %arg4[%swap3A_154, %swap3A_155, %swap3A_156] : memref<1x2048x1024xf32, #tpu.memory_space<vmem>>, vector<1x2048x1024xf32>
    %swap3A_158 = vector.shape_cast %swap3A_157 : vector<1x2048x1024xf32> to vector<2048x1024xf32>
    %swap3A_159 = vector.shape_cast %add3A_153 : vector<2048x1024xf32> to vector<1x2048x1024xf32>
    tpu.vector_store %arg4[%swap3A_154, %swap3A_155, %swap3A_156], %swap3A_159 {strides = array<i32>} : memref<1x2048x1024xf32, #tpu.memory_space<vmem>>, vector<1x2048x1024xf32>,
    return
  }
  func.func @transform_0(%arg0: i32) -> (i32, i32) {
    %c0_i32 = arith.constant 0 : i32
    %c0_i32_0 = arith.constant 0 : i32
    %c0_i32_1 = arith.constant 0 : i32
    return %c0_i32, %c0_i32_0 : i32, i32
  }
  func.func @transform_1(%arg0: i32) -> (i32, i32) {
    %c0_i32 = arith.constant 0 : i32
    %c0_i32_0 = arith.constant 0 : i32
    %c0_i32_1 = arith.constant 0 : i32
    return %c0_i32, %c0_i32_0 : i32, i32
  }
  func.func @transform_2(%arg0: i32) -> (i32, i32, i32) {
    %c0_i32 = arith.constant 0 : i32
    %c0_i32_0 = arith.constant 0 : i32
    %c0_i32_1 = arith.constant 0 : i32
    return %arg0, %c0_i32, %c0_i32_0 : i32, i32, i32
  }
  func.func @transform_3(%arg0: i32) -> (i32, i32, i32) {
    %c0_i32 = arith.constant 0 : i32
    %c0_i32_0 = arith.constant 0 : i32
    %c0_i32_1 = arith.constant 0 : i32
    return %arg0, %c0_i32, %c0_i32_0 : i32, i32, i32
  }
}

</mosaic_0001>

<sc_bundles>
// kernel: kernel.7.cloned.1.call-start
scs
__scs_entry_jumppad:
0x0: {  	(pc) =	sbr.rel $0x88, $3  }
0x1: {  	(tag) =	ssettag $0x0;
	lr =	simm.s32 $0x1  }
0x2: {  	[smem:$0x3F98] =	sst lr;
	_ =	strace $0xD0000000  }
0x3: {  	_ = 	snop  }
0x4: {  	_ = 	snop  }
0x5: {  	_ = 	snop  }
0x6: {  	_ = 	snop  }
0x7: {  	_ = 	snop  }
__scs_overlays_trampoline_lowered:
0x8: {  	[smem:$0x3FA7] =	sst s0  }
0x9: {  	[smem:$0x3FA8] =	sst s1  }
0xa: {  	[smem:$0x3FA9] =	sst s2  }
0xb: {  	[smem:$0x3FAA] =	sst s3  }
0xc: {  	[smem:$0x3FAB] =	sst s4  }
0xd: {  	[smem:$0x3FAC] =	sst s5  }
0xe: {  	[smem:$0x3FAD] =	sst s6  }
0xf: {  	[smem:$0x3FAE] =	sst s7  }
0x10: {  	[smem:$0x3FAF] =	sst s8  }
0x11: {  	[smem:$0x3FB0] =	sst s9;
	s0 =	simm.s32 @!p0 $0x0  }
0x12: {  	s1 =	sld [smem:$0x3F96];
	s0 =	simm.s32 @p0 $0x1  }
0x13: {  	[smem:$0x3FB1] =	sst s0;
	s0 =	simm.s32 @!p1 $0x0  }
0x14: {  	s2 =	sld [smem:$0x3F95];
	s0 =	simm.s32 @p1 $0x1  }
0x15: {  	[smem:$0x3FB2] =	sst s0;
	s0 =	simm.s32 @!p2 $0x0  }
0x16: {  	s3 =	sld [smem:$0x3FDB];
	s0 =	simm.s32 @p2 $0x1  }
0x17: {  	s4 =	simm.s32 $0x1BF5;
	[smem:$0x3FB4] =	sst s0  }
0x18: {  	s0 =	sld [smem:$0x3F97];
	_ =	swait.ge [sflag:s4], $0x0  }
0x19: {  	s7 =	sld [smem:$0x3F98]  }
0x1a: {  	s8 =	sadd.s32 $0xFFFFE003, lr  }
0x1b: {  	s9 =	sadd.s32 $0xFFFFFEF7, lr;
	s5 =	simm.s32 $0xFFFFFFFF;
	p2 =	slt.u32 s8, $0xFFFFF086  }
0x1c: {  	p1 =	slt.u32 s9, $0xF7A;
	s5 =	simm.s32 @!p2 $0x0  }
0x1d: {  	s5 =	simm.s32 @p1 $0x1;
	p0 =	seq.s32 s7, s2  }
0x1e: {  	s7 =	smul.u32 @!p0 $0xF7A, s2;
	p2 =	seq.s32 @!p0 s5, $0x0  }
0x1f: {  	s9 =	smul.u32 $0xF7A, s1;
	s8 =	simm.s32 @!p0 $0x1BF5;
	p2 =	por !p2, p0  }
0x20: {  	[sflag:s8] =	ssyncset.s32 @!p0 $0xFFFFF086;
	s6 =	sadd.s32 @!p0 s3, s7;
	s7 =	simm.s32 @!p0 $0x108  }
0x21: {  	s3 =	sadd.s32 s3, s9;
	s6 =	sadd.s32 @!p0 $0x88, s6;
	s7 =	simm.s32 @p2 $0x1082  }
0x22: {  	[simem:s7], [sflag:s8] =	dma.local @!p0 [hbm:s6], $0xF7A  }
0x23: {  	s9 =	sor.u32 $0xD0000000, s2;
	s6 =	simm.s32 $0x108;
	_ =	swait.ge @!p0 [sflag:s8], $0x0  }
0x24: {  	s3 =	sadd.s32 $0x88, s3;
	s6 =	simm.s32 @!p1 $0x1082;
	[sflag:s4] =	ssyncset.s32 $0xFFFFF086  }
0x25: {  	[simem:s6], [sflag:s4] =	dma.local [hbm:s3], $0xF7A  }
0x26: {  	[smem:$0x3F98] =	sst s1;
	(tag) =	ssettag s2;
	_ =	strace s9  }
0x27: {  	s1 =	sld [smem:$0x3FA8]  }
0x28: {  	s2 =	sld [smem:$0x3FA9]  }
0x29: {  	s4 =	sld [smem:$0x3FAB]  }
0x2a: {  	p0 =	seq.s32 s5, $0x0;
	s5 =	sld [smem:$0x3FAC]  }
0x2b: {  	s6 =	sld [smem:$0x3FAD]  }
0x2c: {  	s7 =	sld [smem:$0x3FAE]  }
0x2d: {  	s3 =	simm.s32 $0x108;
	s8 =	sld [smem:$0x3FAF]  }
0x2e: {  	s3 =	simm.s32 @!p0 $0x1082;
	s9 =	sld [smem:$0x3FB0]  }
0x2f: {  	lr =	sadd.s32 s0, s3;
	s0 =	sld [smem:$0x3FA7]  }
0x30: {  	s3 =	sld [smem:$0x3FAA]  }
0x31: {  	[smem:$0x3FB3] =	sst s10  }
0x32: {  	s10 =	sld [smem:$0x3FB1];
	_ =	sdelay $0x3  }
0x33: {  	p0 =	seq.s32 s10, $0x1;
	s10 =	sld [smem:$0x3FB3];
	_ =	sdelay $0x3  }
0x34: {  	[smem:$0x3FB3] =	sst s10  }
0x35: {  	s10 =	sld [smem:$0x3FB2];
	_ =	sdelay $0x3  }
0x36: {  	p1 =	seq.s32 s10, $0x1;
	s10 =	sld [smem:$0x3FB3];
	_ =	sdelay $0x3  }
0x37: {  	[smem:$0x3FB3] =	sst s10  }
0x38: {  	s10 =	sld [smem:$0x3FB4]  }
0x39: {  	_ = 	snop;
	(pc) =	sbr.ind lr, $3  }
0x3a: {  	_ = 	snop  }
0x3b: {  	_ = 	snop  }
0x3c: {  	p2 =	seq.s32 s10, $0x1;
	s10 =	sld [smem:$0x3FB3]  }
0x3d: {  	_ =	shalt  }
0x3e: {  	_ =	shalt  }
0x3f: {  	_ =	shalt  }
0x40: {  	_ =	shalt  }
0x41: {  	_ =	shalt  }
0x42: {  	_ =	shalt  }
0x43: {  	_ =	shalt  }
0x44: {  	_ =	shalt  }
0x45: {  	_ =	shalt  }
0x46: {  	_ =	shalt  }
0x47: {  	_ =	shalt  }
0x48: {  	_ =	shalt  }
0x49: {  	_ =	shalt  }
0x4a: {  	_ =	shalt  }
0x4b: {  	_ =	shalt  }
0x4c: {  	_ =	shalt  }
0x4d: {  	_ =	shalt  }
0x4e: {  	_ =	shalt  }
0x4f: {  	_ =	shalt  }
0x50: {  	_ =	shalt  }
0x51: {  	_ =	shalt  }
0x52: {  	_ =	shalt  }
0x53: {  	_ =	shalt  }
0x54: {  	_ =	shalt  }
0x55: {  	_ =	shalt  }
0x56: {  	_ =	shalt  }
0x57: {  	_ =	shalt  }
0x58: {  	_ =	shalt  }
0x59: {  	_ =	shalt  }
0x5a: {  	_ =	shalt  }
0x5b: {  	_ =	shalt  }
0x5c: {  	_ =	shalt  }
0x5d: {  	_ =	shalt  }
0x5e: {  	_ =	shalt  }
0x5f: {  	_ =	shalt  }
0x60: {  	_ =	shalt  }
0x61: {  	_ =	shalt  }
0x62: {  	_ =	shalt  }
0x63: {  	_ =	shalt  }
0x64: {  	_ =	shalt  }
0x65: {  	_ =	shalt  }
0x66: {  	_ =	shalt  }
0x67: {  	_ =	shalt  }
0x68: {  	_ =	shalt  }
0x69: {  	_ =	shalt  }
0x6a: {  	_ =	shalt  }
0x6b: {  	_ =	shalt  }
0x6c: {  	_ =	shalt  }
0x6d: {  	_ =	shalt  }
0x6e: {  	_ =	shalt  }
0x6f: {  	_ =	shalt  }
0x70: {  	_ =	shalt  }
0x71: {  	_ =	shalt  }
0x72: {  	_ =	shalt  }
0x73: {  	_ =	shalt  }
0x74: {  	_ =	shalt  }
0x75: {  	_ =	shalt  }
0x76: {  	_ =	shalt  }
0x77: {  	_ =	shalt  }
0x78: {  	_ =	shalt  }
0x79: {  	_ =	shalt  }
0x7a: {  	_ =	shalt  }
0x7b: {  	_ =	shalt  }
0x7c: {  	_ =	shalt  }
0x7d: {  	_ =	shalt  }
0x7e: {  	_ =	shalt  }
0x7f: {  	_ =	shalt  }
0x80: {  	_ =	shalt  }
0x81: {  	_ =	shalt  }
0x82: {  	_ =	shalt  }
0x83: {  	_ =	shalt  }
0x84: {  	_ =	shalt  }
0x85: {  	_ =	shalt  }
0x86: {  	_ =	shalt  }
0x87: {  	_ =	shalt  }
.Lfunc_end0:
.L_simem_size_0:
called_computation_lowered:
.L_overlay_start_0:
0x88: {  	s2 =	sld [smem:$0x3FD9]  }
0x89: {  	s3 =	sld [smem:$0x3FFE];
	_ =	sdelay $0x1  }
0x8a: {  	s1 =	srdreg.scid  }
0x8b: {  	s0 =	sand.u32 $0x1, s1  }
0x8c: {  	s17 =	sshll.u32 s0, $0xA;
	s2 =	sadd.s32 s3, s2  }
0x8d: {  	s2 =	sadd.s32 s2, s17  }
0x8e: {  	[smem:$0x3FBF] =	sst s2  }
0x8f: {  	_ = 	snop  }
0x90: {  	s2 =	sld [smem:$0x3FD0];
	(tm) =	ssettm $0x1  }
0x91: {  	s18 =	sld [smem:$0x3FFB];
	_ =	sdelay $0x3  }
0x92: {  	_ =	strace s18  }
0x93: {  	s3 =	sld [smem:$0x3FFC];
	_ =	sdelay $0x3  }
0x94: {  	_ =	strace s3  }
0x95: {  	s3 =	sld [smem:$0x3FFD];
	_ =	sdelay $0x3  }
0x96: {  	_ =	strace s3  }
0x97: {  	_ =	strace $0x8FFFFFFF  }
0x98: {  	s19 =	sld [smem:$0x3FDB];
	_ =	sdelay $0x1  }
0x99: {  	s4 =	simm.s32 $_scs_section_size  }
0x9a: {  	s5 =	simm.s32 $_size__tile_overlayer_lowered;
	s6 =	simm.s32 $_tile_overlayer_lowered  }
0x9b: {  	s22 =	simm.s32 $0x1BFF;
	s21 =	sshll.u32 s6, $0x1;
	s3 =	sadd.s32 s4, s19  }
0x9c: {  	s7 =	simm.s32 $0x0;
	s20 =	sshll.u32 s5, $0x1;
	s5 =	sadd.s32 s21, s3  }
0x9d: {  	[timem:s7], [sflag:s22] =	dma.local [hbm:s5], s20  }
0x9e: {  	_ =	swait.ge [sflag:s22], s20  }
0x9f: {  	s4 =	ssub.s32 $0x0, s20;
	[sflag:s22] =	ssyncset.done $0x0  }
0xa0: {  	[sflag:s22] =	ssyncadd.s32 s4;
	_ =	sdelay $0x1  }
0xa1: {  	s23 =	simm.s32 $0x1B8B  }
0xa2: {  	_ =	swait.ge [sflag:s23], $0x1  }
0xa3: {  	[sflag:s23] =	ssyncset.done $0x0  }
0xa4: {  	s25 =	simm.s32 $0x1B8E;
	s24 =	sld [smem:$0x3FFE];
	[sflag:s23] =	ssyncadd.s32 $0xFFFFFFFF  }
0xa5: {  	s26 =	simm.s32 $execute0_lowered;
	[smem:$0x3FD2] =	sst s25  }
0xa6: {  	s5 =	sshll.u32 s26, $0x1;
	_ =	strace $0x80000046;
	[dreg:$0x1] =	wrdreg $0xFFFFFFFF  }
0xa7: {  	s28 =	simm.s32 $_size_execute0_lowered;
	s3 =	sadd.s32 s3, s5;
	[dreg:$0x0] =	wrdreg $0x0  }
0xa8: {  	s5 =	sshll.u32 s28, $0x1;
	[dreg:$0x2] =	wrdreg s3  }
0xa9: {  	[dreg:$0x3] =	wrdreg s5  }
0xaa: {  	[dreg:$0x4] =	wrdreg $0xC0  }
0xab: {  	_ =	task [dreg:s7], $0x5FFFF  }
0xac: {  	[dreg:$0x1] =	wrdreg $0xFFFFFFFF  }
0xad: {  	[dreg:$0x0] =	wrdreg $0x60  }
0xae: {  	[dreg:$0x2] =	wrdreg s2  }
0xaf: {  	[dreg:$0x3] =	wrdreg s24  }
0xb0: {  	[dreg:$0x4] =	wrdreg $0x9  }
0xb1: {  	_ =	task.clear_ibuf [dreg:s7], $0x5FFFF;
	_ =	strace $0x90000046  }
0xb2: {  	s29 =	simm.s32 $0x9;
	_ =	strace $0x80000048  }
0xb3: {  	_ =	swait.ge [sflag:s29], $0x1  }
0xb4: {  	[sflag:s29] =	ssyncadd.s32 $0xFFFFFFFF  }
0xb5: {  	_ =	strace $0x90000048  }
0xb6: {  	_ =	sfence  }
0xb7: {  	s30 =	sld [smem:$0x0];
	_ =	sdelay $0x2  }
0xb8: {  	s31 =	sshll.u32 s1, $0xD;
	s1 =	sshrl.u32 s1, $0x2  }
0xb9: {  	s3 =	sand.u32 $0x4000, s31;
	s1 =	sadd.s32 s1, s30  }
0xba: {  	s0 =	sor.u32 s3, s0;
	s1 =	sshll.u32 s1, $0x11  }
0xbb: {  	s0 =	sor.u32 s1, s0  }
0xbc: {  	s0 =	sadd.s32 $0x8F2B, s0  }
0xbd: {  	[sflag:s0] =	ssyncadd.remote.s32 $0x1  }
0xbe: {  	_ =	sfence.sel $0xFFFF  }
0xbf: {  	[dreg:$0x0] =	wrdreg $0xFFFFFFFF;
	(pc) =	sbr.abs _section_cstart, $3  }
0xc0: {  	[dreg:$0x1] =	wrdreg $0xFFFFFFFF  }
0xc1: {  	_ =	task.clear_ibuf [dreg:s7], $0x2FFFF;
	_ =	strace $0x9FFFFFFF  }
0xc2: {  	(tm) =	ssettm $0x7FFFFFFF  }
0xc3: {  	_ =	shalt  }
tec
execute0_lowered:
.L_overlay_start_1:
0x0: {  	(tag) =	ssettag $0x1  }
0x1: {  	s0 =	srdreg.scid  }
0x2: {  	s3 =	sand.u32 $0x1, s0;
	s0 =	stileid.u32  }
0x3: {  	s5 =	sor.u32 s0, s3  }
0x4: {  	p0 =	sne.s32 s5, $0x0  }
.Ltmp0:
0x5: {  	_ = 	snop;
	(pc) =	sbr.rel @p0 .LBB2_19-.Ltmp0, $4  }
0x6: {  	_ = 	snop  }
0x7: {  	s2 =	rddreg [dreg:$0x0]  }
0x8: {  	s4 =	rddreg [dreg:$0x1]  }
0x9: {  	s1 =	rddreg [dreg:$0x2];
	_ =	strace $0x80000047  }
0xa: {  	v0 =	vimm.s32 $0xEFCDAB89;
	v1 =	vimm.s32 $0x67452301;
	v2 =	vimm.s32 $0xDCFE98BA  }
0xb: {  	v3 =	vimm.s32 $0x54761032;
	v4 =	vimm.s32 $0xBA98FEDC;
	v5 =	vimm.s32 $0x32107654  }
0xc: {  	v6 =	vimm.s32 $0xFEDCBA98;
	v7 =	vimm.s32 $0x76543210;
	vm0 =	vcmask $0x31C  }
0xd: {  	vm1 =	vcmask $0x71C;
	vm2 =	vcmask $0xB1C;
	vm3 =	vcmask $0xF1C  }
0xe: {  	vm4 =	vcmask $0x131C;
	vm5 =	vcmask $0x171C;
	vm8 =	vmmov $0x3  }
0xf: {  	vm9 =	vmmov $0x7;
	vm11 =	vmmov $0xf;
	vm12 =	vmmov $0x1f  }
0x10: {  	vm13 =	vmmov $0x3f;
	v0 =	vunpack.c.l.s4.s8 v0;
	v1 =	vunpack.c.l.s4.s8 v1  }
0x11: {  	v2 =	vunpack.c.l.s4.s8 v2;
	v3 =	vunpack.c.l.s4.s8 v3;
	v4 =	vunpack.c.l.s4.s8 v4  }
0x12: {  	v5 =	vunpack.c.l.s4.s8 v5;
	v6 =	vunpack.c.l.s4.s8 v6;
	v7 =	vunpack.c.l.s4.s8 v7  }
0x13: {  	v0 =	vunpack.c.0.s8.s32 v0;
	v1 =	vunpack.c.0.s8.s32 v1;
	v2 =	vunpack.c.0.s8.s32 v2  }
0x14: {  	v3 =	vunpack.c.0.s8.s32 v3;
	v4 =	vunpack.c.0.s8.s32 v4;
	v5 =	vunpack.c.0.s8.s32 v5  }
0x15: {  	s5 =	ssub.s32 $0x2, s3;
	vm7 =	vmmov $0x7f;
	v6 =	vunpack.c.0.s8.s32 v6;
	v1 =	vcombine.low v1, v0  }
0x16: {  	s3 =	sadd.s32 $0x1C00, s4;
	s4 =	sadd.s32 $0x1A00, s4;
	s7 =	simm.s32 $0x1;
	v2 =	vcombine.low v3, v2;
	v3 =	vcombine.low v5, v4;
	v4 =	vunpack.c.0.s8.s32 v7  }
0x17: {  	s8 =	simm.s32 $0x2800;
	s9 =	simm.s32 $0x2880;
	s6 =	sshrl.u32 s5, $0x1;
	v0 =	vlaneseq.u32;
	v5 =	vand.u32 $0xF, v6;
	v1 =	vand.u32 $0xF, v1  }
0x18: {  	s10 =	simm.s32 $0x0;
	s5 =	ssub.s32 s5, s6;
	s6 =	simm.s32 $0x0;
	v2 =	vand.u32 $0xF, v2;
	v3 =	vand.u32 $0xF, v3;
	v4 =	vcombine.low v5, v4  }
.LBB2_2:
0x19: {  	[tilespmem:s6], [sflag:$0x1] =	stream.linear.gather [hbm4b:s2+s6], $0x2000, $0x38;
	[tilespmem:$0x2A80] =	vst v63  }
0x1a: {  	s11 =	sand.u32 $0x70, s6;
	s12 =	sand.u32 $0x1E00, s6;
	_ =	swait.ge [sflag:s7], $0x2000  }
0x1b: {  	s13 =	simm.s32 $0x0;
	s14 =	sor.u32 s11, s12;
	[sflag:s7] =	ssyncset.done $0x0  }
0x1c: {  	s12 =	simm.s32 $0x10;
	s11 =	simm.s32 $0x0;
	[sflag:s7] =	ssyncadd.s32 $0xFFFFE000  }
.LBB2_3:
0x1d: {  	p0 =	sne.s32 s12, $0x7F0;
	v5 =	vld [tilespmem:s14+$0x80]  }
0x1e: {  	v6 =	vld [tilespmem:s14+$0x0];
	_ =	sdelay $0x1  }
0x1f: {  	v7 =	vld [tilespmem:s14+$0x100];
	_ =	sdelay $0x1  }
0x20: {  	v8 =	vld [tilespmem:s14+$0x180]  }
0x21: {  	v5 =	vadd.f32 v5, v6;
	_ =	sdelay $0x1  }
0x22: {  	v5 =	vadd.f32 v7, v5;
	_ =	sdelay $0x1  }
.Ltmp1:
0x23: {  	v5 =	vadd.f32 v8, v5;
	(pc) =	sbr.rel @p0 .LBB2_3-.Ltmp1, $4  }
0x24: {  	_ = 	snop  }
0x25: {  	s13 =	sadd.s32 $0x40, s13;
	v5 =	vmul.f32 $2.500000000e-01, v5  }
0x26: {  	s11 =	sshra.s32 s11, $0x2;
	s15 =	sand.u32 $0x1E00, s13;
	s14 =	sand.u32 $0x70, s12  }
0x27: {  	s12 =	sadd.s32 $0x10, s12;
	s14 =	sor.u32 s14, s15;
	[tilespmem:s11+$0x2000] =	vst v5;
	s11 =	smov.u32 s13  }
0x28: {  	v5 =	vld [tilespmem:s14+$0x80]  }
0x29: {  	v6 =	vld [tilespmem:s14+$0x0];
	_ =	sdelay $0x1  }
0x2a: {  	v7 =	vld [tilespmem:s14+$0x100];
	_ =	sdelay $0x1  }
0x2b: {  	v8 =	vld [tilespmem:s14+$0x180]  }
0x2c: {  	v5 =	vadd.f32 v5, v6;
	_ =	sdelay $0x1  }
0x2d: {  	v5 =	vadd.f32 v7, v5;
	_ =	sdelay $0x1  }
0x2e: {  	v5 =	vadd.f32 v8, v5;
	_ =	sdelay $0x1  }
0x2f: {  	v5 =	vmul.f32 $2.500000000e-01, v5  }
0x30: {  	s11 =	sshra.s32 s11, $0x2  }
0x31: {  	s31 =	simm.s32 $0x2000;
	[tilespmem:s11+$0x2000] =	vst v5  }
0x32: {  	v6 =	vld [tilespmem:s31+$0x0];
	_ =	sdelay $0x3  }
0x33: {  	s12 =	simm.s32 $0x0;
	v7 =	vimm.f32 $-Inf  }
0x34: {  	v8 =	vor.u32 s12, v0;
	s12 =	simm.s32 $0x2010;
	v5 =	vimm.s32 $0x0;
	s11 =	simm.s32 $0x10;
	vm6 =	vgt.f32 v6, v7  }
.LBB2_5:
0x35: {  	p0 =	sne.s32 s11, $0x7F0;
	v7 =	vsel vm6, v6, v7;
	v6 =	vld [tilespmem:s12+$0x0];
	v5 =	vsel vm6, v8, v5;
	s13 =	smov.u32 s11;
	s11 =	sadd.s32 $0x10, s11  }
.Ltmp2:
0x36: {  	(pc) =	sbr.rel @p0 .LBB2_5-.Ltmp2, $2  }
0x37: {  	_ =	sdelay $0x2  }
0x38: {  	s12 =	sadd.s32 $0x10, s12;
	v8 =	vor.u32 s13, v0;
	vm6 =	vgt.f32 v6, v7  }
0x39: {  	v6 =	vsel vm6, v6, v7  }
0x3a: {  	v7 =	vperm.xlane v6, v1;
	_ =	sdelay $0x1  }
0x3b: {  	v7 =	vmax.f32 v6, v7  }
0x3c: {  	v9 =	vperm.xlane v7, v2;
	_ =	sdelay $0x1  }
0x3d: {  	v7 =	vmax.f32 v7, v9  }
0x3e: {  	v9 =	vperm.xlane v7, v3;
	_ =	sdelay $0x1  }
0x3f: {  	v7 =	vmax.f32 v7, v9  }
0x40: {  	v9 =	vperm.xlane v7, v4;
	_ =	sdelay $0x1  }
0x41: {  	v7 =	vmax.f32 v7, v9  }
0x42: {  	v5 =	vsel vm6, v8, v5;
	vm6 =	veq.f32 v6, v7  }
0x43: {  	v5 =	vnsel vm6, $0x40000000, v5  }
0x44: {  	v6 =	vperm.xlane v5, v1;
	_ =	sdelay $0x1  }
0x45: {  	vm6 =	vlt.s32 v5, v6  }
0x46: {  	v5 =	vsel vm6, v5, v6  }
0x47: {  	v6 =	vperm.xlane v5, v2;
	_ =	sdelay $0x1  }
0x48: {  	vm6 =	vlt.s32 v5, v6  }
0x49: {  	v5 =	vsel vm6, v5, v6  }
0x4a: {  	v6 =	vperm.xlane v5, v3;
	_ =	sdelay $0x1  }
0x4b: {  	vm6 =	vlt.s32 v5, v6  }
0x4c: {  	v5 =	vsel vm6, v5, v6  }
0x4d: {  	v6 =	vperm.xlane v5, v4;
	_ =	sdelay $0x1  }
0x4e: {  	vm6 =	vlt.s32 v5, v6  }
0x4f: {  	v5 =	vsel vm6, v5, v6  }
0x50: {  	(v2sf) =	vpush v5, $0x0;
	_ =	sdelay $0xe  }
0x51: {  	s11 =	spop (v2sf)  }
0x52: {  	s12 =	sand.u32 $0xF, s11  }
0x53: {  	s13 =	sshra.s32 s11, $0x1F;
	p0 =	slt.s32 s11, $0x1;
	p1 =	sne.s32 s12, $0x0  }
0x54: {  	s28 =	sshrl.u32 s13, $0x1C;
	p0 =	por !p0, !p1  }
0x55: {  	s12 =	simm.s32 $0x1;
	s11 =	sadd.s32 s28, s11;
	p0 =	por !p0, !p0  }
0x56: {  	s11 =	sshra.s32 s11, $0x4;
	s12 =	simm.s32 @!p0 $0x0  }
0x57: {  	s11 =	ssub.s32 s11, s12  }
0x58: {  	s12 =	sshll.u32 s11, $0x4  }
0x59: {  	v6 =	vld [tilespmem:s12+$0x2000];
	_ =	sdelay $0x1  }
0x5a: {  	v7 =	vbroadcast v5, $0x0  }
0x5b: {  	v8 =	vor.u32 s12, v0  }
0x5c: {  	s11 =	sshll.u32 s11, $0x6;
	vm6 =	veq.s32 v8, v7  }
0x5d: {  	s29 =	sand.u32 $0x70, s12;
	s11 =	sand.u32 $0xFFFFFE00, s11;
	v6 =	vsel vm6, $0xFF800000, v6  }
0x5e: {  	s11 =	sor.u32 s29, s11;
	[tilespmem:s12+$0x2000] =	vst v6  }
0x5f: {  	v6 =	vld [tilespmem:s11+$0x0]  }
0x60: {  	v7 =	vld [tilespmem:s11+$0x80]  }
0x61: {  	v8 =	vld [tilespmem:s11+$0x100]  }
0x62: {  	v9 =	vld [tilespmem:s11+$0x180];
	_ =	sdelay $0x3  }
0x63: {  	v6 =	vnsel vm6, $0x0, v6;
	v7 =	vnsel vm6, $0x0, v7;
	v8 =	vnsel vm6, $0x0, v8  }
0x64: {  	v9 =	vnsel vm6, $0x0, v9;
	v10 =	vperm.xlane v6, v1;
	v11 =	vperm.xlane v7, v1  }
0x65: {  	v12 =	vperm.xlane v8, v1;
	v13 =	vperm.xlane v9, v1  }
0x66: {  	v6 =	vadd.f32 v6, v10;
	v7 =	vadd.f32 v7, v11  }
0x67: {  	v8 =	vadd.f32 v8, v12;
	v9 =	vadd.f32 v13, v9  }
0x68: {  	v10 =	vperm.xlane v6, v2;
	v11 =	vperm.xlane v7, v2  }
0x69: {  	v12 =	vperm.xlane v8, v2;
	v13 =	vperm.xlane v9, v2  }
0x6a: {  	v6 =	vadd.f32 v6, v10;
	v10 =	vadd.f32 v7, v11  }
0x6b: {  	s30 =	simm.s32 $0x2000;
	v8 =	vadd.f32 v8, v12;
	v12 =	vadd.f32 v13, v9  }
0x6c: {  	v7 =	vld [tilespmem:s30+$0x0];
	v9 =	vperm.xlane v6, v3;
	v11 =	vperm.xlane v10, v3  }
0x6d: {  	s31 =	simm.s32 $0x0;
	v13 =	vperm.xlane v8, v3;
	v14 =	vperm.xlane v12, v3  }
0x6e: {  	v15 =	vor.u32 s31, v0;
	v16 =	vadd.f32 v6, v9;
	v11 =	vadd.f32 v10, v11  }
0x6f: {  	v9 =	vadd.f32 v8, v13;
	v6 =	vadd.f32 v14, v12;
	v14 =	vimm.f32 $-Inf  }
0x70: {  	v13 =	vimm.s32 $0x0;
	v17 =	vperm.xlane v16, v4;
	v12 =	vperm.xlane v11, v4  }
0x71: {  	s12 =	simm.s32 $0x2010;
	s11 =	simm.s32 $0x10;
	vm6 =	vgt.f32 v7, v14;
	v10 =	vperm.xlane v9, v4;
	v8 =	vperm.xlane v6, v4  }
.LBB2_7:
0x72: {  	p0 =	sne.s32 s11, $0x7F0;
	v14 =	vsel vm6, v7, v14;
	v7 =	vld [tilespmem:s12+$0x0];
	v13 =	vsel vm6, v15, v13;
	s13 =	smov.u32 s11;
	s11 =	sadd.s32 $0x10, s11  }
.Ltmp3:
0x73: {  	(pc) =	sbr.rel @p0 .LBB2_7-.Ltmp3, $2  }
0x74: {  	_ =	sdelay $0x2  }
0x75: {  	s12 =	sadd.s32 $0x10, s12;
	v15 =	vor.u32 s13, v0;
	vm6 =	vgt.f32 v7, v14  }
0x76: {  	v7 =	vsel vm6, v7, v14  }
0x77: {  	v14 =	vperm.xlane v7, v1;
	_ =	sdelay $0x1  }
0x78: {  	v14 =	vmax.f32 v7, v14  }
0x79: {  	v18 =	vperm.xlane v14, v2;
	_ =	sdelay $0x1  }
0x7a: {  	v14 =	vmax.f32 v14, v18  }
0x7b: {  	v18 =	vperm.xlane v14, v3;
	_ =	sdelay $0x1  }
0x7c: {  	v14 =	vmax.f32 v14, v18  }
0x7d: {  	v18 =	vperm.xlane v14, v4;
	_ =	sdelay $0x1  }
0x7e: {  	v14 =	vmax.f32 v14, v18  }
0x7f: {  	v13 =	vsel vm6, v15, v13;
	vm6 =	veq.f32 v7, v14  }
0x80: {  	v7 =	vnsel vm6, $0x40000000, v13  }
0x81: {  	v13 =	vperm.xlane v7, v1;
	_ =	sdelay $0x1  }
0x82: {  	vm6 =	vlt.s32 v7, v13  }
0x83: {  	v7 =	vsel vm6, v7, v13  }
0x84: {  	v13 =	vperm.xlane v7, v2;
	_ =	sdelay $0x1  }
0x85: {  	vm6 =	vlt.s32 v7, v13  }
0x86: {  	v7 =	vsel vm6, v7, v13  }
0x87: {  	v13 =	vperm.xlane v7, v3;
	_ =	sdelay $0x1  }
0x88: {  	vm6 =	vlt.s32 v7, v13  }
0x89: {  	v7 =	vsel vm6, v7, v13  }
0x8a: {  	v13 =	vperm.xlane v7, v4;
	_ =	sdelay $0x1  }
0x8b: {  	vm6 =	vlt.s32 v7, v13  }
0x8c: {  	v7 =	vsel vm6, v7, v13  }
0x8d: {  	(v2sf) =	vpush v7, $0x0;
	_ =	sdelay $0xe  }
0x8e: {  	s11 =	spop (v2sf)  }
0x8f: {  	s12 =	sand.u32 $0xF, s11  }
0x90: {  	s13 =	sshra.s32 s11, $0x1F;
	p0 =	slt.s32 s11, $0x1;
	p1 =	sne.s32 s12, $0x0  }
0x91: {  	s28 =	sshrl.u32 s13, $0x1C;
	p0 =	por !p0, !p1  }
0x92: {  	s12 =	simm.s32 $0x1;
	s11 =	sadd.s32 s28, s11;
	p0 =	por !p0, !p0  }
0x93: {  	s11 =	sshra.s32 s11, $0x4;
	s12 =	simm.s32 @!p0 $0x0  }
0x94: {  	s11 =	ssub.s32 s11, s12  }
0x95: {  	s12 =	sshll.u32 s11, $0x4  }
0x96: {  	v13 =	vld [tilespmem:s12+$0x2000];
	_ =	sdelay $0x1  }
0x97: {  	v14 =	vbroadcast v7, $0x0  }
0x98: {  	v15 =	vor.u32 s12, v0  }
0x99: {  	s11 =	sshll.u32 s11, $0x6;
	vm6 =	veq.s32 v15, v14  }
0x9a: {  	s29 =	sand.u32 $0x70, s12;
	s11 =	sand.u32 $0xFFFFFE00, s11;
	v13 =	vsel vm6, $0xFF800000, v13  }
0x9b: {  	s11 =	sor.u32 s29, s11;
	[tilespmem:s12+$0x2000] =	vst v13  }
0x9c: {  	v13 =	vld [tilespmem:s11+$0x0]  }
0x9d: {  	v14 =	vld [tilespmem:s11+$0x80]  }
0x9e: {  	v15 =	vld [tilespmem:s11+$0x100]  }
0x9f: {  	v18 =	vld [tilespmem:s11+$0x180];
	_ =	sdelay $0x3  }
0xa0: {  	v13 =	vnsel vm6, $0x0, v13;
	v14 =	vnsel vm6, $0x0, v14;
	v15 =	vnsel vm6, $0x0, v15  }
0xa1: {  	v18 =	vnsel vm6, $0x0, v18;
	v19 =	vperm.xlane v13, v1;
	v20 =	vperm.xlane v14, v1  }
0xa2: {  	v21 =	vperm.xlane v15, v1;
	v22 =	vperm.xlane v18, v1  }
0xa3: {  	v13 =	vadd.f32 v13, v19;
	v14 =	vadd.f32 v14, v20  }
0xa4: {  	v15 =	vadd.f32 v15, v21;
	v18 =	vadd.f32 v22, v18  }
0xa5: {  	v19 =	vperm.xlane v13, v2;
	v20 =	vperm.xlane v14, v2  }
0xa6: {  	v21 =	vperm.xlane v15, v2;
	v22 =	vperm.xlane v18, v2  }
0xa7: {  	v13 =	vadd.f32 v13, v19;
	v19 =	vadd.f32 v14, v20  }
0xa8: {  	s30 =	simm.s32 $0x2000;
	v15 =	vadd.f32 v15, v21;
	v21 =	vadd.f32 v22, v18  }
0xa9: {  	v14 =	vld [tilespmem:s30+$0x0];
	v18 =	vperm.xlane v13, v3;
	v20 =	vperm.xlane v19, v3  }
0xaa: {  	s31 =	simm.s32 $0x0;
	v22 =	vperm.xlane v15, v3;
	v23 =	vperm.xlane v21, v3  }
0xab: {  	v24 =	vor.u32 s31, v0;
	v25 =	vadd.f32 v13, v18;
	v20 =	vadd.f32 v19, v20  }
0xac: {  	v18 =	vadd.f32 v15, v22;
	v13 =	vadd.f32 v23, v21;
	v23 =	vimm.f32 $-Inf  }
0xad: {  	v22 =	vimm.s32 $0x0;
	v26 =	vperm.xlane v25, v4;
	v21 =	vperm.xlane v20, v4  }
0xae: {  	s12 =	simm.s32 $0x2010;
	s11 =	simm.s32 $0x10;
	vm6 =	vgt.f32 v14, v23;
	v19 =	vperm.xlane v18, v4;
	v15 =	vperm.xlane v13, v4  }
.LBB2_9:
0xaf: {  	p0 =	sne.s32 s11, $0x7F0;
	v23 =	vsel vm6, v14, v23;
	v14 =	vld [tilespmem:s12+$0x0];
	v22 =	vsel vm6, v24, v22;
	s13 =	smov.u32 s11;
	s11 =	sadd.s32 $0x10, s11  }
.Ltmp4:
0xb0: {  	(pc) =	sbr.rel @p0 .LBB2_9-.Ltmp4, $2  }
0xb1: {  	_ =	sdelay $0x2  }
0xb2: {  	s12 =	sadd.s32 $0x10, s12;
	v24 =	vor.u32 s13, v0;
	vm6 =	vgt.f32 v14, v23  }
0xb3: {  	v14 =	vsel vm6, v14, v23  }
0xb4: {  	v23 =	vperm.xlane v14, v1;
	_ =	sdelay $0x1  }
0xb5: {  	v23 =	vmax.f32 v14, v23  }
0xb6: {  	v27 =	vperm.xlane v23, v2;
	_ =	sdelay $0x1  }
0xb7: {  	v23 =	vmax.f32 v23, v27  }
0xb8: {  	v27 =	vperm.xlane v23, v3;
	_ =	sdelay $0x1  }
0xb9: {  	v23 =	vmax.f32 v23, v27  }
0xba: {  	v27 =	vperm.xlane v23, v4;
	_ =	sdelay $0x1  }
0xbb: {  	v23 =	vmax.f32 v23, v27  }
0xbc: {  	v22 =	vsel vm6, v24, v22;
	vm6 =	veq.f32 v14, v23  }
0xbd: {  	v14 =	vnsel vm6, $0x40000000, v22  }
0xbe: {  	v22 =	vperm.xlane v14, v1;
	_ =	sdelay $0x1  }
0xbf: {  	vm6 =	vlt.s32 v14, v22  }
0xc0: {  	v14 =	vsel vm6, v14, v22  }
0xc1: {  	v22 =	vperm.xlane v14, v2;
	_ =	sdelay $0x1  }
0xc2: {  	vm6 =	vlt.s32 v14, v22  }
0xc3: {  	v14 =	vsel vm6, v14, v22  }
0xc4: {  	v22 =	vperm.xlane v14, v3;
	_ =	sdelay $0x1  }
0xc5: {  	vm6 =	vlt.s32 v14, v22  }
0xc6: {  	v14 =	vsel vm6, v14, v22  }
0xc7: {  	v22 =	vperm.xlane v14, v4;
	_ =	sdelay $0x1  }
0xc8: {  	vm6 =	vlt.s32 v14, v22  }
0xc9: {  	v14 =	vsel vm6, v14, v22  }
0xca: {  	(v2sf) =	vpush v14, $0x0;
	_ =	sdelay $0xe  }
0xcb: {  	s11 =	spop (v2sf)  }
0xcc: {  	s12 =	sand.u32 $0xF, s11  }
0xcd: {  	s13 =	sshra.s32 s11, $0x1F;
	p0 =	slt.s32 s11, $0x1;
	p1 =	sne.s32 s12, $0x0  }
0xce: {  	s28 =	sshrl.u32 s13, $0x1C;
	p0 =	por !p0, !p1  }
0xcf: {  	s12 =	simm.s32 $0x1;
	s11 =	sadd.s32 s28, s11;
	p0 =	por !p0, !p0  }
0xd0: {  	s11 =	sshra.s32 s11, $0x4;
	s12 =	simm.s32 @!p0 $0x0  }
0xd1: {  	s11 =	ssub.s32 s11, s12  }
0xd2: {  	s12 =	sshll.u32 s11, $0x4  }
0xd3: {  	v22 =	vld [tilespmem:s12+$0x2000];
	_ =	sdelay $0x1  }
0xd4: {  	v23 =	vbroadcast v14, $0x0  }
0xd5: {  	v24 =	vor.u32 s12, v0  }
0xd6: {  	s11 =	sshll.u32 s11, $0x6;
	vm6 =	veq.s32 v24, v23  }
0xd7: {  	s29 =	sand.u32 $0x70, s12;
	s11 =	sand.u32 $0xFFFFFE00, s11;
	v22 =	vsel vm6, $0xFF800000, v22  }
0xd8: {  	s11 =	sor.u32 s29, s11;
	[tilespmem:s12+$0x2000] =	vst v22  }
0xd9: {  	v22 =	vld [tilespmem:s11+$0x0]  }
0xda: {  	v23 =	vld [tilespmem:s11+$0x80]  }
0xdb: {  	v24 =	vld [tilespmem:s11+$0x100]  }
0xdc: {  	v27 =	vld [tilespmem:s11+$0x180];
	_ =	sdelay $0x3  }
0xdd: {  	v22 =	vnsel vm6, $0x0, v22;
	v23 =	vnsel vm6, $0x0, v23;
	v24 =	vnsel vm6, $0x0, v24  }
0xde: {  	v27 =	vnsel vm6, $0x0, v27;
	v28 =	vperm.xlane v22, v1;
	v29 =	vperm.xlane v23, v1  }
0xdf: {  	v30 =	vperm.xlane v24, v1;
	v31 =	vperm.xlane v27, v1  }
0xe0: {  	v22 =	vadd.f32 v22, v28;
	v23 =	vadd.f32 v23, v29  }
0xe1: {  	v24 =	vadd.f32 v24, v30;
	v27 =	vadd.f32 v31, v27  }
0xe2: {  	v28 =	vperm.xlane v22, v2;
	v29 =	vperm.xlane v23, v2  }
0xe3: {  	v30 =	vperm.xlane v24, v2;
	v31 =	vperm.xlane v27, v2  }
0xe4: {  	v22 =	vadd.f32 v22, v28;
	v28 =	vadd.f32 v23, v29  }
0xe5: {  	s30 =	simm.s32 $0x2000;
	v24 =	vadd.f32 v24, v30;
	v30 =	vadd.f32 v31, v27  }
0xe6: {  	v23 =	vld [tilespmem:s30+$0x0];
	v27 =	vperm.xlane v22, v3;
	v29 =	vperm.xlane v28, v3  }
0xe7: {  	s31 =	simm.s32 $0x0;
	v31 =	vperm.xlane v24, v3;
	v32 =	vperm.xlane v30, v3  }
0xe8: {  	v33 =	vor.u32 s31, v0;
	v34 =	vadd.f32 v22, v27;
	v29 =	vadd.f32 v28, v29  }
0xe9: {  	v27 =	vadd.f32 v24, v31;
	v22 =	vadd.f32 v32, v30;
	v32 =	vimm.f32 $-Inf  }
0xea: {  	v31 =	vimm.s32 $0x0;
	v35 =	vperm.xlane v34, v4;
	v30 =	vperm.xlane v29, v4  }
0xeb: {  	s12 =	simm.s32 $0x2010;
	s11 =	simm.s32 $0x10;
	vm6 =	vgt.f32 v23, v32;
	v28 =	vperm.xlane v27, v4;
	v24 =	vperm.xlane v22, v4  }
.LBB2_11:
0xec: {  	p0 =	sne.s32 s11, $0x7F0;
	v32 =	vsel vm6, v23, v32;
	v23 =	vld [tilespmem:s12+$0x0];
	v31 =	vsel vm6, v33, v31;
	s13 =	smov.u32 s11;
	s11 =	sadd.s32 $0x10, s11  }
.Ltmp5:
0xed: {  	(pc) =	sbr.rel @p0 .LBB2_11-.Ltmp5, $2  }
0xee: {  	_ =	sdelay $0x2  }
0xef: {  	s12 =	sadd.s32 $0x10, s12;
	v33 =	vor.u32 s13, v0;
	vm6 =	vgt.f32 v23, v32  }
0xf0: {  	v23 =	vsel vm6, v23, v32  }
0xf1: {  	v32 =	vperm.xlane v23, v1;
	_ =	sdelay $0x1  }
0xf2: {  	v32 =	vmax.f32 v23, v32  }
0xf3: {  	v36 =	vperm.xlane v32, v2;
	_ =	sdelay $0x1  }
0xf4: {  	v32 =	vmax.f32 v32, v36  }
0xf5: {  	v36 =	vperm.xlane v32, v3;
	_ =	sdelay $0x1  }
0xf6: {  	v32 =	vmax.f32 v32, v36  }
0xf7: {  	v36 =	vperm.xlane v32, v4;
	_ =	sdelay $0x1  }
0xf8: {  	v32 =	vmax.f32 v32, v36  }
0xf9: {  	v31 =	vsel vm6, v33, v31;
	vm6 =	veq.f32 v23, v32  }
0xfa: {  	v23 =	vnsel vm6, $0x40000000, v31  }
0xfb: {  	v31 =	vperm.xlane v23, v1;
	_ =	sdelay $0x1  }
0xfc: {  	vm6 =	vlt.s32 v23, v31  }
0xfd: {  	v23 =	vsel vm6, v23, v31  }
0xfe: {  	v31 =	vperm.xlane v23, v2;
	_ =	sdelay $0x1  }
0xff: {  	vm6 =	vlt.s32 v23, v31  }
0x100: {  	v23 =	vsel vm6, v23, v31  }
0x101: {  	v31 =	vperm.xlane v23, v3;
	_ =	sdelay $0x1  }
0x102: {  	vm6 =	vlt.s32 v23, v31  }
0x103: {  	v23 =	vsel vm6, v23, v31  }
0x104: {  	v31 =	vperm.xlane v23, v4;
	_ =	sdelay $0x1  }
0x105: {  	vm6 =	vlt.s32 v23, v31  }
0x106: {  	v23 =	vsel vm6, v23, v31  }
0x107: {  	(v2sf) =	vpush v23, $0x0;
	_ =	sdelay $0xe  }
0x108: {  	s11 =	spop (v2sf)  }
0x109: {  	s12 =	sand.u32 $0xF, s11  }
0x10a: {  	s13 =	sshra.s32 s11, $0x1F;
	p0 =	slt.s32 s11, $0x1;
	p1 =	sne.s32 s12, $0x0  }
0x10b: {  	s28 =	sshrl.u32 s13, $0x1C;
	p0 =	por !p0, !p1  }
0x10c: {  	s12 =	simm.s32 $0x1;
	s11 =	sadd.s32 s28, s11;
	p0 =	por !p0, !p0  }
0x10d: {  	s11 =	sshra.s32 s11, $0x4;
	s12 =	simm.s32 @!p0 $0x0  }
0x10e: {  	s11 =	ssub.s32 s11, s12  }
0x10f: {  	s12 =	sshll.u32 s11, $0x4  }
0x110: {  	v31 =	vld [tilespmem:s12+$0x2000];
	_ =	sdelay $0x1  }
0x111: {  	v55 =	vbroadcast v23, $0x0  }
0x112: {  	v56 =	vor.u32 s12, v0  }
0x113: {  	s11 =	sshll.u32 s11, $0x6;
	vm6 =	veq.s32 v56, v55  }
0x114: {  	s29 =	sand.u32 $0x70, s12;
	s11 =	sand.u32 $0xFFFFFE00, s11;
	v31 =	vsel vm6, $0xFF800000, v31  }
0x115: {  	s11 =	sor.u32 s29, s11;
	[tilespmem:s12+$0x2000] =	vst v31  }
0x116: {  	v31 =	vld [tilespmem:s11+$0x0]  }
0x117: {  	v57 =	vld [tilespmem:s11+$0x80]  }
0x118: {  	v58 =	vld [tilespmem:s11+$0x100]  }
0x119: {  	v59 =	vld [tilespmem:s11+$0x180];
	_ =	sdelay $0x3  }
0x11a: {  	v31 =	vnsel vm6, $0x0, v31;
	v32 =	vnsel vm6, $0x0, v57;
	v33 =	vnsel vm6, $0x0, v58  }
0x11b: {  	v36 =	vnsel vm6, $0x0, v59;
	v37 =	vperm.xlane v31, v1;
	v38 =	vperm.xlane v32, v1  }
0x11c: {  	v39 =	vperm.xlane v33, v1;
	v40 =	vperm.xlane v36, v1  }
0x11d: {  	v31 =	vadd.f32 v31, v37;
	v32 =	vadd.f32 v32, v38  }
0x11e: {  	v33 =	vadd.f32 v33, v39;
	v36 =	vadd.f32 v40, v36  }
0x11f: {  	v37 =	vperm.xlane v31, v2;
	v38 =	vperm.xlane v32, v2  }
0x120: {  	v39 =	vperm.xlane v33, v2;
	v40 =	vperm.xlane v36, v2  }
0x121: {  	v31 =	vadd.f32 v31, v37;
	v60 =	vadd.f32 v32, v38  }
0x122: {  	s30 =	simm.s32 $0x2000;
	v33 =	vadd.f32 v33, v39;
	v61 =	vadd.f32 v40, v36  }
0x123: {  	v32 =	vld [tilespmem:s30+$0x0];
	v62 =	vperm.xlane v31, v3;
	v38 =	vperm.xlane v60, v3  }
0x124: {  	s31 =	simm.s32 $0x0;
	v63 =	vperm.xlane v33, v3;
	v41 =	vperm.xlane v61, v3  }
0x125: {  	v42 =	vor.u32 s31, v0;
	v43 =	vadd.f32 v31, v62;
	v38 =	vadd.f32 v60, v38  }
0x126: {  	v40 =	vimm.s32 $0x0;
	v36 =	vadd.f32 v33, v63;
	v31 =	vadd.f32 v41, v61  }
0x127: {  	v41 =	vimm.f32 $-Inf;
	v44 =	vperm.xlane v43, v4;
	v39 =	vperm.xlane v38, v4  }
0x128: {  	s12 =	simm.s32 $0x2010;
	s11 =	simm.s32 $0x10;
	vm6 =	vgt.f32 v32, v41;
	v37 =	vperm.xlane v36, v4;
	v33 =	vperm.xlane v31, v4  }
.LBB2_13:
0x129: {  	p0 =	sne.s32 s11, $0x7F0;
	v41 =	vsel vm6, v32, v41;
	v32 =	vld [tilespmem:s12+$0x0];
	v40 =	vsel vm6, v42, v40;
	s13 =	smov.u32 s11;
	s11 =	sadd.s32 $0x10, s11  }
.Ltmp6:
0x12a: {  	(pc) =	sbr.rel @p0 .LBB2_13-.Ltmp6, $2  }
0x12b: {  	_ =	sdelay $0x2  }
0x12c: {  	s12 =	sadd.s32 $0x10, s12;
	v42 =	vor.u32 s13, v0;
	vm6 =	vgt.f32 v32, v41  }
0x12d: {  	v32 =	vsel vm6, v32, v41  }
0x12e: {  	v41 =	vperm.xlane v32, v1;
	_ =	sdelay $0x1  }
0x12f: {  	v41 =	vmax.f32 v32, v41  }
0x130: {  	v45 =	vperm.xlane v41, v2;
	_ =	sdelay $0x1  }
0x131: {  	v41 =	vmax.f32 v41, v45  }
0x132: {  	v45 =	vperm.xlane v41, v3;
	_ =	sdelay $0x1  }
0x133: {  	v41 =	vmax.f32 v41, v45  }
0x134: {  	v45 =	vperm.xlane v41, v4;
	_ =	sdelay $0x1  }
0x135: {  	v41 =	vmax.f32 v41, v45  }
0x136: {  	v40 =	vsel vm6, v42, v40;
	vm6 =	veq.f32 v32, v41  }
0x137: {  	v32 =	vnsel vm6, $0x40000000, v40  }
0x138: {  	v40 =	vperm.xlane v32, v1;
	_ =	sdelay $0x1  }
0x139: {  	vm6 =	vlt.s32 v32, v40  }
0x13a: {  	v32 =	vsel vm6, v32, v40  }
0x13b: {  	v40 =	vperm.xlane v32, v2;
	_ =	sdelay $0x1  }
0x13c: {  	vm6 =	vlt.s32 v32, v40  }
0x13d: {  	v32 =	vsel vm6, v32, v40  }
0x13e: {  	v40 =	vperm.xlane v32, v3;
	_ =	sdelay $0x1  }
0x13f: {  	vm6 =	vlt.s32 v32, v40  }
0x140: {  	v32 =	vsel vm6, v32, v40  }
0x141: {  	v40 =	vperm.xlane v32, v4;
	_ =	sdelay $0x1  }
0x142: {  	vm6 =	vlt.s32 v32, v40  }
0x143: {  	v32 =	vsel vm6, v32, v40  }
0x144: {  	(v2sf) =	vpush v32, $0x0;
	_ =	sdelay $0xe  }
0x145: {  	s11 =	spop (v2sf)  }
0x146: {  	s12 =	sand.u32 $0xF, s11  }
0x147: {  	s13 =	sshra.s32 s11, $0x1F;
	p0 =	slt.s32 s11, $0x1;
	p1 =	sne.s32 s12, $0x0  }
0x148: {  	s28 =	sshrl.u32 s13, $0x1C;
	p0 =	por !p0, !p1  }
0x149: {  	s12 =	simm.s32 $0x1;
	s11 =	sadd.s32 s28, s11;
	p0 =	por !p0, !p0  }
0x14a: {  	s11 =	sshra.s32 s11, $0x4;
	s12 =	simm.s32 @!p0 $0x0  }
0x14b: {  	s11 =	ssub.s32 s11, s12  }
0x14c: {  	s12 =	sshll.u32 s11, $0x4  }
0x14d: {  	v54 =	vld [tilespmem:s12+$0x2000];
	_ =	sdelay $0x1  }
0x14e: {  	v55 =	vbroadcast v32, $0x0  }
0x14f: {  	v56 =	vor.u32 s12, v0  }
0x150: {  	s11 =	sshll.u32 s11, $0x6;
	vm6 =	veq.s32 v56, v55  }
0x151: {  	s29 =	sand.u32 $0x70, s12;
	s11 =	sand.u32 $0xFFFFFE00, s11;
	v40 =	vsel vm6, $0xFF800000, v54  }
0x152: {  	s11 =	sor.u32 s29, s11;
	[tilespmem:s12+$0x2000] =	vst v40  }
0x153: {  	v40 =	vld [tilespmem:s11+$0x0]  }
0x154: {  	v57 =	vld [tilespmem:s11+$0x80]  }
0x155: {  	v58 =	vld [tilespmem:s11+$0x100]  }
0x156: {  	v59 =	vld [tilespmem:s11+$0x180];
	_ =	sdelay $0x3  }
0x157: {  	v40 =	vnsel vm6, $0x0, v40;
	v41 =	vnsel vm6, $0x0, v57;
	v42 =	vnsel vm6, $0x0, v58  }
0x158: {  	v45 =	vnsel vm6, $0x0, v59;
	v46 =	vperm.xlane v40, v1;
	v47 =	vperm.xlane v41, v1  }
0x159: {  	v48 =	vperm.xlane v42, v1;
	v49 =	vperm.xlane v45, v1  }
0x15a: {  	v40 =	vadd.f32 v40, v46;
	v41 =	vadd.f32 v41, v47  }
0x15b: {  	v42 =	vadd.f32 v42, v48;
	v45 =	vadd.f32 v49, v45  }
0x15c: {  	v46 =	vperm.xlane v40, v2;
	v47 =	vperm.xlane v41, v2  }
0x15d: {  	v48 =	vperm.xlane v42, v2;
	v49 =	vperm.xlane v45, v2  }
0x15e: {  	v40 =	vadd.f32 v40, v46;
	v41 =	vadd.f32 v41, v47  }
0x15f: {  	s30 =	simm.s32 $0x2000;
	v60 =	vadd.f32 v42, v48;
	v61 =	vadd.f32 v49, v45  }
0x160: {  	v42 =	vld [tilespmem:s30+$0x0];
	v62 =	vperm.xlane v40, v3;
	v47 =	vperm.xlane v41, v3  }
0x161: {  	s31 =	simm.s32 $0x0;
	v63 =	vperm.xlane v60, v3;
	v50 =	vperm.xlane v61, v3  }
0x162: {  	v51 =	vor.u32 s31, v0;
	v52 =	vadd.f32 v40, v62;
	v47 =	vadd.f32 v41, v47  }
0x163: {  	v49 =	vimm.s32 $0x0;
	v45 =	vadd.f32 v60, v63;
	v40 =	vadd.f32 v50, v61  }
0x164: {  	v50 =	vimm.f32 $-Inf;
	v53 =	vperm.xlane v52, v4;
	v48 =	vperm.xlane v47, v4  }
0x165: {  	s12 =	simm.s32 $0x2010;
	s11 =	simm.s32 $0x10;
	vm6 =	vgt.f32 v42, v50;
	v46 =	vperm.xlane v45, v4;
	v41 =	vperm.xlane v40, v4  }
.LBB2_15:
0x166: {  	p0 =	sne.s32 s11, $0x7F0;
	v50 =	vsel vm6, v42, v50;
	v42 =	vld [tilespmem:s12+$0x0];
	v49 =	vsel vm6, v51, v49;
	s13 =	smov.u32 s11;
	s11 =	sadd.s32 $0x10, s11  }
.Ltmp7:
0x167: {  	(pc) =	sbr.rel @p0 .LBB2_15-.Ltmp7, $2  }
0x168: {  	_ =	sdelay $0x2  }
0x169: {  	s12 =	sadd.s32 $0x10, s12;
	v51 =	vor.u32 s13, v0;
	vm6 =	vgt.f32 v42, v50  }
0x16a: {  	v42 =	vsel vm6, v42, v50  }
0x16b: {  	v50 =	vperm.xlane v42, v1;
	_ =	sdelay $0x1  }
0x16c: {  	v50 =	vmax.f32 v42, v50  }
0x16d: {  	v54 =	vperm.xlane v50, v2;
	_ =	sdelay $0x1  }
0x16e: {  	v50 =	vmax.f32 v50, v54  }
0x16f: {  	v54 =	vperm.xlane v50, v3;
	_ =	sdelay $0x1  }
0x170: {  	v50 =	vmax.f32 v50, v54  }
0x171: {  	v54 =	vperm.xlane v50, v4;
	_ =	sdelay $0x1  }
0x172: {  	v50 =	vmax.f32 v50, v54  }
0x173: {  	v49 =	vsel vm6, v51, v49;
	vm6 =	veq.f32 v42, v50  }
0x174: {  	v42 =	vnsel vm6, $0x40000000, v49  }
0x175: {  	v49 =	vperm.xlane v42, v1;
	_ =	sdelay $0x1  }
0x176: {  	vm6 =	vlt.s32 v42, v49  }
0x177: {  	v42 =	vsel vm6, v42, v49  }
0x178: {  	v49 =	vperm.xlane v42, v2;
	_ =	sdelay $0x1  }
0x179: {  	vm6 =	vlt.s32 v42, v49  }
0x17a: {  	v42 =	vsel vm6, v42, v49  }
0x17b: {  	v49 =	vperm.xlane v42, v3;
	_ =	sdelay $0x1  }
0x17c: {  	vm6 =	vlt.s32 v42, v49  }
0x17d: {  	v42 =	vsel vm6, v42, v49  }
0x17e: {  	v49 =	vperm.xlane v42, v4;
	_ =	sdelay $0x1  }
0x17f: {  	vm6 =	vlt.s32 v42, v49  }
0x180: {  	v42 =	vsel vm6, v42, v49  }
0x181: {  	(v2sf) =	vpush v42, $0x0;
	_ =	sdelay $0xe  }
0x182: {  	s11 =	spop (v2sf)  }
0x183: {  	s12 =	sand.u32 $0xF, s11  }
0x184: {  	s13 =	sshra.s32 s11, $0x1F;
	p0 =	slt.s32 s11, $0x1;
	p1 =	sne.s32 s12, $0x0  }
0x185: {  	s28 =	sshrl.u32 s13, $0x1C;
	p0 =	por !p0, !p1  }
0x186: {  	s12 =	simm.s32 $0x1;
	s11 =	sadd.s32 s28, s11;
	p0 =	por !p0, !p0  }
0x187: {  	s11 =	sshra.s32 s11, $0x4;
	s12 =	simm.s32 @!p0 $0x0  }
0x188: {  	s11 =	ssub.s32 s11, s12  }
0x189: {  	s12 =	sshll.u32 s11, $0x4  }
0x18a: {  	v58 =	vld [tilespmem:s12+$0x2000];
	_ =	sdelay $0x1  }
0x18b: {  	v59 =	vbroadcast v42, $0x0  }
0x18c: {  	v60 =	vor.u32 s12, v0  }
0x18d: {  	s11 =	sshll.u32 s11, $0x6;
	vm6 =	veq.s32 v60, v59  }
0x18e: {  	s29 =	sand.u32 $0x70, s12;
	s11 =	sand.u32 $0xFFFFFE00, s11;
	v49 =	vsel vm6, $0xFF800000, v58  }
0x18f: {  	s11 =	sor.u32 s29, s11;
	[tilespmem:s12+$0x2000] =	vst v49  }
0x190: {  	v49 =	vld [tilespmem:s11+$0x0]  }
0x191: {  	v61 =	vld [tilespmem:s11+$0x80]  }
0x192: {  	v62 =	vld [tilespmem:s11+$0x100]  }
0x193: {  	v63 =	vld [tilespmem:s11+$0x180];
	_ =	sdelay $0x3  }
0x194: {  	v49 =	vnsel vm6, $0x0, v49;
	v50 =	vnsel vm6, $0x0, v61;
	v51 =	vnsel vm6, $0x0, v62  }
0x195: {  	v54 =	vnsel vm6, $0x0, v63;
	v55 =	vperm.xlane v49, v1;
	v56 =	vperm.xlane v50, v1  }
0x196: {  	v57 =	vperm.xlane v51, v1;
	v58 =	vperm.xlane v54, v1  }
0x197: {  	v49 =	vadd.f32 v49, v55;
	v50 =	vadd.f32 v50, v56  }
0x198: {  	v51 =	vadd.f32 v51, v57;
	v54 =	vadd.f32 v58, v54  }
0x199: {  	v55 =	vperm.xlane v49, v2;
	v56 =	vperm.xlane v50, v2  }
0x19a: {  	v57 =	vperm.xlane v51, v2;
	v58 =	vperm.xlane v54, v2  }
0x19b: {  	v49 =	vadd.f32 v49, v55;
	v50 =	vadd.f32 v50, v56  }
0x19c: {  	s30 =	simm.s32 $0x2000;
	v55 =	vadd.f32 v51, v57;
	v57 =	vadd.f32 v58, v54  }
0x19d: {  	v51 =	vld [tilespmem:s30+$0x0];
	v54 =	vperm.xlane v49, v3;
	v56 =	vperm.xlane v50, v3  }
0x19e: {  	v59 =	vperm.xlane v55, v3;
	v60 =	vperm.xlane v57, v3  }
0x19f: {  	s31 =	simm.s32 $0x0;
	v61 =	vimm.f32 $-Inf;
	v58 =	vadd.f32 v49, v54;
	v56 =	vadd.f32 v50, v56  }
0x1a0: {  	v62 =	vor.u32 s31, v0;
	v54 =	vadd.f32 v55, v59;
	v49 =	vadd.f32 v60, v57  }
0x1a1: {  	v60 =	vimm.s32 $0x0;
	v59 =	vperm.xlane v58, v4;
	v57 =	vperm.xlane v56, v4  }
0x1a2: {  	s12 =	simm.s32 $0x2010;
	s11 =	simm.s32 $0x10;
	vm6 =	vgt.f32 v51, v61;
	v55 =	vperm.xlane v54, v4;
	v50 =	vperm.xlane v49, v4  }
.LBB2_17:
0x1a3: {  	p0 =	sne.s32 s11, $0x7F0;
	v61 =	vsel vm6, v51, v61;
	v51 =	vld [tilespmem:s12+$0x0];
	v60 =	vsel vm6, v62, v60;
	s13 =	smov.u32 s11;
	s11 =	sadd.s32 $0x10, s11  }
.Ltmp8:
0x1a4: {  	(pc) =	sbr.rel @p0 .LBB2_17-.Ltmp8, $2  }
0x1a5: {  	_ =	sdelay $0x2  }
0x1a6: {  	s12 =	sadd.s32 $0x10, s12;
	v62 =	vor.u32 s13, v0;
	vm6 =	vgt.f32 v51, v61  }
0x1a7: {  	v51 =	vsel vm6, v51, v61  }
0x1a8: {  	v61 =	vperm.xlane v51, v1;
	_ =	sdelay $0x1  }
0x1a9: {  	v61 =	vmax.f32 v51, v61  }
0x1aa: {  	v63 =	vperm.xlane v61, v2;
	_ =	sdelay $0x1  }
0x1ab: {  	v61 =	vmax.f32 v61, v63  }
0x1ac: {  	v63 =	vperm.xlane v61, v3;
	_ =	sdelay $0x1  }
0x1ad: {  	v61 =	vmax.f32 v61, v63  }
0x1ae: {  	v63 =	vperm.xlane v61, v4;
	_ =	sdelay $0x1  }
0x1af: {  	v61 =	vmax.f32 v61, v63  }
0x1b0: {  	v60 =	vsel vm6, v62, v60;
	vm6 =	veq.f32 v51, v61  }
0x1b1: {  	v51 =	vnsel vm6, $0x40000000, v60  }
0x1b2: {  	v60 =	vperm.xlane v51, v1;
	_ =	sdelay $0x1  }
0x1b3: {  	vm6 =	vlt.s32 v51, v60  }
0x1b4: {  	v51 =	vsel vm6, v51, v60  }
0x1b5: {  	v60 =	vperm.xlane v51, v2;
	_ =	sdelay $0x1  }
0x1b6: {  	vm6 =	vlt.s32 v51, v60  }
0x1b7: {  	v51 =	vsel vm6, v51, v60  }
0x1b8: {  	v60 =	vperm.xlane v51, v3;
	_ =	sdelay $0x1  }
0x1b9: {  	vm6 =	vlt.s32 v51, v60  }
0x1ba: {  	v51 =	vsel vm6, v51, v60  }
0x1bb: {  	v60 =	vperm.xlane v51, v4;
	_ =	sdelay $0x1  }
0x1bc: {  	vm6 =	vlt.s32 v51, v60  }
0x1bd: {  	v51 =	vsel vm6, v51, v60  }
0x1be: {  	(v2sf) =	vpush v51, $0x0;
	_ =	sdelay $0xe  }
0x1bf: {  	s11 =	spop (v2sf)  }
0x1c0: {  	s12 =	sand.u32 $0xF, s11  }
0x1c1: {  	s13 =	sshra.s32 s11, $0x1F;
	p0 =	slt.s32 s11, $0x1;
	p1 =	sne.s32 s12, $0x0  }
0x1c2: {  	s30 =	sshrl.u32 s13, $0x1C;
	p0 =	por !p0, !p1  }
0x1c3: {  	s12 =	simm.s32 $0x1;
	s11 =	sadd.s32 s30, s11;
	p0 =	por !p0, !p0  }
0x1c4: {  	s11 =	sshra.s32 s11, $0x4;
	s12 =	simm.s32 @!p0 $0x0  }
0x1c5: {  	s11 =	ssub.s32 s11, s12  }
0x1c6: {  	s12 =	sshll.u32 s11, $0x4  }
0x1c7: {  	v60 =	vld [tilespmem:s12+$0x2000];
	_ =	sdelay $0x1  }
0x1c8: {  	v61 =	vbroadcast v51, $0x0  }
0x1c9: {  	v62 =	vor.u32 s12, v0  }
0x1ca: {  	s11 =	sshll.u32 s11, $0x6;
	vm10 =	veq.s32 v62, v61  }
0x1cb: {  	s31 =	sand.u32 $0x70, s12;
	s11 =	sand.u32 $0xFFFFFE00, s11;
	v60 =	vsel vm10, $0xFF800000, v60  }
0x1cc: {  	s11 =	sor.u32 s31, s11;
	[tilespmem:s12+$0x2000] =	vst v60  }
0x1cd: {  	v60 =	vld [tilespmem:s11+$0x0];
	_ =	sdelay $0x4  }
0x1ce: {  	v60 =	vnsel vm10, $0x0, v60  }
0x1cf: {  	v61 =	vperm.xlane v60, v1;
	_ =	sdelay $0x1  }
0x1d0: {  	v60 =	vadd.f32 v60, v61;
	_ =	sdelay $0x1  }
0x1d1: {  	v61 =	vperm.xlane v60, v2;
	_ =	sdelay $0x1  }
0x1d2: {  	v60 =	vadd.f32 v60, v61;
	_ =	sdelay $0x1  }
0x1d3: {  	v63 =	vperm.xlane v60, v3  }
0x1d4: {  	v16 =	vadd.f32 v16, v17;
	v62 =	vadd.f32 v25, v26  }
0x1d5: {  	v35 =	vadd.f32 v34, v35;
	vm6 =	vmmov $0x1;
	v60 =	vadd.f32 v60, v63  }
0x1d6: {  	v16 =	vsel vm6, v16, v62;
	v61 =	vadd.f32 v43, v44  }
0x1d7: {  	v62 =	vadd.f32 v52, v53;
	v16 =	vsel vm8, v16, v35;
	v63 =	vperm.xlane v60, v4  }
0x1d8: {  	v35 =	vadd.f32 v58, v59;
	v16 =	vsel vm9, v16, v61  }
0x1d9: {  	v16 =	vsel vm11, v16, v62;
	v17 =	vadd.f32 v60, v63  }
0x1da: {  	v16 =	vsel vm12, v16, v35  }
0x1db: {  	v16 =	vsel vm13, v16, v17  }
0x1dc: {  	v16 =	vnsel vm7, $0xFF800000, v16  }
0x1dd: {  	v43 =	vperm.xlane v16, v1;
	_ =	sdelay $0x1  }
0x1de: {  	v17 =	vmax.f32 v16, v43  }
0x1df: {  	v44 =	vperm.xlane v17, v2  }
0x1e0: {  	v52 =	vld [tilespmem:s11+$0x80]  }
0x1e1: {  	v17 =	vmax.f32 v17, v44  }
0x1e2: {  	v25 =	vperm.xlane v17, v3;
	_ =	sdelay $0x1  }
0x1e3: {  	v17 =	vmax.f32 v17, v25  }
0x1e4: {  	v53 =	vnsel vm10, $0x0, v52;
	v58 =	vperm.xlane v17, v4  }
0x1e5: {  	v59 =	vperm.xlane v53, v1  }
0x1e6: {  	v17 =	vmax.f32 v17, v58  }
0x1e7: {  	v25 =	vadd.f32 v53, v59;
	v16 =	vsub.f32 v16, v17;
	_ =	sdelay $0x1  }
0x1e8: {  	v60 =	vperm.xlane v25, v2;
	v16 =	vmul.f32 $1.442695020e+00, v16;
	_ =	sdelay $0x1  }
0x1e9: {  	v17 =	vadd.f32 v25, v60;
	(erf) = vpow2.f32 v16;
	_ =	sdelay $0x1  }
0x1ea: {  	v61 =	vperm.xlane v17, v3  }
0x1eb: {  	v11 =	vadd.f32 v11, v12;
	v62 =	vadd.f32 v20, v21  }
0x1ec: {  	v63 =	vadd.f32 v29, v30;
	v16 =	vadd.f32 v17, v61  }
0x1ed: {  	v11 =	vsel vm6, v11, v62;
	v25 =	vadd.f32 v38, v39  }
0x1ee: {  	v26 =	vadd.f32 v47, v48;
	v11 =	vsel vm8, v11, v63;
	v29 =	vperm.xlane v16, v4  }
0x1ef: {  	v30 =	vadd.f32 v56, v57;
	v11 =	vsel vm9, v11, v25  }
0x1f0: {  	v11 =	vsel vm11, v11, v26;
	v16 =	vadd.f32 v16, v29  }
0x1f1: {  	v11 =	vsel vm12, v11, v30;
	v34 =	vpop (erf)  }
0x1f2: {  	v16 =	vsel vm13, v11, v16;
	v11 =	vnsel vm7, $0x0, v34  }
0x1f3: {  	v16 =	vnsel vm7, $0xFF800000, v16;
	v12 =	vperm.xlane v11, v1  }
0x1f4: {  	v35 =	vperm.xlane v16, v1  }
0x1f5: {  	v12 =	vadd.f32 v11, v12  }
0x1f6: {  	v17 =	vmax.f32 v16, v35  }
0x1f7: {  	v39 =	vperm.xlane v17, v2;
	v38 =	vperm.xlane v12, v2  }
0x1f8: {  	v43 =	vld [tilespmem:s11+$0x100]  }
0x1f9: {  	v17 =	vmax.f32 v17, v39;
	v12 =	vadd.f32 v12, v38  }
0x1fa: {  	v44 =	vperm.xlane v17, v3  }
0x1fb: {  	v47 =	vperm.xlane v12, v3  }
0x1fc: {  	v17 =	vmax.f32 v17, v44  }
0x1fd: {  	v48 =	vnsel vm10, $0x0, v43;
	v52 =	vperm.xlane v17, v4;
	v12 =	vadd.f32 v12, v47  }
0x1fe: {  	v25 =	vperm.xlane v48, v1  }
0x1ff: {  	v17 =	vmax.f32 v17, v52;
	v53 =	vperm.xlane v12, v4  }
0x200: {  	v20 =	vadd.f32 v48, v25;
	v16 =	vsub.f32 v16, v17  }
0x201: {  	v12 =	vadd.f32 v12, v53  }
0x202: {  	v56 =	vperm.xlane v20, v2;
	v16 =	vmul.f32 $1.442695020e+00, v16  }
0x203: {  	(erf) = vrcp.f32 v12  }
0x204: {  	v57 =	vadd.f32 v20, v56;
	(erf) = vpow2.f32 v16;
	_ =	sdelay $0x1  }
0x205: {  	v58 =	vperm.xlane v57, v3  }
0x206: {  	v9 =	vadd.f32 v9, v10;
	v59 =	vadd.f32 v18, v19  }
0x207: {  	v60 =	vadd.f32 v27, v28;
	v12 =	vadd.f32 v57, v58  }
0x208: {  	v9 =	vsel vm6, v9, v59;
	v61 =	vadd.f32 v36, v37  }
0x209: {  	v62 =	vadd.f32 v45, v46;
	v9 =	vsel vm8, v9, v60;
	v63 =	vperm.xlane v12, v4  }
0x20a: {  	v9 =	vsel vm9, v9, v61;
	v20 =	vadd.f32 v54, v55  }
0x20b: {  	v9 =	vsel vm11, v9, v62;
	v12 =	vadd.f32 v12, v63;
	v16 =	vpop (erf)  }
0x20c: {  	v9 =	vsel vm12, v9, v20;
	v21 =	vpop (erf)  }
0x20d: {  	v9 =	vsel vm13, v9, v12;
	v10 =	vnsel vm7, $0x0, v21  }
0x20e: {  	v9 =	vnsel vm7, $0xFF800000, v9;
	v25 =	vperm.xlane v10, v1  }
0x20f: {  	v26 =	vperm.xlane v9, v1  }
0x210: {  	v12 =	vadd.f32 v10, v25  }
0x211: {  	v17 =	vmax.f32 v9, v26  }
0x212: {  	v28 =	vperm.xlane v17, v2;
	v27 =	vperm.xlane v12, v2  }
0x213: {  	v29 =	vld [tilespmem:s11+$0x180]  }
0x214: {  	v17 =	vmax.f32 v17, v28;
	v12 =	vadd.f32 v12, v27  }
0x215: {  	v30 =	vperm.xlane v17, v3  }
0x216: {  	v34 =	vperm.xlane v12, v3  }
0x217: {  	v17 =	vmax.f32 v17, v30  }
0x218: {  	v35 =	vnsel vm10, $0x0, v29;
	v36 =	vperm.xlane v17, v4;
	v12 =	vadd.f32 v12, v34  }
0x219: {  	v20 =	vperm.xlane v35, v1  }
0x21a: {  	v17 =	vmax.f32 v17, v36;
	v37 =	vperm.xlane v12, v4  }
0x21b: {  	v18 =	vadd.f32 v20, v35;
	v9 =	vsub.f32 v9, v17  }
0x21c: {  	v12 =	vadd.f32 v12, v37  }
0x21d: {  	v38 =	vperm.xlane v18, v2;
	v9 =	vmul.f32 $1.442695020e+00, v9  }
0x21e: {  	(erf) = vrcp.f32 v12  }
0x21f: {  	v39 =	vadd.f32 v38, v18;
	(erf) = vpow2.f32 v9;
	_ =	sdelay $0x1  }
0x220: {  	v43 =	vperm.xlane v39, v3  }
0x221: {  	v6 =	vadd.f32 v8, v6;
	v44 =	vadd.f32 v15, v13  }
0x222: {  	v45 =	vadd.f32 v24, v22;
	v9 =	vadd.f32 v43, v39  }
0x223: {  	v46 =	vadd.f32 v33, v31;
	v6 =	vsel vm6, v6, v44  }
0x224: {  	v6 =	vsel vm8, v6, v45;
	v47 =	vadd.f32 v41, v40;
	v48 =	vperm.xlane v9, v4  }
0x225: {  	v52 =	vadd.f32 v50, v49;
	v6 =	vsel vm9, v6, v46  }
0x226: {  	v6 =	vsel vm11, v6, v47;
	v9 =	vadd.f32 v48, v9;
	v53 =	vpop (erf)  }
0x227: {  	v6 =	vsel vm12, v6, v52;
	v54 =	vpop (erf)  }
0x228: {  	v6 =	vsel vm13, v6, v9;
	v8 =	vnsel vm7, $0x0, v54  }
0x229: {  	v6 =	vnsel vm7, $0xFF800000, v6;
	v55 =	vperm.xlane v8, v1  }
0x22a: {  	v56 =	vperm.xlane v6, v1  }
0x22b: {  	v9 =	vadd.f32 v8, v55  }
0x22c: {  	v13 =	vmax.f32 v6, v56  }
0x22d: {  	v58 =	vperm.xlane v13, v2;
	v57 =	vperm.xlane v9, v2;
	_ =	sdelay $0x1  }
0x22e: {  	v13 =	vmax.f32 v13, v58;
	v9 =	vadd.f32 v9, v57  }
0x22f: {  	v59 =	vperm.xlane v13, v3  }
0x230: {  	v60 =	vperm.xlane v9, v3  }
0x231: {  	v13 =	vmax.f32 v13, v59  }
0x232: {  	v15 =	vperm.xlane v13, v4;
	v9 =	vadd.f32 v9, v60;
	_ =	sdelay $0x1  }
0x233: {  	v13 =	vmax.f32 v13, v15;
	v17 =	vperm.xlane v9, v4  }
0x234: {  	v6 =	vsub.f32 v6, v13  }
0x235: {  	v9 =	vadd.f32 v9, v17  }
0x236: {  	v6 =	vmul.f32 $1.442695020e+00, v6  }
0x237: {  	(erf) = vrcp.f32 v9  }
0x238: {  	(erf) = vpow2.f32 v6;
	_ =	sdelay $0x7  }
0x239: {  	v6 =	vpop (erf)  }
0x23a: {  	v61 =	vpop (erf)  }
0x23b: {  	v9 =	vnsel vm7, $0x0, v61  }
0x23c: {  	v62 =	vperm.xlane v9, v1;
	_ =	sdelay $0x1  }
0x23d: {  	v13 =	vadd.f32 v9, v62;
	_ =	sdelay $0x1  }
0x23e: {  	v63 =	vperm.xlane v13, v2;
	_ =	sdelay $0x1  }
0x23f: {  	v13 =	vadd.f32 v13, v63;
	_ =	sdelay $0x1  }
0x240: {  	v15 =	vperm.xlane v13, v3;
	_ =	sdelay $0x1  }
0x241: {  	v13 =	vadd.f32 v13, v15;
	_ =	sdelay $0x1  }
0x242: {  	v15 =	vperm.xlane v13, v4;
	_ =	sdelay $0x1  }
0x243: {  	v13 =	vadd.f32 v13, v15;
	_ =	sdelay $0x1  }
0x244: {  	(erf) = vrcp.f32 v13  }
0x245: {  	v5 =	vnsel vm6, $0x0, v5  }
0x246: {  	v5 =	vsel vm0, v5, v7  }
0x247: {  	v5 =	vsel vm1, v5, v14  }
0x248: {  	v5 =	vsel vm2, v5, v23  }
0x249: {  	v5 =	vsel vm3, v5, v32;
	v7 =	vmul.f32 v16, v11  }
0x24a: {  	v5 =	vsel vm4, v5, v42  }
0x24b: {  	v5 =	vsel vm5, v5, v51  }
0x24c: {  	[tilespmem:$0x2800] =	vst v5;
	v5 =	vmul.f32 v53, v10  }
0x24d: {  	[tilespmem:$0x2880] =	vst v7;
	v6 =	vmul.f32 v6, v8;
	v7 =	vpop (erf)  }
0x24e: {  	[tilespmem:$0x2900] =	vst v5;
	v5 =	vmul.f32 v7, v9  }
0x24f: {  	[tilespmem:$0x2980] =	vst v6  }
0x250: {  	[tilespmem:$0x2A00] =	vst v5  }
0x251: {  	[hbm4b:s3+s6] =	stream.linear.scatter [tilespmem:s8], [sflag:$0x1], $0x80, $0x38;
	[tilespmem:$0x2A80] =	vst v63  }
0x252: {  	s10 =	sadd.s32 $0x1, s10;
	_ =	swait.ge [sflag:s7], $0x80  }
0x253: {  	p0 =	sne.s32 s10, s5;
	[sflag:s7] =	ssyncset.done $0x0  }
.Ltmp9:
0x254: {  	[sflag:s7] =	ssyncadd.s32 $0xFFFFFF80;
	(pc) =	sbr.rel @p0 .LBB2_2-.Ltmp9, $4  }
0x255: {  	[hbm4b:s4+s6] =	stream.linear.scatter [tilespmem:s9], [sflag:$0x1], $0x200, $0x38;
	[tilespmem:$0x2A80] =	vst v63  }
0x256: {  	_ =	swait.ge [sflag:s7], $0x200  }
0x257: {  	[sflag:s7] =	ssyncset.done $0x0  }
0x258: {  	[sflag:s7] =	ssyncadd.s32 $0xFFFFFE00  }
.LBB2_19:
0x259: {  	_ =	sfence.sel $0x180000  }
0x25a: {  	[bflag:$0x0] =	sbarrier.arrive $0xFFFF  }
0x25b: {  	p0 =	sne.s32 s0, $0x0;
	_ =	strace $0x90000047  }
0x25c: {  	s0 =	sadd.s32 @!p0 $0x100000, s1;
	[bflag:$0x2] =	sbarrier.arrive $0xFFFF  }
0x25d: {  	[sflag:s0] =	ssyncadd.tile.s32 @!p0 $0x1;
	_ =	shalt  }
.Lfunc_end2:
_tile_overlayer_lowered:
.L_overlay_start_2:
0x25e: {  	(tag) =	ssettag $0x2  }
0x25f: {  	s0 =	rddreg [dreg:$0x0];
	s2 =	stileid.u32  }
0x260: {  	s1 =	rddreg [dreg:$0x1];
	p0 =	sne.s32 s2, $0x0  }
0x261: {  	s3 =	rddreg [dreg:$0x2];
	[bflag:$0x3] =	sbarrier.arrive $0xFFFF;
	s2 =	simm.s32 @!p0 $0x1C01  }
0x262: {  	[timem:s3], [sflag:s2] =	dma.local @!p0 [hbm:s0], s1  }
0x263: {  	s0 =	simm.s32 @!p0 $0x1  }
0x264: {  	_ =	swait.ge @!p0 [sflag:s0], s1  }
0x265: {  	s1 =	ssub.s32 @!p0 $0x0, s1;
	[sflag:s0] =	ssyncset.done @!p0 $0x0  }
0x266: {  	[sflag:s0] =	ssyncadd.s32 @!p0 s1  }
0x267: {  	[bflag:$0x3] =	sbarrier.arrive $0xFFFF  }
0x268: {  	_ =	shalt  }

</sc_bundles>
